<compile_context>
chip_gen: v7x
topology: tpu7x:2x2x1
jax: 0.10.2.dev20260603
libtpu: 0.0.44.dev20260713+nightly
codegen_flags: <defaults>
</compile_context>

<pallas_src>
import functools

import jax
import jax.numpy as jnp
from jax import lax
from jax.experimental import pallas as pl
from jax.experimental.pallas import tpu as pltpu
from jax.experimental.pallas import tpu_sc as plsc

_NUM_CORES = 2
_NUM_SUBCORES = 16
_K = 128


def _edge_agg_sc(x, edge_index, zeros):
    N, D = x.shape
    E = edge_index.shape[1]
    NW = _NUM_CORES * _NUM_SUBCORES
    chunks = E // _K
    base_cnt = chunks // NW
    extra = chunks - base_cnt * NW
    slots = base_cnt + (1 if extra else 0)
    unroll = 12
    iters = (slots + 2 + unroll) // unroll
    nr = (N // _NUM_SUBCORES) // 8 * 8
    tail = N - nr * _NUM_SUBCORES
    mesh = plsc.VectorSubcoreMesh(core_axis_name="c", subcore_axis_name="s")

    @functools.partial(
        pl.kernel,
        out_type=jax.ShapeDtypeStruct((_NUM_CORES, N, D), jnp.float32),
        mesh=mesh,
        scratch_types=[
            pltpu.VMEM((4, _K), jnp.int32),
            pltpu.VMEM((4, _K), jnp.int32),
            pltpu.VMEM((_K, D), jnp.float32),
            pltpu.VMEM((_K, D), jnp.float32),
            pltpu.VMEM((_K, D), jnp.float32),
            pltpu.VMEM_SHARED((N, D), jnp.float32),
        ] + [pltpu.SemaphoreType.DMA] * 15,
    )
    def k(x_hbm, ei_hbm, z_hbm, out_hbm,
          srcb, dstb, rows0, rows1, rows2, agg_sh,
          sg0, sg1, sg2, ss0, ss1, ss2,
          sa0, sa1, sa2, sa3, sd0, sd1, sd2, sd3, sz):
        c = lax.axis_index("c")
        s = lax.axis_index("s")
        wid = c * _NUM_SUBCORES + s
        start = wid * base_cnt + jnp.minimum(wid, extra)
        cnt = base_cnt + jnp.where(wid < extra, 1, 0)
        rows = (rows0, rows1, rows2)
        sg = (sg0, sg1, sg2)
        ss = (ss0, ss1, ss2)
        sa = (sa0, sa1, sa2, sa3)
        sd = (sd0, sd1, sd2, sd3)

        def src_copy(slot, r):
            off = (start + slot) * _K
            return pltpu.make_async_copy(
                ei_hbm.at[0, pl.ds(off, _K)], srcb.at[r], sa[r]
            )

        def dst_copy(slot, r):
            off = (start + slot) * _K
            return pltpu.make_async_copy(
                ei_hbm.at[1, pl.ds(off, _K)], dstb.at[r], sd[r]
            )

        def gather_copy(r, par):
            return pltpu.make_async_copy(
                x_hbm.at[srcb.at[r]], rows[par], sg[par]
            )

        def scat_copy(r, par):
            return pltpu.make_async_copy(
                rows[par], agg_sh.at[dstb.at[r]], ss[par]
            )

        zero_cp = pltpu.make_async_copy(
            z_hbm.at[pl.ds(0, nr)], agg_sh.at[pl.ds(s * nr, nr)], sz
        )
        zero_cp.start()
        if tail:
            @pl.when(s == _NUM_SUBCORES - 1)
            def _():
                pltpu.async_copy(
                    z_hbm.at[pl.ds(0, tail)],
                    agg_sh.at[pl.ds(nr * _NUM_SUBCORES, tail)],
                    sz,
                )

        src_copy(0, 0).start()
        src_copy(1, 1).start()
        src_copy(2, 2).start()
        src_copy(3, 3).start()
        dst_copy(0, 0).start()
        dst_copy(1, 1).start()
        src_copy(0, 0).wait()
        gather_copy(0, 0).start()
        src_copy(1, 1).wait()
        gather_copy(1, 1).start()
        zero_cp.wait()
        if tail:
            @pl.when(s == _NUM_SUBCORES - 1)
            def _():
                pltpu.make_async_copy(
                    z_hbm.at[pl.ds(0, tail)],
                    agg_sh.at[pl.ds(nr * _NUM_SUBCORES, tail)],
                    sz,
                ).wait()
        plsc.subcore_barrier()

        @pl.loop(0, iters)
        def _(q):
            for j in range(unroll):
                i = unroll * q + j

                @pl.when(jnp.logical_and(i >= 1, i - 1 < cnt))
                def _():
                    scat_copy((j + 3) % 4, (j + 2) % 3).wait()

                @pl.when(i + 2 < cnt)
                def _():
                    src_copy(i + 2, (j + 2) % 4).wait()
                    gather_copy((j + 2) % 4, (j + 2) % 3).start()

                @pl.when(i < cnt)
                def _():
                    gather_copy(j % 4, j % 3).wait()
                    dst_copy(i, j % 4).wait()
                    scat_copy(j % 4, j % 3).start(add=True)

                @pl.when(i + 4 < cnt)
                def _():
                    src_copy(i + 4, j % 4).start()

                @pl.when(i + 2 < cnt)
                def _():
                    dst_copy(i + 2, (j + 2) % 4).start()

        plsc.subcore_barrier()
        pltpu.sync_copy(
            agg_sh.at[pl.ds(s * nr, nr)], out_hbm.at[c, pl.ds(s * nr, nr)]
        )
        if tail:
            @pl.when(s == _NUM_SUBCORES - 1)
            def _():
                pltpu.sync_copy(
                    agg_sh.at[pl.ds(nr * _NUM_SUBCORES, tail)],
                    out_hbm.at[c, pl.ds(nr * _NUM_SUBCORES, tail)],
                )

    return k(x, edge_index, zeros)


def _x_self(x, W_self, b_row):
    N, D = x.shape

    def body(x_ref, ws_ref, b_ref, o_ref):
        o_ref[...] = (
            jnp.dot(x_ref[...], ws_ref[...], preferred_element_type=jnp.float32)
            + b_ref[...]
        )

    return pl.pallas_call(
        body, out_shape=jax.ShapeDtypeStruct((N, D), jnp.float32)
    )(x, W_self, b_row)


def _post(agg2, x_self, W_msg, att_w_row, batch_row, G):
    N, D = x_self.shape

    def body(agg_ref, xs_ref, wm_ref, aw_ref, bat_ref, out_ref):
        aggm = jnp.dot(
            agg_ref[0] + agg_ref[1], wm_ref[...],
            preferred_element_type=jnp.float32,
        )
        h = jnp.maximum(aggm + xs_ref[...], 0.0)
        logits = lax.dot_general(
            aw_ref[...], h, (((1,), (1,)), ((), ())),
            preferred_element_type=jnp.float32,
        )
        bat = bat_ref[...]
        gid = lax.broadcasted_iota(jnp.int32, (G, N), 0)
        mask = gid == bat
        big_neg = jnp.float32(-1e30)
        seg_max = jnp.max(jnp.where(mask, logits, big_neg), axis=1, keepdims=True)
        maxn = jnp.sum(jnp.where(mask, seg_max, 0.0), axis=0, keepdims=True)
        w = jnp.exp(logits - maxn)
        denom = jnp.sum(jnp.where(mask, w, 0.0), axis=1, keepdims=True)
        denn = jnp.sum(jnp.where(mask, denom, 0.0), axis=0, keepdims=True)
        wn = w / denn
        out_ref[...] = jnp.dot(
            jnp.where(mask, wn, 0.0), h, preferred_element_type=jnp.float32
        )

    return pl.pallas_call(
        body, out_shape=jax.ShapeDtypeStruct((G, D), jnp.float32)
    )(agg2, x_self, W_msg, att_w_row, batch_row)


def kernel(x, edge_index, batch, W_msg, W_self, b, att_w, att_b):
    N, D = x.shape
    G = 64
    zeros = jnp.zeros((640, D), jnp.float32)
    agg2 = _edge_agg_sc(x, edge_index, zeros)
    x_self = _x_self(x, W_self, b.reshape(1, D))
    out = _post(agg2, x_self, W_msg, att_w.reshape(1, D),
                batch.reshape(1, N), G)
    return out

# --- scband reference (transcript-rebuilt; emitter-appended) ---
"""Pipeline reference for scband-global-attention-gnn-64991445123836 (READ-ONLY COPY).

The authoritative reference and input builder live on the scoring server;
editing this copy changes nothing except your own understanding.
"""

import jax, jax.numpy as jnp
import numpy as np

N = 10000
E = 320000
D = 128
G = 64


def setup_inputs(seed: int = 0) -> dict:
    key = jax.random.key(seed)
    ks = jax.random.split(key, 8)
    x = jax.random.normal(ks[0], (N, D), dtype=jnp.float32)
    edge_index = jax.random.randint(ks[1], (2, E), 0, N, dtype=jnp.int32)
    batch = jnp.sort(jax.random.randint(ks[2], (N,), 0, G, dtype=jnp.int32))
    # GNNLayer params: message transform + self transform + bias
    W_msg = jax.random.normal(ks[3], (D, D), dtype=jnp.float32) * (1.0 / np.sqrt(D))
    W_self = jax.random.normal(ks[4], (D, D), dtype=jnp.float32) * (1.0 / np.sqrt(D))
    b = jnp.zeros((D,), dtype=jnp.float32)
    # global attention linear: node_features -> 1
    att_w = jax.random.normal(ks[5], (D, 1), dtype=jnp.float32) * (1.0 / np.sqrt(D))
    att_b = jnp.zeros((1,), dtype=jnp.float32)
    return {"x": x, "edge_index": edge_index, "batch": batch, "W_msg": W_msg,
            "W_self": W_self, "b": b, "att_w": att_w, "att_b": att_b}


def reference(x, edge_index, batch, W_msg, W_self, b, att_w, att_b):
    src = edge_index[0]
    dst = edge_index[1]
    # GNNLayer: transform-then-gather (GCN-style), scatter-add aggregation over dst
    x_t = x @ W_msg
    msgs = jnp.take(x_t, src, axis=0)
    agg = jax.ops.segment_sum(msgs, dst, num_segments=N)
    h = jax.nn.relu(agg + x @ W_self + b)
    # global attention weights per node
    logits = (h @ att_w + att_b).squeeze(-1)
    # scatter_softmax over graph segments (batch)
    seg_max = jax.ops.segment_max(logits, batch, num_segments=G)
    w = jnp.exp(logits - seg_max[batch])
    denom = jax.ops.segment_sum(w, batch, num_segments=G)
    w = w / denom[batch]
    # scatter_add pooled readout: [G, D]
    out = jax.ops.segment_sum(w[:, None] * h, batch, num_segments=G)
    return out

if __name__ == "__main__":
    import jax
    _d = setup_inputs()
    print(jax.jit(kernel)(*tuple(_d.values())))

</pallas_src>

<mosaic_0001>
#map = affine_map<(d0, d1) -> (0, 0)>
#map1 = affine_map<(d0, d1) -> (0, 0, 0)>
module attributes {stable_mosaic.version = 14 : i64} {
  func.func @k(%arg0: i32, %arg1: i32, %arg2: memref<10000x128xf32, #tpu.memory_space<hbm>>, %arg3: memref<2x320000xi32, #tpu.memory_space<hbm>>, %arg4: memref<640x128xf32, #tpu.memory_space<hbm>>, %arg5: memref<2x10000x128xf32, #tpu.memory_space<hbm>>, %arg6: memref<4x128xi32, #tpu.memory_space<vmem>>, %arg7: memref<4x128xi32, #tpu.memory_space<vmem>>, %arg8: memref<128x128xf32, #tpu.memory_space<vmem>>, %arg9: memref<128x128xf32, #tpu.memory_space<vmem>>, %arg10: memref<128x128xf32, #tpu.memory_space<vmem>>, %arg11: memref<10000x128xf32, #tpu.memory_space<vmem_shared>>, %arg12: memref<!tpu.dma_semaphore, #tpu.memory_space<semaphore_mem>>, %arg13: memref<!tpu.dma_semaphore, #tpu.memory_space<semaphore_mem>>, %arg14: memref<!tpu.dma_semaphore, #tpu.memory_space<semaphore_mem>>, %arg15: memref<!tpu.dma_semaphore, #tpu.memory_space<semaphore_mem>>, %arg16: memref<!tpu.dma_semaphore, #tpu.memory_space<semaphore_mem>>, %arg17: memref<!tpu.dma_semaphore, #tpu.memory_space<semaphore_mem>>, %arg18: memref<!tpu.dma_semaphore, #tpu.memory_space<semaphore_mem>>, %arg19: memref<!tpu.dma_semaphore, #tpu.memory_space<semaphore_mem>>, %arg20: memref<!tpu.dma_semaphore, #tpu.memory_space<semaphore_mem>>, %arg21: memref<!tpu.dma_semaphore, #tpu.memory_space<semaphore_mem>>, %arg22: memref<!tpu.dma_semaphore, #tpu.memory_space<semaphore_mem>>, %arg23: memref<!tpu.dma_semaphore, #tpu.memory_space<semaphore_mem>>, %arg24: memref<!tpu.dma_semaphore, #tpu.memory_space<semaphore_mem>>, %arg25: memref<!tpu.dma_semaphore, #tpu.memory_space<semaphore_mem>>, %arg26: memref<!tpu.dma_semaphore, #tpu.memory_space<semaphore_mem>>) attributes {dimension_semantics = [#tpu.dimension_semantics<core_parallel>, #tpu.dimension_semantics<subcore_parallel>], iteration_bounds = array<i64: 2, 16>, scalar_prefetch = 0 : i64, scratch_operands = 21 : i64, tpu.core_type = #tpu.core_type<sc_vector_subcore>, window_params = [{transform_indices = #map}, {transform_indices = #map}, {transform_indices = #map}, {transform_indices = #map1}]} {
    %mul3A = arith.constant 16 : i32
    %mul3A_0 = arith.muli %arg0, %mul3A : i32
    %add3A = arith.addi %mul3A_0, %arg1 : i32
    %mul3A_1 = arith.constant 78 : i32
    %mul3A_2 = arith.muli %add3A, %mul3A_1 : i32
    %min3A = arith.constant 4 : i32
    %min3A_3 = arith.minsi %add3A, %min3A : i32
    %add3A_4 = arith.addi %mul3A_2, %min3A_3 : i32
    %lt3A = arith.constant 4 : i32
    %lt3A_5 = arith.cmpi slt, %add3A, %lt3A : i32
    %jit3A = arith.constant 1 : i32
    %jit3A_6 = arith.constant 0 : i32
    %select_n3A = arith.select %lt3A_5, %jit3A, %jit3A_6 : i32
    %add3A_7 = arith.constant 78 : i32
    %add3A_8 = arith.addi %add3A_7, %select_n3A : i32
    %mul3A_9 = arith.constant 624 : i32
    %mul3A_10 = arith.muli %arg1, %mul3A_9 : i32
    %dma_start3A = arith.constant 0 : i32
    %dma_start3A_11 = tpu.memref_slice %arg11[%mul3A_10, %dma_start3A] : memref<10000x128xf32, #tpu.memory_space<vmem_shared>> -> memref<624x128xf32, #tpu.memory_space<vmem_shared>>
    %dma_start3A_12 = arith.constant 0 : i32
    %dma_start3A_13 = arith.constant 0 : i32
    %dma_start3A_14 = tpu.memref_slice %arg4[%dma_start3A_12, %dma_start3A_13] : memref<640x128xf32, #tpu.memory_space<hbm>> -> memref<624x128xf32, #tpu.memory_space<hbm>>
    tpu.enqueue_dma source(%dma_start3A_14 : memref<624x128xf32, #tpu.memory_space<hbm>>) target(%dma_start3A_11 : memref<624x128xf32, #tpu.memory_space<vmem_shared>>) target_semaphore(%arg26 : memref<!tpu.dma_semaphore, #tpu.memory_space<semaphore_mem>>)
    %eq3A = arith.constant 15 : i32
    %eq3A_15 = arith.cmpi eq, %arg1, %eq3A : i32
    %convert_element_type3A = arith.extui %eq3A_15 : i1 to i32
    %cond3A = arith.constant 0 : i32
    %cond3A_16 = arith.cmpi ne, %convert_element_type3A, %cond3A : i32
    scf.if %cond3A_16 {
      %dma_start3A_182 = arith.constant 9984 : i32
      %dma_start3A_183 = arith.constant 0 : i32
      %dma_start3A_184 = tpu.memref_slice %arg11[%dma_start3A_182, %dma_start3A_183] : memref<10000x128xf32, #tpu.memory_space<vmem_shared>> -> memref<16x128xf32, #tpu.memory_space<vmem_shared>>
      %dma_start3A_185 = arith.constant 0 : i32
      %dma_start3A_186 = arith.constant 0 : i32
      %dma_start3A_187 = tpu.memref_slice %arg4[%dma_start3A_185, %dma_start3A_186] : memref<640x128xf32, #tpu.memory_space<hbm>> -> memref<16x128xf32, #tpu.memory_space<hbm>>
      tpu.enqueue_dma source(%dma_start3A_187 : memref<16x128xf32, #tpu.memory_space<hbm>>) target(%dma_start3A_184 : memref<16x128xf32, #tpu.memory_space<vmem_shared>>) target_semaphore(%arg26 : memref<!tpu.dma_semaphore, #tpu.memory_space<semaphore_mem>>)
    } else {
    }
    %add3A_17 = arith.constant 0 : i32
    %add3A_18 = arith.addi %add3A_4, %add3A_17 : i32
    %mul3A_19 = arith.constant 128 : i32
    %mul3A_20 = arith.muli %add3A_18, %mul3A_19 : i32
    %dma_start3A_21 = arith.constant 0 : i32
    %dma_start3A_22 = arith.constant 0 : i32
    %dma_start3A_23 = arith.constant 0 : i32
    %dma_start3A_24 = tpu.memref_slice %arg6[%dma_start3A_22, %dma_start3A_23] : memref<4x128xi32, #tpu.memory_space<vmem>> -> memref<1x128xi32, #tpu.memory_space<vmem>>
    %dma_start3A_25 = tpu.memref_squeeze %dma_start3A_24 : memref<1x128xi32, #tpu.memory_space<vmem>> -> memref<128xi32, #tpu.memory_space<vmem>>
    %dma_start3A_26 = tpu.memref_slice %arg3[%dma_start3A_21, %mul3A_20] : memref<2x320000xi32, #tpu.memory_space<hbm>> -> memref<1x128xi32, #tpu.memory_space<hbm>>
    %dma_start3A_27 = tpu.memref_squeeze %dma_start3A_26 : memref<1x128xi32, #tpu.memory_space<hbm>> -> memref<128xi32, #tpu.memory_space<hbm>>
    %dma_start3A_28 = arith.constant 0 : i32
    %dma_start3A_29 = tpu.memref_slice %arg6[%dma_start3A_22, %dma_start3A_28] : memref<4x128xi32, #tpu.memory_space<vmem>> -> memref<1x128xi32, #tpu.memory_space<vmem>>
    %dma_start3A_30 = tpu.memref_squeeze %dma_start3A_29 : memref<1x128xi32, #tpu.memory_space<vmem>> -> memref<128xi32, #tpu.memory_space<vmem>>
    %dma_start3A_31 = tpu.memref_slice %arg3[%dma_start3A_21, %mul3A_20] : memref<2x320000xi32, #tpu.memory_space<hbm>> -> memref<1x128xi32, #tpu.memory_space<hbm>>
    %dma_start3A_32 = tpu.memref_squeeze %dma_start3A_31 : memref<1x128xi32, #tpu.memory_space<hbm>> -> memref<128xi32, #tpu.memory_space<hbm>>
    tpu.enqueue_dma source(%dma_start3A_32 : memref<128xi32, #tpu.memory_space<hbm>>) target(%dma_start3A_30 : memref<128xi32, #tpu.memory_space<vmem>>) target_semaphore(%arg18 : memref<!tpu.dma_semaphore, #tpu.memory_space<semaphore_mem>>)
    %add3A_33 = arith.constant 1 : i32
    %add3A_34 = arith.addi %add3A_4, %add3A_33 : i32
    %mul3A_35 = arith.constant 128 : i32
    %mul3A_36 = arith.muli %add3A_34, %mul3A_35 : i32
    %dma_start3A_37 = arith.constant 0 : i32
    %dma_start3A_38 = arith.constant 1 : i32
    %dma_start3A_39 = arith.constant 0 : i32
    %dma_start3A_40 = tpu.memref_slice %arg6[%dma_start3A_38, %dma_start3A_39] : memref<4x128xi32, #tpu.memory_space<vmem>> -> memref<1x128xi32, #tpu.memory_space<vmem>>
    %dma_start3A_41 = tpu.memref_squeeze %dma_start3A_40 : memref<1x128xi32, #tpu.memory_space<vmem>> -> memref<128xi32, #tpu.memory_space<vmem>>
    %dma_start3A_42 = tpu.memref_slice %arg3[%dma_start3A_37, %mul3A_36] : memref<2x320000xi32, #tpu.memory_space<hbm>> -> memref<1x128xi32, #tpu.memory_space<hbm>>
    %dma_start3A_43 = tpu.memref_squeeze %dma_start3A_42 : memref<1x128xi32, #tpu.memory_space<hbm>> -> memref<128xi32, #tpu.memory_space<hbm>>
    %dma_start3A_44 = arith.constant 0 : i32
    %dma_start3A_45 = tpu.memref_slice %arg6[%dma_start3A_38, %dma_start3A_44] : memref<4x128xi32, #tpu.memory_space<vmem>> -> memref<1x128xi32, #tpu.memory_space<vmem>>
    %dma_start3A_46 = tpu.memref_squeeze %dma_start3A_45 : memref<1x128xi32, #tpu.memory_space<vmem>> -> memref<128xi32, #tpu.memory_space<vmem>>
    %dma_start3A_47 = tpu.memref_slice %arg3[%dma_start3A_37, %mul3A_36] : memref<2x320000xi32, #tpu.memory_space<hbm>> -> memref<1x128xi32, #tpu.memory_space<hbm>>
    %dma_start3A_48 = tpu.memref_squeeze %dma_start3A_47 : memref<1x128xi32, #tpu.memory_space<hbm>> -> memref<128xi32, #tpu.memory_space<hbm>>
    tpu.enqueue_dma source(%dma_start3A_48 : memref<128xi32, #tpu.memory_space<hbm>>) target(%dma_start3A_46 : memref<128xi32, #tpu.memory_space<vmem>>) target_semaphore(%arg19 : memref<!tpu.dma_semaphore, #tpu.memory_space<semaphore_mem>>)
    %add3A_49 = arith.constant 2 : i32
    %add3A_50 = arith.addi %add3A_4, %add3A_49 : i32
    %mul3A_51 = arith.constant 128 : i32
    %mul3A_52 = arith.muli %add3A_50, %mul3A_51 : i32
    %dma_start3A_53 = arith.constant 0 : i32
    %dma_start3A_54 = arith.constant 2 : i32
    %dma_start3A_55 = arith.constant 0 : i32
    %dma_start3A_56 = tpu.memref_slice %arg6[%dma_start3A_54, %dma_start3A_55] : memref<4x128xi32, #tpu.memory_space<vmem>> -> memref<1x128xi32, #tpu.memory_space<vmem>>
    %dma_start3A_57 = tpu.memref_squeeze %dma_start3A_56 : memref<1x128xi32, #tpu.memory_space<vmem>> -> memref<128xi32, #tpu.memory_space<vmem>>
    %dma_start3A_58 = tpu.memref_slice %arg3[%dma_start3A_53, %mul3A_52] : memref<2x320000xi32, #tpu.memory_space<hbm>> -> memref<1x128xi32, #tpu.memory_space<hbm>>
    %dma_start3A_59 = tpu.memref_squeeze %dma_start3A_58 : memref<1x128xi32, #tpu.memory_space<hbm>> -> memref<128xi32, #tpu.memory_space<hbm>>
    %dma_start3A_60 = arith.constant 0 : i32
    %dma_start3A_61 = tpu.memref_slice %arg6[%dma_start3A_54, %dma_start3A_60] : memref<4x128xi32, #tpu.memory_space<vmem>> -> memref<1x128xi32, #tpu.memory_space<vmem>>
    %dma_start3A_62 = tpu.memref_squeeze %dma_start3A_61 : memref<1x128xi32, #tpu.memory_space<vmem>> -> memref<128xi32, #tpu.memory_space<vmem>>
    %dma_start3A_63 = tpu.memref_slice %arg3[%dma_start3A_53, %mul3A_52] : memref<2x320000xi32, #tpu.memory_space<hbm>> -> memref<1x128xi32, #tpu.memory_space<hbm>>
    %dma_start3A_64 = tpu.memref_squeeze %dma_start3A_63 : memref<1x128xi32, #tpu.memory_space<hbm>> -> memref<128xi32, #tpu.memory_space<hbm>>
    tpu.enqueue_dma source(%dma_start3A_64 : memref<128xi32, #tpu.memory_space<hbm>>) target(%dma_start3A_62 : memref<128xi32, #tpu.memory_space<vmem>>) target_semaphore(%arg20 : memref<!tpu.dma_semaphore, #tpu.memory_space<semaphore_mem>>)
    %add3A_65 = arith.constant 3 : i32
    %add3A_66 = arith.addi %add3A_4, %add3A_65 : i32
    %mul3A_67 = arith.constant 128 : i32
    %mul3A_68 = arith.muli %add3A_66, %mul3A_67 : i32
    %dma_start3A_69 = arith.constant 0 : i32
    %dma_start3A_70 = arith.constant 3 : i32
    %dma_start3A_71 = arith.constant 0 : i32
    %dma_start3A_72 = tpu.memref_slice %arg6[%dma_start3A_70, %dma_start3A_71] : memref<4x128xi32, #tpu.memory_space<vmem>> -> memref<1x128xi32, #tpu.memory_space<vmem>>
    %dma_start3A_73 = tpu.memref_squeeze %dma_start3A_72 : memref<1x128xi32, #tpu.memory_space<vmem>> -> memref<128xi32, #tpu.memory_space<vmem>>
    %dma_start3A_74 = tpu.memref_slice %arg3[%dma_start3A_69, %mul3A_68] : memref<2x320000xi32, #tpu.memory_space<hbm>> -> memref<1x128xi32, #tpu.memory_space<hbm>>
    %dma_start3A_75 = tpu.memref_squeeze %dma_start3A_74 : memref<1x128xi32, #tpu.memory_space<hbm>> -> memref<128xi32, #tpu.memory_space<hbm>>
    %dma_start3A_76 = arith.constant 0 : i32
    %dma_start3A_77 = tpu.memref_slice %arg6[%dma_start3A_70, %dma_start3A_76] : memref<4x128xi32, #tpu.memory_space<vmem>> -> memref<1x128xi32, #tpu.memory_space<vmem>>
    %dma_start3A_78 = tpu.memref_squeeze %dma_start3A_77 : memref<1x128xi32, #tpu.memory_space<vmem>> -> memref<128xi32, #tpu.memory_space<vmem>>
    %dma_start3A_79 = tpu.memref_slice %arg3[%dma_start3A_69, %mul3A_68] : memref<2x320000xi32, #tpu.memory_space<hbm>> -> memref<1x128xi32, #tpu.memory_space<hbm>>
    %dma_start3A_80 = tpu.memref_squeeze %dma_start3A_79 : memref<1x128xi32, #tpu.memory_space<hbm>> -> memref<128xi32, #tpu.memory_space<hbm>>
    tpu.enqueue_dma source(%dma_start3A_80 : memref<128xi32, #tpu.memory_space<hbm>>) target(%dma_start3A_78 : memref<128xi32, #tpu.memory_space<vmem>>) target_semaphore(%arg21 : memref<!tpu.dma_semaphore, #tpu.memory_space<semaphore_mem>>)
    %add3A_81 = arith.constant 0 : i32
    %add3A_82 = arith.addi %add3A_4, %add3A_81 : i32
    %mul3A_83 = arith.constant 128 : i32
    %mul3A_84 = arith.muli %add3A_82, %mul3A_83 : i32
    %dma_start3A_85 = arith.constant 1 : i32
    %dma_start3A_86 = arith.constant 0 : i32
    %dma_start3A_87 = arith.constant 0 : i32
    %dma_start3A_88 = tpu.memref_slice %arg7[%dma_start3A_86, %dma_start3A_87] : memref<4x128xi32, #tpu.memory_space<vmem>> -> memref<1x128xi32, #tpu.memory_space<vmem>>
    %dma_start3A_89 = tpu.memref_squeeze %dma_start3A_88 : memref<1x128xi32, #tpu.memory_space<vmem>> -> memref<128xi32, #tpu.memory_space<vmem>>
    %dma_start3A_90 = tpu.memref_slice %arg3[%dma_start3A_85, %mul3A_84] : memref<2x320000xi32, #tpu.memory_space<hbm>> -> memref<1x128xi32, #tpu.memory_space<hbm>>
    %dma_start3A_91 = tpu.memref_squeeze %dma_start3A_90 : memref<1x128xi32, #tpu.memory_space<hbm>> -> memref<128xi32, #tpu.memory_space<hbm>>
    %dma_start3A_92 = arith.constant 0 : i32
    %dma_start3A_93 = tpu.memref_slice %arg7[%dma_start3A_86, %dma_start3A_92] : memref<4x128xi32, #tpu.memory_space<vmem>> -> memref<1x128xi32, #tpu.memory_space<vmem>>
    %dma_start3A_94 = tpu.memref_squeeze %dma_start3A_93 : memref<1x128xi32, #tpu.memory_space<vmem>> -> memref<128xi32, #tpu.memory_space<vmem>>
    %dma_start3A_95 = tpu.memref_slice %arg3[%dma_start3A_85, %mul3A_84] : memref<2x320000xi32, #tpu.memory_space<hbm>> -> memref<1x128xi32, #tpu.memory_space<hbm>>
    %dma_start3A_96 = tpu.memref_squeeze %dma_start3A_95 : memref<1x128xi32, #tpu.memory_space<hbm>> -> memref<128xi32, #tpu.memory_space<hbm>>
    tpu.enqueue_dma source(%dma_start3A_96 : memref<128xi32, #tpu.memory_space<hbm>>) target(%dma_start3A_94 : memref<128xi32, #tpu.memory_space<vmem>>) target_semaphore(%arg22 : memref<!tpu.dma_semaphore, #tpu.memory_space<semaphore_mem>>)
    %add3A_97 = arith.constant 1 : i32
    %add3A_98 = arith.addi %add3A_4, %add3A_97 : i32
    %mul3A_99 = arith.constant 128 : i32
    %mul3A_100 = arith.muli %add3A_98, %mul3A_99 : i32
    %dma_start3A_101 = arith.constant 1 : i32
    %dma_start3A_102 = arith.constant 1 : i32
    %dma_start3A_103 = arith.constant 0 : i32
    %dma_start3A_104 = tpu.memref_slice %arg7[%dma_start3A_102, %dma_start3A_103] : memref<4x128xi32, #tpu.memory_space<vmem>> -> memref<1x128xi32, #tpu.memory_space<vmem>>
    %dma_start3A_105 = tpu.memref_squeeze %dma_start3A_104 : memref<1x128xi32, #tpu.memory_space<vmem>> -> memref<128xi32, #tpu.memory_space<vmem>>
    %dma_start3A_106 = tpu.memref_slice %arg3[%dma_start3A_101, %mul3A_100] : memref<2x320000xi32, #tpu.memory_space<hbm>> -> memref<1x128xi32, #tpu.memory_space<hbm>>
    %dma_start3A_107 = tpu.memref_squeeze %dma_start3A_106 : memref<1x128xi32, #tpu.memory_space<hbm>> -> memref<128xi32, #tpu.memory_space<hbm>>
    %dma_start3A_108 = arith.constant 0 : i32
    %dma_start3A_109 = tpu.memref_slice %arg7[%dma_start3A_102, %dma_start3A_108] : memref<4x128xi32, #tpu.memory_space<vmem>> -> memref<1x128xi32, #tpu.memory_space<vmem>>
    %dma_start3A_110 = tpu.memref_squeeze %dma_start3A_109 : memref<1x128xi32, #tpu.memory_space<vmem>> -> memref<128xi32, #tpu.memory_space<vmem>>
    %dma_start3A_111 = tpu.memref_slice %arg3[%dma_start3A_101, %mul3A_100] : memref<2x320000xi32, #tpu.memory_space<hbm>> -> memref<1x128xi32, #tpu.memory_space<hbm>>
    %dma_start3A_112 = tpu.memref_squeeze %dma_start3A_111 : memref<1x128xi32, #tpu.memory_space<hbm>> -> memref<128xi32, #tpu.memory_space<hbm>>
    tpu.enqueue_dma source(%dma_start3A_112 : memref<128xi32, #tpu.memory_space<hbm>>) target(%dma_start3A_110 : memref<128xi32, #tpu.memory_space<vmem>>) target_semaphore(%arg23 : memref<!tpu.dma_semaphore, #tpu.memory_space<semaphore_mem>>)
    %add3A_113 = arith.constant 0 : i32
    %add3A_114 = arith.addi %add3A_4, %add3A_113 : i32
    %mul3A_115 = arith.constant 128 : i32
    %mul3A_116 = arith.muli %add3A_114, %mul3A_115 : i32
    %dma_wait3A = arith.constant 0 : i32
    %dma_wait3A_117 = arith.constant 0 : i32
    %dma_wait3A_118 = arith.constant 0 : i32
    %dma_wait3A_119 = tpu.memref_slice %arg6[%dma_wait3A_117, %dma_wait3A_118] : memref<4x128xi32, #tpu.memory_space<vmem>> -> memref<1x128xi32, #tpu.memory_space<vmem>>
    %dma_wait3A_120 = tpu.memref_squeeze %dma_wait3A_119 : memref<1x128xi32, #tpu.memory_space<vmem>> -> memref<128xi32, #tpu.memory_space<vmem>>
    %dma_wait3A_121 = tpu.memref_slice %arg3[%dma_wait3A, %mul3A_116] : memref<2x320000xi32, #tpu.memory_space<hbm>> -> memref<1x128xi32, #tpu.memory_space<hbm>>
    %dma_wait3A_122 = tpu.memref_squeeze %dma_wait3A_121 : memref<1x128xi32, #tpu.memory_space<hbm>> -> memref<128xi32, #tpu.memory_space<hbm>>
    %dma_wait3A_123 = arith.constant 0 : i32
    %dma_wait3A_124 = tpu.memref_slice %arg6[%dma_wait3A_117, %dma_wait3A_123] : memref<4x128xi32, #tpu.memory_space<vmem>> -> memref<1x128xi32, #tpu.memory_space<vmem>>
    %dma_wait3A_125 = tpu.memref_squeeze %dma_wait3A_124 : memref<1x128xi32, #tpu.memory_space<vmem>> -> memref<128xi32, #tpu.memory_space<vmem>>
    %dma_wait3A_126 = tpu.memref_slice %arg3[%dma_wait3A, %mul3A_116] : memref<2x320000xi32, #tpu.memory_space<hbm>> -> memref<1x128xi32, #tpu.memory_space<hbm>>
    %dma_wait3A_127 = tpu.memref_squeeze %dma_wait3A_126 : memref<1x128xi32, #tpu.memory_space<hbm>> -> memref<128xi32, #tpu.memory_space<hbm>>
    tpu.wait_dma2 semaphore(%arg18 : memref<!tpu.dma_semaphore, #tpu.memory_space<semaphore_mem>>) src(%dma_wait3A_127 : memref<128xi32, #tpu.memory_space<hbm>>) dst(%dma_wait3A_125 : memref<128xi32, #tpu.memory_space<vmem>>)
    %dma_start3A_128 = arith.constant 0 : i32
    %dma_start3A_129 = arith.constant 0 : i32
    %dma_start3A_130 = tpu.memref_slice %arg6[%dma_start3A_128, %dma_start3A_129] : memref<4x128xi32, #tpu.memory_space<vmem>> -> memref<1x128xi32, #tpu.memory_space<vmem>>
    %dma_start3A_131 = tpu.memref_squeeze %dma_start3A_130 : memref<1x128xi32, #tpu.memory_space<vmem>> -> memref<128xi32, #tpu.memory_space<vmem>>
    %dma_start3A_132 = arith.constant 0 : i32
    %dma_start3A_133 = arith.constant 0 : i32
    %dma_start3A_134 = tpu.memref_slice %arg2[%dma_start3A_132, %dma_start3A_133] : memref<10000x128xf32, #tpu.memory_space<hbm>> -> memref<10000x128xf32, #tpu.memory_space<hbm>>
    tpu.enqueue_indirect_dma source(%dma_start3A_134 : memref<10000x128xf32, #tpu.memory_space<hbm>>) target(%arg8 : memref<128x128xf32, #tpu.memory_space<vmem>>) offsets(%dma_start3A_131 : memref<128xi32, #tpu.memory_space<vmem>>) semaphore(%arg12 : memref<!tpu.dma_semaphore, #tpu.memory_space<semaphore_mem>>)
    %add3A_135 = arith.constant 1 : i32
    %add3A_136 = arith.addi %add3A_4, %add3A_135 : i32
    %mul3A_137 = arith.constant 128 : i32
    %mul3A_138 = arith.muli %add3A_136, %mul3A_137 : i32
    %dma_wait3A_139 = arith.constant 0 : i32
    %dma_wait3A_140 = arith.constant 1 : i32
    %dma_wait3A_141 = arith.constant 0 : i32
    %dma_wait3A_142 = tpu.memref_slice %arg6[%dma_wait3A_140, %dma_wait3A_141] : memref<4x128xi32, #tpu.memory_space<vmem>> -> memref<1x128xi32, #tpu.memory_space<vmem>>
    %dma_wait3A_143 = tpu.memref_squeeze %dma_wait3A_142 : memref<1x128xi32, #tpu.memory_space<vmem>> -> memref<128xi32, #tpu.memory_space<vmem>>
    %dma_wait3A_144 = tpu.memref_slice %arg3[%dma_wait3A_139, %mul3A_138] : memref<2x320000xi32, #tpu.memory_space<hbm>> -> memref<1x128xi32, #tpu.memory_space<hbm>>
    %dma_wait3A_145 = tpu.memref_squeeze %dma_wait3A_144 : memref<1x128xi32, #tpu.memory_space<hbm>> -> memref<128xi32, #tpu.memory_space<hbm>>
    %dma_wait3A_146 = arith.constant 0 : i32
    %dma_wait3A_147 = tpu.memref_slice %arg6[%dma_wait3A_140, %dma_wait3A_146] : memref<4x128xi32, #tpu.memory_space<vmem>> -> memref<1x128xi32, #tpu.memory_space<vmem>>
    %dma_wait3A_148 = tpu.memref_squeeze %dma_wait3A_147 : memref<1x128xi32, #tpu.memory_space<vmem>> -> memref<128xi32, #tpu.memory_space<vmem>>
    %dma_wait3A_149 = tpu.memref_slice %arg3[%dma_wait3A_139, %mul3A_138] : memref<2x320000xi32, #tpu.memory_space<hbm>> -> memref<1x128xi32, #tpu.memory_space<hbm>>
    %dma_wait3A_150 = tpu.memref_squeeze %dma_wait3A_149 : memref<1x128xi32, #tpu.memory_space<hbm>> -> memref<128xi32, #tpu.memory_space<hbm>>
    tpu.wait_dma2 semaphore(%arg19 : memref<!tpu.dma_semaphore, #tpu.memory_space<semaphore_mem>>) src(%dma_wait3A_150 : memref<128xi32, #tpu.memory_space<hbm>>) dst(%dma_wait3A_148 : memref<128xi32, #tpu.memory_space<vmem>>)
    %dma_start3A_151 = arith.constant 1 : i32
    %dma_start3A_152 = arith.constant 0 : i32
    %dma_start3A_153 = tpu.memref_slice %arg6[%dma_start3A_151, %dma_start3A_152] : memref<4x128xi32, #tpu.memory_space<vmem>> -> memref<1x128xi32, #tpu.memory_space<vmem>>
    %dma_start3A_154 = tpu.memref_squeeze %dma_start3A_153 : memref<1x128xi32, #tpu.memory_space<vmem>> -> memref<128xi32, #tpu.memory_space<vmem>>
    %dma_start3A_155 = arith.constant 0 : i32
    %dma_start3A_156 = arith.constant 0 : i32
    %dma_start3A_157 = tpu.memref_slice %arg2[%dma_start3A_155, %dma_start3A_156] : memref<10000x128xf32, #tpu.memory_space<hbm>> -> memref<10000x128xf32, #tpu.memory_space<hbm>>
    tpu.enqueue_indirect_dma source(%dma_start3A_157 : memref<10000x128xf32, #tpu.memory_space<hbm>>) target(%arg9 : memref<128x128xf32, #tpu.memory_space<vmem>>) offsets(%dma_start3A_154 : memref<128xi32, #tpu.memory_space<vmem>>) semaphore(%arg13 : memref<!tpu.dma_semaphore, #tpu.memory_space<semaphore_mem>>)
    %dma_wait3A_158 = arith.constant 0 : i32
    %dma_wait3A_159 = tpu.memref_slice %arg11[%mul3A_10, %dma_wait3A_158] : memref<10000x128xf32, #tpu.memory_space<vmem_shared>> -> memref<624x128xf32, #tpu.memory_space<vmem_shared>>
    %dma_wait3A_160 = arith.constant 0 : i32
    %dma_wait3A_161 = arith.constant 0 : i32
    %dma_wait3A_162 = tpu.memref_slice %arg4[%dma_wait3A_160, %dma_wait3A_161] : memref<640x128xf32, #tpu.memory_space<hbm>> -> memref<624x128xf32, #tpu.memory_space<hbm>>
    tpu.wait_dma2 semaphore(%arg26 : memref<!tpu.dma_semaphore, #tpu.memory_space<semaphore_mem>>) src(%dma_wait3A_162 : memref<624x128xf32, #tpu.memory_space<hbm>>) dst(%dma_wait3A_159 : memref<624x128xf32, #tpu.memory_space<vmem_shared>>)
    %eq3A_163 = arith.constant 15 : i32
    %eq3A_164 = arith.cmpi eq, %arg1, %eq3A_163 : i32
    %convert_element_type3A_165 = arith.extui %eq3A_164 : i1 to i32
    %cond3A_166 = arith.constant 0 : i32
    %cond3A_167 = arith.cmpi ne, %convert_element_type3A_165, %cond3A_166 : i32
    scf.if %cond3A_167 {
      %dma_wait3A_182 = arith.constant 9984 : i32
      %dma_wait3A_183 = arith.constant 0 : i32
      %dma_wait3A_184 = tpu.memref_slice %arg11[%dma_wait3A_182, %dma_wait3A_183] : memref<10000x128xf32, #tpu.memory_space<vmem_shared>> -> memref<16x128xf32, #tpu.memory_space<vmem_shared>>
      %dma_wait3A_185 = arith.constant 0 : i32
      %dma_wait3A_186 = arith.constant 0 : i32
      %dma_wait3A_187 = tpu.memref_slice %arg4[%dma_wait3A_185, %dma_wait3A_186] : memref<640x128xf32, #tpu.memory_space<hbm>> -> memref<16x128xf32, #tpu.memory_space<hbm>>
      tpu.wait_dma2 semaphore(%arg26 : memref<!tpu.dma_semaphore, #tpu.memory_space<semaphore_mem>>) src(%dma_wait3A_187 : memref<16x128xf32, #tpu.memory_space<hbm>>) dst(%dma_wait3A_184 : memref<16x128xf32, #tpu.memory_space<vmem_shared>>)
    } else {
    }
    %barrier3A = arith.constant 0 : index
    tpu.barrier barrier_id(%barrier3A)
    %scan3A = arith.constant 0 : i32
    %scan3A_168 = arith.constant 7 : i32
    %scan3A_169 = arith.addi %scan3A, %scan3A_168 : i32
    %scan3A_170 = arith.constant 1 : i32
    scf.for %scan3A_182 = %scan3A to %scan3A_169 step %scan3A_170  : i32 {
      %mul3A_183 = arith.constant 1 : i32
      %mul3A_184 = arith.muli %scan3A_182, %mul3A_183 : i32
      %add3A_185 = arith.constant 0 : i32
      %add3A_186 = arith.addi %add3A_185, %mul3A_184 : i32
      %mul3A_187 = arith.constant 12 : i32
      %mul3A_188 = arith.muli %mul3A_187, %add3A_186 : i32
      %add3A_189 = arith.constant 0 : i32
      %add3A_190 = arith.addi %mul3A_188, %add3A_189 : i32
      %ge3A = arith.constant 1 : i32
      %ge3A_191 = arith.cmpi sge, %add3A_190, %ge3A : i32
      %sub3A = arith.constant 1 : i32
      %sub3A_192 = arith.subi %add3A_190, %sub3A : i32
      %lt3A_193 = arith.cmpi slt, %sub3A_192, %add3A_8 : i32
      %and3A = arith.andi %ge3A_191, %lt3A_193 : i1
      %convert_element_type3A_194 = arith.extui %and3A : i1 to i32
      %cond3A_195 = arith.constant 0 : i32
      %cond3A_196 = arith.cmpi ne, %convert_element_type3A_194, %cond3A_195 : i32
      scf.if %cond3A_196 {
        %dma_wait3A_604 = arith.constant 3 : i32
        %dma_wait3A_605 = arith.constant 0 : i32
        %dma_wait3A_606 = tpu.memref_slice %arg7[%dma_wait3A_604, %dma_wait3A_605] : memref<4x128xi32, #tpu.memory_space<vmem>> -> memref<1x128xi32, #tpu.memory_space<vmem>>
        %dma_wait3A_607 = tpu.memref_squeeze %dma_wait3A_606 : memref<1x128xi32, #tpu.memory_space<vmem>> -> memref<128xi32, #tpu.memory_space<vmem>>
        %dma_wait3A_608 = arith.constant 0 : i32
        %dma_wait3A_609 = arith.constant 0 : i32
        %dma_wait3A_610 = tpu.memref_slice %arg11[%dma_wait3A_608, %dma_wait3A_609] : memref<10000x128xf32, #tpu.memory_space<vmem_shared>> -> memref<10000x128xf32, #tpu.memory_space<vmem_shared>>
        tpu.wait_indirect_dma semaphore(%arg17 : memref<!tpu.dma_semaphore, #tpu.memory_space<semaphore_mem>>) src(%arg10 : memref<128x128xf32, #tpu.memory_space<vmem>>) dst(%dma_wait3A_610 : memref<10000x128xf32, #tpu.memory_space<vmem_shared>>)
      } else {
      }
      %add3A_197 = arith.constant 2 : i32
      %add3A_198 = arith.addi %add3A_190, %add3A_197 : i32
      %lt3A_199 = arith.cmpi slt, %add3A_198, %add3A_8 : i32
      %convert_element_type3A_200 = arith.extui %lt3A_199 : i1 to i32
      %cond3A_201 = arith.constant 0 : i32
      %cond3A_202 = arith.cmpi ne, %convert_element_type3A_200, %cond3A_201 : i32
      scf.if %cond3A_202 {
        %add3A_604 = arith.constant 2 : i32
        %add3A_605 = arith.addi %add3A_190, %add3A_604 : i32
        %add3A_606 = arith.addi %add3A_4, %add3A_605 : i32
        %mul3A_607 = arith.constant 128 : i32
        %mul3A_608 = arith.muli %add3A_606, %mul3A_607 : i32
        %dma_wait3A_609 = arith.constant 0 : i32
        %dma_wait3A_610 = arith.constant 2 : i32
        %dma_wait3A_611 = arith.constant 0 : i32
        %dma_wait3A_612 = tpu.memref_slice %arg6[%dma_wait3A_610, %dma_wait3A_611] : memref<4x128xi32, #tpu.memory_space<vmem>> -> memref<1x128xi32, #tpu.memory_space<vmem>>
        %dma_wait3A_613 = tpu.memref_squeeze %dma_wait3A_612 : memref<1x128xi32, #tpu.memory_space<vmem>> -> memref<128xi32, #tpu.memory_space<vmem>>
        %dma_wait3A_614 = tpu.memref_slice %arg3[%dma_wait3A_609, %mul3A_608] : memref<2x320000xi32, #tpu.memory_space<hbm>> -> memref<1x128xi32, #tpu.memory_space<hbm>>
        %dma_wait3A_615 = tpu.memref_squeeze %dma_wait3A_614 : memref<1x128xi32, #tpu.memory_space<hbm>> -> memref<128xi32, #tpu.memory_space<hbm>>
        %dma_wait3A_616 = arith.constant 0 : i32
        %dma_wait3A_617 = tpu.memref_slice %arg6[%dma_wait3A_610, %dma_wait3A_616] : memref<4x128xi32, #tpu.memory_space<vmem>> -> memref<1x128xi32, #tpu.memory_space<vmem>>
        %dma_wait3A_618 = tpu.memref_squeeze %dma_wait3A_617 : memref<1x128xi32, #tpu.memory_space<vmem>> -> memref<128xi32, #tpu.memory_space<vmem>>
        %dma_wait3A_619 = tpu.memref_slice %arg3[%dma_wait3A_609, %mul3A_608] : memref<2x320000xi32, #tpu.memory_space<hbm>> -> memref<1x128xi32, #tpu.memory_space<hbm>>
        %dma_wait3A_620 = tpu.memref_squeeze %dma_wait3A_619 : memref<1x128xi32, #tpu.memory_space<hbm>> -> memref<128xi32, #tpu.memory_space<hbm>>
        tpu.wait_dma2 semaphore(%arg20 : memref<!tpu.dma_semaphore, #tpu.memory_space<semaphore_mem>>) src(%dma_wait3A_620 : memref<128xi32, #tpu.memory_space<hbm>>) dst(%dma_wait3A_618 : memref<128xi32, #tpu.memory_space<vmem>>)
        %dma_start3A_621 = arith.constant 2 : i32
        %dma_start3A_622 = arith.constant 0 : i32
        %dma_start3A_623 = tpu.memref_slice %arg6[%dma_start3A_621, %dma_start3A_622] : memref<4x128xi32, #tpu.memory_space<vmem>> -> memref<1x128xi32, #tpu.memory_space<vmem>>
        %dma_start3A_624 = tpu.memref_squeeze %dma_start3A_623 : memref<1x128xi32, #tpu.memory_space<vmem>> -> memref<128xi32, #tpu.memory_space<vmem>>
        %dma_start3A_625 = arith.constant 0 : i32
        %dma_start3A_626 = arith.constant 0 : i32
        %dma_start3A_627 = tpu.memref_slice %arg2[%dma_start3A_625, %dma_start3A_626] : memref<10000x128xf32, #tpu.memory_space<hbm>> -> memref<10000x128xf32, #tpu.memory_space<hbm>>
        tpu.enqueue_indirect_dma source(%dma_start3A_627 : memref<10000x128xf32, #tpu.memory_space<hbm>>) target(%arg10 : memref<128x128xf32, #tpu.memory_space<vmem>>) offsets(%dma_start3A_624 : memref<128xi32, #tpu.memory_space<vmem>>) semaphore(%arg14 : memref<!tpu.dma_semaphore, #tpu.memory_space<semaphore_mem>>)
      } else {
      }
      %lt3A_203 = arith.cmpi slt, %add3A_190, %add3A_8 : i32
      %convert_element_type3A_204 = arith.extui %lt3A_203 : i1 to i32
      %cond3A_205 = arith.constant 0 : i32
      %cond3A_206 = arith.cmpi ne, %convert_element_type3A_204, %cond3A_205 : i32
      scf.if %cond3A_206 {
        %dma_wait3A_604 = arith.constant 0 : i32
        %dma_wait3A_605 = arith.constant 0 : i32
        %dma_wait3A_606 = tpu.memref_slice %arg6[%dma_wait3A_604, %dma_wait3A_605] : memref<4x128xi32, #tpu.memory_space<vmem>> -> memref<1x128xi32, #tpu.memory_space<vmem>>
        %dma_wait3A_607 = tpu.memref_squeeze %dma_wait3A_606 : memref<1x128xi32, #tpu.memory_space<vmem>> -> memref<128xi32, #tpu.memory_space<vmem>>
        %dma_wait3A_608 = arith.constant 0 : i32
        %dma_wait3A_609 = arith.constant 0 : i32
        %dma_wait3A_610 = tpu.memref_slice %arg2[%dma_wait3A_608, %dma_wait3A_609] : memref<10000x128xf32, #tpu.memory_space<hbm>> -> memref<10000x128xf32, #tpu.memory_space<hbm>>
        tpu.wait_indirect_dma semaphore(%arg12 : memref<!tpu.dma_semaphore, #tpu.memory_space<semaphore_mem>>) src(%dma_wait3A_610 : memref<10000x128xf32, #tpu.memory_space<hbm>>) dst(%arg8 : memref<128x128xf32, #tpu.memory_space<vmem>>)
        %add3A_611 = arith.addi %add3A_4, %add3A_190 : i32
        %mul3A_612 = arith.constant 128 : i32
        %mul3A_613 = arith.muli %add3A_611, %mul3A_612 : i32
        %dma_wait3A_614 = arith.constant 1 : i32
        %dma_wait3A_615 = arith.constant 0 : i32
        %dma_wait3A_616 = arith.constant 0 : i32
        %dma_wait3A_617 = tpu.memref_slice %arg7[%dma_wait3A_615, %dma_wait3A_616] : memref<4x128xi32, #tpu.memory_space<vmem>> -> memref<1x128xi32, #tpu.memory_space<vmem>>
        %dma_wait3A_618 = tpu.memref_squeeze %dma_wait3A_617 : memref<1x128xi32, #tpu.memory_space<vmem>> -> memref<128xi32, #tpu.memory_space<vmem>>
        %dma_wait3A_619 = tpu.memref_slice %arg3[%dma_wait3A_614, %mul3A_613] : memref<2x320000xi32, #tpu.memory_space<hbm>> -> memref<1x128xi32, #tpu.memory_space<hbm>>
        %dma_wait3A_620 = tpu.memref_squeeze %dma_wait3A_619 : memref<1x128xi32, #tpu.memory_space<hbm>> -> memref<128xi32, #tpu.memory_space<hbm>>
        %dma_wait3A_621 = arith.constant 0 : i32
        %dma_wait3A_622 = tpu.memref_slice %arg7[%dma_wait3A_615, %dma_wait3A_621] : memref<4x128xi32, #tpu.memory_space<vmem>> -> memref<1x128xi32, #tpu.memory_space<vmem>>
        %dma_wait3A_623 = tpu.memref_squeeze %dma_wait3A_622 : memref<1x128xi32, #tpu.memory_space<vmem>> -> memref<128xi32, #tpu.memory_space<vmem>>
        %dma_wait3A_624 = tpu.memref_slice %arg3[%dma_wait3A_614, %mul3A_613] : memref<2x320000xi32, #tpu.memory_space<hbm>> -> memref<1x128xi32, #tpu.memory_space<hbm>>
        %dma_wait3A_625 = tpu.memref_squeeze %dma_wait3A_624 : memref<1x128xi32, #tpu.memory_space<hbm>> -> memref<128xi32, #tpu.memory_space<hbm>>
        tpu.wait_dma2 semaphore(%arg22 : memref<!tpu.dma_semaphore, #tpu.memory_space<semaphore_mem>>) src(%dma_wait3A_625 : memref<128xi32, #tpu.memory_space<hbm>>) dst(%dma_wait3A_623 : memref<128xi32, #tpu.memory_space<vmem>>)
        %dma_start3A_626 = arith.constant 0 : i32
        %dma_start3A_627 = arith.constant 0 : i32
        %dma_start3A_628 = tpu.memref_slice %arg7[%dma_start3A_626, %dma_start3A_627] : memref<4x128xi32, #tpu.memory_space<vmem>> -> memref<1x128xi32, #tpu.memory_space<vmem>>
        %dma_start3A_629 = tpu.memref_squeeze %dma_start3A_628 : memref<1x128xi32, #tpu.memory_space<vmem>> -> memref<128xi32, #tpu.memory_space<vmem>>
        %dma_start3A_630 = arith.constant 0 : i32
        %dma_start3A_631 = arith.constant 0 : i32
        %dma_start3A_632 = tpu.memref_slice %arg11[%dma_start3A_630, %dma_start3A_631] : memref<10000x128xf32, #tpu.memory_space<vmem_shared>> -> memref<10000x128xf32, #tpu.memory_space<vmem_shared>>
        tpu.enqueue_indirect_dma source(%arg8 : memref<128x128xf32, #tpu.memory_space<vmem>>) target(%dma_start3A_632 : memref<10000x128xf32, #tpu.memory_space<vmem_shared>>) offsets(%dma_start3A_629 : memref<128xi32, #tpu.memory_space<vmem>>) semaphore(%arg15 : memref<!tpu.dma_semaphore, #tpu.memory_space<semaphore_mem>>) {add = true}
      } else {
      }
      %add3A_207 = arith.constant 4 : i32
      %add3A_208 = arith.addi %add3A_190, %add3A_207 : i32
      %lt3A_209 = arith.cmpi slt, %add3A_208, %add3A_8 : i32
      %convert_element_type3A_210 = arith.extui %lt3A_209 : i1 to i32
      %cond3A_211 = arith.constant 0 : i32
      %cond3A_212 = arith.cmpi ne, %convert_element_type3A_210, %cond3A_211 : i32
      scf.if %cond3A_212 {
        %add3A_604 = arith.constant 4 : i32
        %add3A_605 = arith.addi %add3A_190, %add3A_604 : i32
        %add3A_606 = arith.addi %add3A_4, %add3A_605 : i32
        %mul3A_607 = arith.constant 128 : i32
        %mul3A_608 = arith.muli %add3A_606, %mul3A_607 : i32
        %dma_start3A_609 = arith.constant 0 : i32
        %dma_start3A_610 = arith.constant 0 : i32
        %dma_start3A_611 = arith.constant 0 : i32
        %dma_start3A_612 = tpu.memref_slice %arg6[%dma_start3A_610, %dma_start3A_611] : memref<4x128xi32, #tpu.memory_space<vmem>> -> memref<1x128xi32, #tpu.memory_space<vmem>>
        %dma_start3A_613 = tpu.memref_squeeze %dma_start3A_612 : memref<1x128xi32, #tpu.memory_space<vmem>> -> memref<128xi32, #tpu.memory_space<vmem>>
        %dma_start3A_614 = tpu.memref_slice %arg3[%dma_start3A_609, %mul3A_608] : memref<2x320000xi32, #tpu.memory_space<hbm>> -> memref<1x128xi32, #tpu.memory_space<hbm>>
        %dma_start3A_615 = tpu.memref_squeeze %dma_start3A_614 : memref<1x128xi32, #tpu.memory_space<hbm>> -> memref<128xi32, #tpu.memory_space<hbm>>
        %dma_start3A_616 = arith.constant 0 : i32
        %dma_start3A_617 = tpu.memref_slice %arg6[%dma_start3A_610, %dma_start3A_616] : memref<4x128xi32, #tpu.memory_space<vmem>> -> memref<1x128xi32, #tpu.memory_space<vmem>>
        %dma_start3A_618 = tpu.memref_squeeze %dma_start3A_617 : memref<1x128xi32, #tpu.memory_space<vmem>> -> memref<128xi32, #tpu.memory_space<vmem>>
        %dma_start3A_619 = tpu.memref_slice %arg3[%dma_start3A_609, %mul3A_608] : memref<2x320000xi32, #tpu.memory_space<hbm>> -> memref<1x128xi32, #tpu.memory_space<hbm>>
        %dma_start3A_620 = tpu.memref_squeeze %dma_start3A_619 : memref<1x128xi32, #tpu.memory_space<hbm>> -> memref<128xi32, #tpu.memory_space<hbm>>
        tpu.enqueue_dma source(%dma_start3A_620 : memref<128xi32, #tpu.memory_space<hbm>>) target(%dma_start3A_618 : memref<128xi32, #tpu.memory_space<vmem>>) target_semaphore(%arg18 : memref<!tpu.dma_semaphore, #tpu.memory_space<semaphore_mem>>)
      } else {
      }
      %add3A_213 = arith.constant 2 : i32
      %add3A_214 = arith.addi %add3A_190, %add3A_213 : i32
      %lt3A_215 = arith.cmpi slt, %add3A_214, %add3A_8 : i32
      %convert_element_type3A_216 = arith.extui %lt3A_215 : i1 to i32
      %cond3A_217 = arith.constant 0 : i32
      %cond3A_218 = arith.cmpi ne, %convert_element_type3A_216, %cond3A_217 : i32
      scf.if %cond3A_218 {
        %add3A_604 = arith.constant 2 : i32
        %add3A_605 = arith.addi %add3A_190, %add3A_604 : i32
        %add3A_606 = arith.addi %add3A_4, %add3A_605 : i32
        %mul3A_607 = arith.constant 128 : i32
        %mul3A_608 = arith.muli %add3A_606, %mul3A_607 : i32
        %dma_start3A_609 = arith.constant 1 : i32
        %dma_start3A_610 = arith.constant 2 : i32
        %dma_start3A_611 = arith.constant 0 : i32
        %dma_start3A_612 = tpu.memref_slice %arg7[%dma_start3A_610, %dma_start3A_611] : memref<4x128xi32, #tpu.memory_space<vmem>> -> memref<1x128xi32, #tpu.memory_space<vmem>>
        %dma_start3A_613 = tpu.memref_squeeze %dma_start3A_612 : memref<1x128xi32, #tpu.memory_space<vmem>> -> memref<128xi32, #tpu.memory_space<vmem>>
        %dma_start3A_614 = tpu.memref_slice %arg3[%dma_start3A_609, %mul3A_608] : memref<2x320000xi32, #tpu.memory_space<hbm>> -> memref<1x128xi32, #tpu.memory_space<hbm>>
        %dma_start3A_615 = tpu.memref_squeeze %dma_start3A_614 : memref<1x128xi32, #tpu.memory_space<hbm>> -> memref<128xi32, #tpu.memory_space<hbm>>
        %dma_start3A_616 = arith.constant 0 : i32
        %dma_start3A_617 = tpu.memref_slice %arg7[%dma_start3A_610, %dma_start3A_616] : memref<4x128xi32, #tpu.memory_space<vmem>> -> memref<1x128xi32, #tpu.memory_space<vmem>>
        %dma_start3A_618 = tpu.memref_squeeze %dma_start3A_617 : memref<1x128xi32, #tpu.memory_space<vmem>> -> memref<128xi32, #tpu.memory_space<vmem>>
        %dma_start3A_619 = tpu.memref_slice %arg3[%dma_start3A_609, %mul3A_608] : memref<2x320000xi32, #tpu.memory_space<hbm>> -> memref<1x128xi32, #tpu.memory_space<hbm>>
        %dma_start3A_620 = tpu.memref_squeeze %dma_start3A_619 : memref<1x128xi32, #tpu.memory_space<hbm>> -> memref<128xi32, #tpu.memory_space<hbm>>
        tpu.enqueue_dma source(%dma_start3A_620 : memref<128xi32, #tpu.memory_space<hbm>>) target(%dma_start3A_618 : memref<128xi32, #tpu.memory_space<vmem>>) target_semaphore(%arg24 : memref<!tpu.dma_semaphore, #tpu.memory_space<semaphore_mem>>)
      } else {
      }
      %mul3A_219 = arith.constant 12 : i32
      %mul3A_220 = arith.muli %mul3A_219, %add3A_186 : i32
      %add3A_221 = arith.constant 1 : i32
      %add3A_222 = arith.addi %mul3A_220, %add3A_221 : i32
      %ge3A_223 = arith.constant 1 : i32
      %ge3A_224 = arith.cmpi sge, %add3A_222, %ge3A_223 : i32
      %sub3A_225 = arith.constant 1 : i32
      %sub3A_226 = arith.subi %add3A_222, %sub3A_225 : i32
      %lt3A_227 = arith.cmpi slt, %sub3A_226, %add3A_8 : i32
      %and3A_228 = arith.andi %ge3A_224, %lt3A_227 : i1
      %convert_element_type3A_229 = arith.extui %and3A_228 : i1 to i32
      %cond3A_230 = arith.constant 0 : i32
      %cond3A_231 = arith.cmpi ne, %convert_element_type3A_229, %cond3A_230 : i32
      scf.if %cond3A_231 {
        %dma_wait3A_604 = arith.constant 0 : i32
        %dma_wait3A_605 = arith.constant 0 : i32
        %dma_wait3A_606 = tpu.memref_slice %arg7[%dma_wait3A_604, %dma_wait3A_605] : memref<4x128xi32, #tpu.memory_space<vmem>> -> memref<1x128xi32, #tpu.memory_space<vmem>>
        %dma_wait3A_607 = tpu.memref_squeeze %dma_wait3A_606 : memref<1x128xi32, #tpu.memory_space<vmem>> -> memref<128xi32, #tpu.memory_space<vmem>>
        %dma_wait3A_608 = arith.constant 0 : i32
        %dma_wait3A_609 = arith.constant 0 : i32
        %dma_wait3A_610 = tpu.memref_slice %arg11[%dma_wait3A_608, %dma_wait3A_609] : memref<10000x128xf32, #tpu.memory_space<vmem_shared>> -> memref<10000x128xf32, #tpu.memory_space<vmem_shared>>
        tpu.wait_indirect_dma semaphore(%arg15 : memref<!tpu.dma_semaphore, #tpu.memory_space<semaphore_mem>>) src(%arg8 : memref<128x128xf32, #tpu.memory_space<vmem>>) dst(%dma_wait3A_610 : memref<10000x128xf32, #tpu.memory_space<vmem_shared>>)
      } else {
      }
      %add3A_232 = arith.constant 2 : i32
      %add3A_233 = arith.addi %add3A_222, %add3A_232 : i32
      %lt3A_234 = arith.cmpi slt, %add3A_233, %add3A_8 : i32
      %convert_element_type3A_235 = arith.extui %lt3A_234 : i1 to i32
      %cond3A_236 = arith.constant 0 : i32
      %cond3A_237 = arith.cmpi ne, %convert_element_type3A_235, %cond3A_236 : i32
      scf.if %cond3A_237 {
        %add3A_604 = arith.constant 2 : i32
        %add3A_605 = arith.addi %add3A_222, %add3A_604 : i32
        %add3A_606 = arith.addi %add3A_4, %add3A_605 : i32
        %mul3A_607 = arith.constant 128 : i32
        %mul3A_608 = arith.muli %add3A_606, %mul3A_607 : i32
        %dma_wait3A_609 = arith.constant 0 : i32
        %dma_wait3A_610 = arith.constant 3 : i32
        %dma_wait3A_611 = arith.constant 0 : i32
        %dma_wait3A_612 = tpu.memref_slice %arg6[%dma_wait3A_610, %dma_wait3A_611] : memref<4x128xi32, #tpu.memory_space<vmem>> -> memref<1x128xi32, #tpu.memory_space<vmem>>
        %dma_wait3A_613 = tpu.memref_squeeze %dma_wait3A_612 : memref<1x128xi32, #tpu.memory_space<vmem>> -> memref<128xi32, #tpu.memory_space<vmem>>
        %dma_wait3A_614 = tpu.memref_slice %arg3[%dma_wait3A_609, %mul3A_608] : memref<2x320000xi32, #tpu.memory_space<hbm>> -> memref<1x128xi32, #tpu.memory_space<hbm>>
        %dma_wait3A_615 = tpu.memref_squeeze %dma_wait3A_614 : memref<1x128xi32, #tpu.memory_space<hbm>> -> memref<128xi32, #tpu.memory_space<hbm>>
        %dma_wait3A_616 = arith.constant 0 : i32
        %dma_wait3A_617 = tpu.memref_slice %arg6[%dma_wait3A_610, %dma_wait3A_616] : memref<4x128xi32, #tpu.memory_space<vmem>> -> memref<1x128xi32, #tpu.memory_space<vmem>>
        %dma_wait3A_618 = tpu.memref_squeeze %dma_wait3A_617 : memref<1x128xi32, #tpu.memory_space<vmem>> -> memref<128xi32, #tpu.memory_space<vmem>>
        %dma_wait3A_619 = tpu.memref_slice %arg3[%dma_wait3A_609, %mul3A_608] : memref<2x320000xi32, #tpu.memory_space<hbm>> -> memref<1x128xi32, #tpu.memory_space<hbm>>
        %dma_wait3A_620 = tpu.memref_squeeze %dma_wait3A_619 : memref<1x128xi32, #tpu.memory_space<hbm>> -> memref<128xi32, #tpu.memory_space<hbm>>
        tpu.wait_dma2 semaphore(%arg21 : memref<!tpu.dma_semaphore, #tpu.memory_space<semaphore_mem>>) src(%dma_wait3A_620 : memref<128xi32, #tpu.memory_space<hbm>>) dst(%dma_wait3A_618 : memref<128xi32, #tpu.memory_space<vmem>>)
        %dma_start3A_621 = arith.constant 3 : i32
        %dma_start3A_622 = arith.constant 0 : i32
        %dma_start3A_623 = tpu.memref_slice %arg6[%dma_start3A_621, %dma_start3A_622] : memref<4x128xi32, #tpu.memory_space<vmem>> -> memref<1x128xi32, #tpu.memory_space<vmem>>
        %dma_start3A_624 = tpu.memref_squeeze %dma_start3A_623 : memref<1x128xi32, #tpu.memory_space<vmem>> -> memref<128xi32, #tpu.memory_space<vmem>>
        %dma_start3A_625 = arith.constant 0 : i32
        %dma_start3A_626 = arith.constant 0 : i32
        %dma_start3A_627 = tpu.memref_slice %arg2[%dma_start3A_625, %dma_start3A_626] : memref<10000x128xf32, #tpu.memory_space<hbm>> -> memref<10000x128xf32, #tpu.memory_space<hbm>>
        tpu.enqueue_indirect_dma source(%dma_start3A_627 : memref<10000x128xf32, #tpu.memory_space<hbm>>) target(%arg8 : memref<128x128xf32, #tpu.memory_space<vmem>>) offsets(%dma_start3A_624 : memref<128xi32, #tpu.memory_space<vmem>>) semaphore(%arg12 : memref<!tpu.dma_semaphore, #tpu.memory_space<semaphore_mem>>)
      } else {
      }
      %lt3A_238 = arith.cmpi slt, %add3A_222, %add3A_8 : i32
      %convert_element_type3A_239 = arith.extui %lt3A_238 : i1 to i32
      %cond3A_240 = arith.constant 0 : i32
      %cond3A_241 = arith.cmpi ne, %convert_element_type3A_239, %cond3A_240 : i32
      scf.if %cond3A_241 {
        %dma_wait3A_604 = arith.constant 1 : i32
        %dma_wait3A_605 = arith.constant 0 : i32
        %dma_wait3A_606 = tpu.memref_slice %arg6[%dma_wait3A_604, %dma_wait3A_605] : memref<4x128xi32, #tpu.memory_space<vmem>> -> memref<1x128xi32, #tpu.memory_space<vmem>>
        %dma_wait3A_607 = tpu.memref_squeeze %dma_wait3A_606 : memref<1x128xi32, #tpu.memory_space<vmem>> -> memref<128xi32, #tpu.memory_space<vmem>>
        %dma_wait3A_608 = arith.constant 0 : i32
        %dma_wait3A_609 = arith.constant 0 : i32
        %dma_wait3A_610 = tpu.memref_slice %arg2[%dma_wait3A_608, %dma_wait3A_609] : memref<10000x128xf32, #tpu.memory_space<hbm>> -> memref<10000x128xf32, #tpu.memory_space<hbm>>
        tpu.wait_indirect_dma semaphore(%arg13 : memref<!tpu.dma_semaphore, #tpu.memory_space<semaphore_mem>>) src(%dma_wait3A_610 : memref<10000x128xf32, #tpu.memory_space<hbm>>) dst(%arg9 : memref<128x128xf32, #tpu.memory_space<vmem>>)
        %add3A_611 = arith.addi %add3A_4, %add3A_222 : i32
        %mul3A_612 = arith.constant 128 : i32
        %mul3A_613 = arith.muli %add3A_611, %mul3A_612 : i32
        %dma_wait3A_614 = arith.constant 1 : i32
        %dma_wait3A_615 = arith.constant 1 : i32
        %dma_wait3A_616 = arith.constant 0 : i32
        %dma_wait3A_617 = tpu.memref_slice %arg7[%dma_wait3A_615, %dma_wait3A_616] : memref<4x128xi32, #tpu.memory_space<vmem>> -> memref<1x128xi32, #tpu.memory_space<vmem>>
        %dma_wait3A_618 = tpu.memref_squeeze %dma_wait3A_617 : memref<1x128xi32, #tpu.memory_space<vmem>> -> memref<128xi32, #tpu.memory_space<vmem>>
        %dma_wait3A_619 = tpu.memref_slice %arg3[%dma_wait3A_614, %mul3A_613] : memref<2x320000xi32, #tpu.memory_space<hbm>> -> memref<1x128xi32, #tpu.memory_space<hbm>>
        %dma_wait3A_620 = tpu.memref_squeeze %dma_wait3A_619 : memref<1x128xi32, #tpu.memory_space<hbm>> -> memref<128xi32, #tpu.memory_space<hbm>>
        %dma_wait3A_621 = arith.constant 0 : i32
        %dma_wait3A_622 = tpu.memref_slice %arg7[%dma_wait3A_615, %dma_wait3A_621] : memref<4x128xi32, #tpu.memory_space<vmem>> -> memref<1x128xi32, #tpu.memory_space<vmem>>
        %dma_wait3A_623 = tpu.memref_squeeze %dma_wait3A_622 : memref<1x128xi32, #tpu.memory_space<vmem>> -> memref<128xi32, #tpu.memory_space<vmem>>
        %dma_wait3A_624 = tpu.memref_slice %arg3[%dma_wait3A_614, %mul3A_613] : memref<2x320000xi32, #tpu.memory_space<hbm>> -> memref<1x128xi32, #tpu.memory_space<hbm>>
        %dma_wait3A_625 = tpu.memref_squeeze %dma_wait3A_624 : memref<1x128xi32, #tpu.memory_space<hbm>> -> memref<128xi32, #tpu.memory_space<hbm>>
        tpu.wait_dma2 semaphore(%arg23 : memref<!tpu.dma_semaphore, #tpu.memory_space<semaphore_mem>>) src(%dma_wait3A_625 : memref<128xi32, #tpu.memory_space<hbm>>) dst(%dma_wait3A_623 : memref<128xi32, #tpu.memory_space<vmem>>)
        %dma_start3A_626 = arith.constant 1 : i32
        %dma_start3A_627 = arith.constant 0 : i32
        %dma_start3A_628 = tpu.memref_slice %arg7[%dma_start3A_626, %dma_start3A_627] : memref<4x128xi32, #tpu.memory_space<vmem>> -> memref<1x128xi32, #tpu.memory_space<vmem>>
        %dma_start3A_629 = tpu.memref_squeeze %dma_start3A_628 : memref<1x128xi32, #tpu.memory_space<vmem>> -> memref<128xi32, #tpu.memory_space<vmem>>
        %dma_start3A_630 = arith.constant 0 : i32
        %dma_start3A_631 = arith.constant 0 : i32
        %dma_start3A_632 = tpu.memref_slice %arg11[%dma_start3A_630, %dma_start3A_631] : memref<10000x128xf32, #tpu.memory_space<vmem_shared>> -> memref<10000x128xf32, #tpu.memory_space<vmem_shared>>
        tpu.enqueue_indirect_dma source(%arg9 : memref<128x128xf32, #tpu.memory_space<vmem>>) target(%dma_start3A_632 : memref<10000x128xf32, #tpu.memory_space<vmem_shared>>) offsets(%dma_start3A_629 : memref<128xi32, #tpu.memory_space<vmem>>) semaphore(%arg16 : memref<!tpu.dma_semaphore, #tpu.memory_space<semaphore_mem>>) {add = true}
      } else {
      }
      %add3A_242 = arith.constant 4 : i32
      %add3A_243 = arith.addi %add3A_222, %add3A_242 : i32
      %lt3A_244 = arith.cmpi slt, %add3A_243, %add3A_8 : i32
      %convert_element_type3A_245 = arith.extui %lt3A_244 : i1 to i32
      %cond3A_246 = arith.constant 0 : i32
      %cond3A_247 = arith.cmpi ne, %convert_element_type3A_245, %cond3A_246 : i32
      scf.if %cond3A_247 {
        %add3A_604 = arith.constant 4 : i32
        %add3A_605 = arith.addi %add3A_222, %add3A_604 : i32
        %add3A_606 = arith.addi %add3A_4, %add3A_605 : i32
        %mul3A_607 = arith.constant 128 : i32
        %mul3A_608 = arith.muli %add3A_606, %mul3A_607 : i32
        %dma_start3A_609 = arith.constant 0 : i32
        %dma_start3A_610 = arith.constant 1 : i32
        %dma_start3A_611 = arith.constant 0 : i32
        %dma_start3A_612 = tpu.memref_slice %arg6[%dma_start3A_610, %dma_start3A_611] : memref<4x128xi32, #tpu.memory_space<vmem>> -> memref<1x128xi32, #tpu.memory_space<vmem>>
        %dma_start3A_613 = tpu.memref_squeeze %dma_start3A_612 : memref<1x128xi32, #tpu.memory_space<vmem>> -> memref<128xi32, #tpu.memory_space<vmem>>
        %dma_start3A_614 = tpu.memref_slice %arg3[%dma_start3A_609, %mul3A_608] : memref<2x320000xi32, #tpu.memory_space<hbm>> -> memref<1x128xi32, #tpu.memory_space<hbm>>
        %dma_start3A_615 = tpu.memref_squeeze %dma_start3A_614 : memref<1x128xi32, #tpu.memory_space<hbm>> -> memref<128xi32, #tpu.memory_space<hbm>>
        %dma_start3A_616 = arith.constant 0 : i32
        %dma_start3A_617 = tpu.memref_slice %arg6[%dma_start3A_610, %dma_start3A_616] : memref<4x128xi32, #tpu.memory_space<vmem>> -> memref<1x128xi32, #tpu.memory_space<vmem>>
        %dma_start3A_618 = tpu.memref_squeeze %dma_start3A_617 : memref<1x128xi32, #tpu.memory_space<vmem>> -> memref<128xi32, #tpu.memory_space<vmem>>
        %dma_start3A_619 = tpu.memref_slice %arg3[%dma_start3A_609, %mul3A_608] : memref<2x320000xi32, #tpu.memory_space<hbm>> -> memref<1x128xi32, #tpu.memory_space<hbm>>
        %dma_start3A_620 = tpu.memref_squeeze %dma_start3A_619 : memref<1x128xi32, #tpu.memory_space<hbm>> -> memref<128xi32, #tpu.memory_space<hbm>>
        tpu.enqueue_dma source(%dma_start3A_620 : memref<128xi32, #tpu.memory_space<hbm>>) target(%dma_start3A_618 : memref<128xi32, #tpu.memory_space<vmem>>) target_semaphore(%arg19 : memref<!tpu.dma_semaphore, #tpu.memory_space<semaphore_mem>>)
      } else {
      }
      %add3A_248 = arith.constant 2 : i32
      %add3A_249 = arith.addi %add3A_222, %add3A_248 : i32
      %lt3A_250 = arith.cmpi slt, %add3A_249, %add3A_8 : i32
      %convert_element_type3A_251 = arith.extui %lt3A_250 : i1 to i32
      %cond3A_252 = arith.constant 0 : i32
      %cond3A_253 = arith.cmpi ne, %convert_element_type3A_251, %cond3A_252 : i32
      scf.if %cond3A_253 {
        %add3A_604 = arith.constant 2 : i32
        %add3A_605 = arith.addi %add3A_222, %add3A_604 : i32
        %add3A_606 = arith.addi %add3A_4, %add3A_605 : i32
        %mul3A_607 = arith.constant 128 : i32
        %mul3A_608 = arith.muli %add3A_606, %mul3A_607 : i32
        %dma_start3A_609 = arith.constant 1 : i32
        %dma_start3A_610 = arith.constant 3 : i32
        %dma_start3A_611 = arith.constant 0 : i32
        %dma_start3A_612 = tpu.memref_slice %arg7[%dma_start3A_610, %dma_start3A_611] : memref<4x128xi32, #tpu.memory_space<vmem>> -> memref<1x128xi32, #tpu.memory_space<vmem>>
        %dma_start3A_613 = tpu.memref_squeeze %dma_start3A_612 : memref<1x128xi32, #tpu.memory_space<vmem>> -> memref<128xi32, #tpu.memory_space<vmem>>
        %dma_start3A_614 = tpu.memref_slice %arg3[%dma_start3A_609, %mul3A_608] : memref<2x320000xi32, #tpu.memory_space<hbm>> -> memref<1x128xi32, #tpu.memory_space<hbm>>
        %dma_start3A_615 = tpu.memref_squeeze %dma_start3A_614 : memref<1x128xi32, #tpu.memory_space<hbm>> -> memref<128xi32, #tpu.memory_space<hbm>>
        %dma_start3A_616 = arith.constant 0 : i32
        %dma_start3A_617 = tpu.memref_slice %arg7[%dma_start3A_610, %dma_start3A_616] : memref<4x128xi32, #tpu.memory_space<vmem>> -> memref<1x128xi32, #tpu.memory_space<vmem>>
        %dma_start3A_618 = tpu.memref_squeeze %dma_start3A_617 : memref<1x128xi32, #tpu.memory_space<vmem>> -> memref<128xi32, #tpu.memory_space<vmem>>
        %dma_start3A_619 = tpu.memref_slice %arg3[%dma_start3A_609, %mul3A_608] : memref<2x320000xi32, #tpu.memory_space<hbm>> -> memref<1x128xi32, #tpu.memory_space<hbm>>
        %dma_start3A_620 = tpu.memref_squeeze %dma_start3A_619 : memref<1x128xi32, #tpu.memory_space<hbm>> -> memref<128xi32, #tpu.memory_space<hbm>>
        tpu.enqueue_dma source(%dma_start3A_620 : memref<128xi32, #tpu.memory_space<hbm>>) target(%dma_start3A_618 : memref<128xi32, #tpu.memory_space<vmem>>) target_semaphore(%arg25 : memref<!tpu.dma_semaphore, #tpu.memory_space<semaphore_mem>>)
      } else {
      }
      %mul3A_254 = arith.constant 12 : i32
      %mul3A_255 = arith.muli %mul3A_254, %add3A_186 : i32
      %add3A_256 = arith.constant 2 : i32
      %add3A_257 = arith.addi %mul3A_255, %add3A_256 : i32
      %ge3A_258 = arith.constant 1 : i32
      %ge3A_259 = arith.cmpi sge, %add3A_257, %ge3A_258 : i32
      %sub3A_260 = arith.constant 1 : i32
      %sub3A_261 = arith.subi %add3A_257, %sub3A_260 : i32
      %lt3A_262 = arith.cmpi slt, %sub3A_261, %add3A_8 : i32
      %and3A_263 = arith.andi %ge3A_259, %lt3A_262 : i1
      %convert_element_type3A_264 = arith.extui %and3A_263 : i1 to i32
      %cond3A_265 = arith.constant 0 : i32
      %cond3A_266 = arith.cmpi ne, %convert_element_type3A_264, %cond3A_265 : i32
      scf.if %cond3A_266 {
        %dma_wait3A_604 = arith.constant 1 : i32
        %dma_wait3A_605 = arith.constant 0 : i32
        %dma_wait3A_606 = tpu.memref_slice %arg7[%dma_wait3A_604, %dma_wait3A_605] : memref<4x128xi32, #tpu.memory_space<vmem>> -> memref<1x128xi32, #tpu.memory_space<vmem>>
        %dma_wait3A_607 = tpu.memref_squeeze %dma_wait3A_606 : memref<1x128xi32, #tpu.memory_space<vmem>> -> memref<128xi32, #tpu.memory_space<vmem>>
        %dma_wait3A_608 = arith.constant 0 : i32
        %dma_wait3A_609 = arith.constant 0 : i32
        %dma_wait3A_610 = tpu.memref_slice %arg11[%dma_wait3A_608, %dma_wait3A_609] : memref<10000x128xf32, #tpu.memory_space<vmem_shared>> -> memref<10000x128xf32, #tpu.memory_space<vmem_shared>>
        tpu.wait_indirect_dma semaphore(%arg16 : memref<!tpu.dma_semaphore, #tpu.memory_space<semaphore_mem>>) src(%arg9 : memref<128x128xf32, #tpu.memory_space<vmem>>) dst(%dma_wait3A_610 : memref<10000x128xf32, #tpu.memory_space<vmem_shared>>)
      } else {
      }
      %add3A_267 = arith.constant 2 : i32
      %add3A_268 = arith.addi %add3A_257, %add3A_267 : i32
      %lt3A_269 = arith.cmpi slt, %add3A_268, %add3A_8 : i32
      %convert_element_type3A_270 = arith.extui %lt3A_269 : i1 to i32
      %cond3A_271 = arith.constant 0 : i32
      %cond3A_272 = arith.cmpi ne, %convert_element_type3A_270, %cond3A_271 : i32
      scf.if %cond3A_272 {
        %add3A_604 = arith.constant 2 : i32
        %add3A_605 = arith.addi %add3A_257, %add3A_604 : i32
        %add3A_606 = arith.addi %add3A_4, %add3A_605 : i32
        %mul3A_607 = arith.constant 128 : i32
        %mul3A_608 = arith.muli %add3A_606, %mul3A_607 : i32
        %dma_wait3A_609 = arith.constant 0 : i32
        %dma_wait3A_610 = arith.constant 0 : i32
        %dma_wait3A_611 = arith.constant 0 : i32
        %dma_wait3A_612 = tpu.memref_slice %arg6[%dma_wait3A_610, %dma_wait3A_611] : memref<4x128xi32, #tpu.memory_space<vmem>> -> memref<1x128xi32, #tpu.memory_space<vmem>>
        %dma_wait3A_613 = tpu.memref_squeeze %dma_wait3A_612 : memref<1x128xi32, #tpu.memory_space<vmem>> -> memref<128xi32, #tpu.memory_space<vmem>>
        %dma_wait3A_614 = tpu.memref_slice %arg3[%dma_wait3A_609, %mul3A_608] : memref<2x320000xi32, #tpu.memory_space<hbm>> -> memref<1x128xi32, #tpu.memory_space<hbm>>
        %dma_wait3A_615 = tpu.memref_squeeze %dma_wait3A_614 : memref<1x128xi32, #tpu.memory_space<hbm>> -> memref<128xi32, #tpu.memory_space<hbm>>
        %dma_wait3A_616 = arith.constant 0 : i32
        %dma_wait3A_617 = tpu.memref_slice %arg6[%dma_wait3A_610, %dma_wait3A_616] : memref<4x128xi32, #tpu.memory_space<vmem>> -> memref<1x128xi32, #tpu.memory_space<vmem>>
        %dma_wait3A_618 = tpu.memref_squeeze %dma_wait3A_617 : memref<1x128xi32, #tpu.memory_space<vmem>> -> memref<128xi32, #tpu.memory_space<vmem>>
        %dma_wait3A_619 = tpu.memref_slice %arg3[%dma_wait3A_609, %mul3A_608] : memref<2x320000xi32, #tpu.memory_space<hbm>> -> memref<1x128xi32, #tpu.memory_space<hbm>>
        %dma_wait3A_620 = tpu.memref_squeeze %dma_wait3A_619 : memref<1x128xi32, #tpu.memory_space<hbm>> -> memref<128xi32, #tpu.memory_space<hbm>>
        tpu.wait_dma2 semaphore(%arg18 : memref<!tpu.dma_semaphore, #tpu.memory_space<semaphore_mem>>) src(%dma_wait3A_620 : memref<128xi32, #tpu.memory_space<hbm>>) dst(%dma_wait3A_618 : memref<128xi32, #tpu.memory_space<vmem>>)
        %dma_start3A_621 = arith.constant 0 : i32
        %dma_start3A_622 = arith.constant 0 : i32
        %dma_start3A_623 = tpu.memref_slice %arg6[%dma_start3A_621, %dma_start3A_622] : memref<4x128xi32, #tpu.memory_space<vmem>> -> memref<1x128xi32, #tpu.memory_space<vmem>>
        %dma_start3A_624 = tpu.memref_squeeze %dma_start3A_623 : memref<1x128xi32, #tpu.memory_space<vmem>> -> memref<128xi32, #tpu.memory_space<vmem>>
        %dma_start3A_625 = arith.constant 0 : i32
        %dma_start3A_626 = arith.constant 0 : i32
        %dma_start3A_627 = tpu.memref_slice %arg2[%dma_start3A_625, %dma_start3A_626] : memref<10000x128xf32, #tpu.memory_space<hbm>> -> memref<10000x128xf32, #tpu.memory_space<hbm>>
        tpu.enqueue_indirect_dma source(%dma_start3A_627 : memref<10000x128xf32, #tpu.memory_space<hbm>>) target(%arg9 : memref<128x128xf32, #tpu.memory_space<vmem>>) offsets(%dma_start3A_624 : memref<128xi32, #tpu.memory_space<vmem>>) semaphore(%arg13 : memref<!tpu.dma_semaphore, #tpu.memory_space<semaphore_mem>>)
      } else {
      }
      %lt3A_273 = arith.cmpi slt, %add3A_257, %add3A_8 : i32
      %convert_element_type3A_274 = arith.extui %lt3A_273 : i1 to i32
      %cond3A_275 = arith.constant 0 : i32
      %cond3A_276 = arith.cmpi ne, %convert_element_type3A_274, %cond3A_275 : i32
      scf.if %cond3A_276 {
        %dma_wait3A_604 = arith.constant 2 : i32
        %dma_wait3A_605 = arith.constant 0 : i32
        %dma_wait3A_606 = tpu.memref_slice %arg6[%dma_wait3A_604, %dma_wait3A_605] : memref<4x128xi32, #tpu.memory_space<vmem>> -> memref<1x128xi32, #tpu.memory_space<vmem>>
        %dma_wait3A_607 = tpu.memref_squeeze %dma_wait3A_606 : memref<1x128xi32, #tpu.memory_space<vmem>> -> memref<128xi32, #tpu.memory_space<vmem>>
        %dma_wait3A_608 = arith.constant 0 : i32
        %dma_wait3A_609 = arith.constant 0 : i32
        %dma_wait3A_610 = tpu.memref_slice %arg2[%dma_wait3A_608, %dma_wait3A_609] : memref<10000x128xf32, #tpu.memory_space<hbm>> -> memref<10000x128xf32, #tpu.memory_space<hbm>>
        tpu.wait_indirect_dma semaphore(%arg14 : memref<!tpu.dma_semaphore, #tpu.memory_space<semaphore_mem>>) src(%dma_wait3A_610 : memref<10000x128xf32, #tpu.memory_space<hbm>>) dst(%arg10 : memref<128x128xf32, #tpu.memory_space<vmem>>)
        %add3A_611 = arith.addi %add3A_4, %add3A_257 : i32
        %mul3A_612 = arith.constant 128 : i32
        %mul3A_613 = arith.muli %add3A_611, %mul3A_612 : i32
        %dma_wait3A_614 = arith.constant 1 : i32
        %dma_wait3A_615 = arith.constant 2 : i32
        %dma_wait3A_616 = arith.constant 0 : i32
        %dma_wait3A_617 = tpu.memref_slice %arg7[%dma_wait3A_615, %dma_wait3A_616] : memref<4x128xi32, #tpu.memory_space<vmem>> -> memref<1x128xi32, #tpu.memory_space<vmem>>
        %dma_wait3A_618 = tpu.memref_squeeze %dma_wait3A_617 : memref<1x128xi32, #tpu.memory_space<vmem>> -> memref<128xi32, #tpu.memory_space<vmem>>
        %dma_wait3A_619 = tpu.memref_slice %arg3[%dma_wait3A_614, %mul3A_613] : memref<2x320000xi32, #tpu.memory_space<hbm>> -> memref<1x128xi32, #tpu.memory_space<hbm>>
        %dma_wait3A_620 = tpu.memref_squeeze %dma_wait3A_619 : memref<1x128xi32, #tpu.memory_space<hbm>> -> memref<128xi32, #tpu.memory_space<hbm>>
        %dma_wait3A_621 = arith.constant 0 : i32
        %dma_wait3A_622 = tpu.memref_slice %arg7[%dma_wait3A_615, %dma_wait3A_621] : memref<4x128xi32, #tpu.memory_space<vmem>> -> memref<1x128xi32, #tpu.memory_space<vmem>>
        %dma_wait3A_623 = tpu.memref_squeeze %dma_wait3A_622 : memref<1x128xi32, #tpu.memory_space<vmem>> -> memref<128xi32, #tpu.memory_space<vmem>>
        %dma_wait3A_624 = tpu.memref_slice %arg3[%dma_wait3A_614, %mul3A_613] : memref<2x320000xi32, #tpu.memory_space<hbm>> -> memref<1x128xi32, #tpu.memory_space<hbm>>
        %dma_wait3A_625 = tpu.memref_squeeze %dma_wait3A_624 : memref<1x128xi32, #tpu.memory_space<hbm>> -> memref<128xi32, #tpu.memory_space<hbm>>
        tpu.wait_dma2 semaphore(%arg24 : memref<!tpu.dma_semaphore, #tpu.memory_space<semaphore_mem>>) src(%dma_wait3A_625 : memref<128xi32, #tpu.memory_space<hbm>>) dst(%dma_wait3A_623 : memref<128xi32, #tpu.memory_space<vmem>>)
        %dma_start3A_626 = arith.constant 2 : i32
        %dma_start3A_627 = arith.constant 0 : i32
        %dma_start3A_628 = tpu.memref_slice %arg7[%dma_start3A_626, %dma_start3A_627] : memref<4x128xi32, #tpu.memory_space<vmem>> -> memref<1x128xi32, #tpu.memory_space<vmem>>
        %dma_start3A_629 = tpu.memref_squeeze %dma_start3A_628 : memref<1x128xi32, #tpu.memory_space<vmem>> -> memref<128xi32, #tpu.memory_space<vmem>>
        %dma_start3A_630 = arith.constant 0 : i32
        %dma_start3A_631 = arith.constant 0 : i32
        %dma_start3A_632 = tpu.memref_slice %arg11[%dma_start3A_630, %dma_start3A_631] : memref<10000x128xf32, #tpu.memory_space<vmem_shared>> -> memref<10000x128xf32, #tpu.memory_space<vmem_shared>>
        tpu.enqueue_indirect_dma source(%arg10 : memref<128x128xf32, #tpu.memory_space<vmem>>) target(%dma_start3A_632 : memref<10000x128xf32, #tpu.memory_space<vmem_shared>>) offsets(%dma_start3A_629 : memref<128xi32, #tpu.memory_space<vmem>>) semaphore(%arg17 : memref<!tpu.dma_semaphore, #tpu.memory_space<semaphore_mem>>) {add = true}
      } else {
      }
      %add3A_277 = arith.constant 4 : i32
      %add3A_278 = arith.addi %add3A_257, %add3A_277 : i32
      %lt3A_279 = arith.cmpi slt, %add3A_278, %add3A_8 : i32
      %convert_element_type3A_280 = arith.extui %lt3A_279 : i1 to i32
      %cond3A_281 = arith.constant 0 : i32
      %cond3A_282 = arith.cmpi ne, %convert_element_type3A_280, %cond3A_281 : i32
      scf.if %cond3A_282 {
        %add3A_604 = arith.constant 4 : i32
        %add3A_605 = arith.addi %add3A_257, %add3A_604 : i32
        %add3A_606 = arith.addi %add3A_4, %add3A_605 : i32
        %mul3A_607 = arith.constant 128 : i32
        %mul3A_608 = arith.muli %add3A_606, %mul3A_607 : i32
        %dma_start3A_609 = arith.constant 0 : i32
        %dma_start3A_610 = arith.constant 2 : i32
        %dma_start3A_611 = arith.constant 0 : i32
        %dma_start3A_612 = tpu.memref_slice %arg6[%dma_start3A_610, %dma_start3A_611] : memref<4x128xi32, #tpu.memory_space<vmem>> -> memref<1x128xi32, #tpu.memory_space<vmem>>
        %dma_start3A_613 = tpu.memref_squeeze %dma_start3A_612 : memref<1x128xi32, #tpu.memory_space<vmem>> -> memref<128xi32, #tpu.memory_space<vmem>>
        %dma_start3A_614 = tpu.memref_slice %arg3[%dma_start3A_609, %mul3A_608] : memref<2x320000xi32, #tpu.memory_space<hbm>> -> memref<1x128xi32, #tpu.memory_space<hbm>>
        %dma_start3A_615 = tpu.memref_squeeze %dma_start3A_614 : memref<1x128xi32, #tpu.memory_space<hbm>> -> memref<128xi32, #tpu.memory_space<hbm>>
        %dma_start3A_616 = arith.constant 0 : i32
        %dma_start3A_617 = tpu.memref_slice %arg6[%dma_start3A_610, %dma_start3A_616] : memref<4x128xi32, #tpu.memory_space<vmem>> -> memref<1x128xi32, #tpu.memory_space<vmem>>
        %dma_start3A_618 = tpu.memref_squeeze %dma_start3A_617 : memref<1x128xi32, #tpu.memory_space<vmem>> -> memref<128xi32, #tpu.memory_space<vmem>>
        %dma_start3A_619 = tpu.memref_slice %arg3[%dma_start3A_609, %mul3A_608] : memref<2x320000xi32, #tpu.memory_space<hbm>> -> memref<1x128xi32, #tpu.memory_space<hbm>>
        %dma_start3A_620 = tpu.memref_squeeze %dma_start3A_619 : memref<1x128xi32, #tpu.memory_space<hbm>> -> memref<128xi32, #tpu.memory_space<hbm>>
        tpu.enqueue_dma source(%dma_start3A_620 : memref<128xi32, #tpu.memory_space<hbm>>) target(%dma_start3A_618 : memref<128xi32, #tpu.memory_space<vmem>>) target_semaphore(%arg20 : memref<!tpu.dma_semaphore, #tpu.memory_space<semaphore_mem>>)
      } else {
      }
      %add3A_283 = arith.constant 2 : i32
      %add3A_284 = arith.addi %add3A_257, %add3A_283 : i32
      %lt3A_285 = arith.cmpi slt, %add3A_284, %add3A_8 : i32
      %convert_element_type3A_286 = arith.extui %lt3A_285 : i1 to i32
      %cond3A_287 = arith.constant 0 : i32
      %cond3A_288 = arith.cmpi ne, %convert_element_type3A_286, %cond3A_287 : i32
      scf.if %cond3A_288 {
        %add3A_604 = arith.constant 2 : i32
        %add3A_605 = arith.addi %add3A_257, %add3A_604 : i32
        %add3A_606 = arith.addi %add3A_4, %add3A_605 : i32
        %mul3A_607 = arith.constant 128 : i32
        %mul3A_608 = arith.muli %add3A_606, %mul3A_607 : i32
        %dma_start3A_609 = arith.constant 1 : i32
        %dma_start3A_610 = arith.constant 0 : i32
        %dma_start3A_611 = arith.constant 0 : i32
        %dma_start3A_612 = tpu.memref_slice %arg7[%dma_start3A_610, %dma_start3A_611] : memref<4x128xi32, #tpu.memory_space<vmem>> -> memref<1x128xi32, #tpu.memory_space<vmem>>
        %dma_start3A_613 = tpu.memref_squeeze %dma_start3A_612 : memref<1x128xi32, #tpu.memory_space<vmem>> -> memref<128xi32, #tpu.memory_space<vmem>>
        %dma_start3A_614 = tpu.memref_slice %arg3[%dma_start3A_609, %mul3A_608] : memref<2x320000xi32, #tpu.memory_space<hbm>> -> memref<1x128xi32, #tpu.memory_space<hbm>>
        %dma_start3A_615 = tpu.memref_squeeze %dma_start3A_614 : memref<1x128xi32, #tpu.memory_space<hbm>> -> memref<128xi32, #tpu.memory_space<hbm>>
        %dma_start3A_616 = arith.constant 0 : i32
        %dma_start3A_617 = tpu.memref_slice %arg7[%dma_start3A_610, %dma_start3A_616] : memref<4x128xi32, #tpu.memory_space<vmem>> -> memref<1x128xi32, #tpu.memory_space<vmem>>
        %dma_start3A_618 = tpu.memref_squeeze %dma_start3A_617 : memref<1x128xi32, #tpu.memory_space<vmem>> -> memref<128xi32, #tpu.memory_space<vmem>>
        %dma_start3A_619 = tpu.memref_slice %arg3[%dma_start3A_609, %mul3A_608] : memref<2x320000xi32, #tpu.memory_space<hbm>> -> memref<1x128xi32, #tpu.memory_space<hbm>>
        %dma_start3A_620 = tpu.memref_squeeze %dma_start3A_619 : memref<1x128xi32, #tpu.memory_space<hbm>> -> memref<128xi32, #tpu.memory_space<hbm>>
        tpu.enqueue_dma source(%dma_start3A_620 : memref<128xi32, #tpu.memory_space<hbm>>) target(%dma_start3A_618 : memref<128xi32, #tpu.memory_space<vmem>>) target_semaphore(%arg22 : memref<!tpu.dma_semaphore, #tpu.memory_space<semaphore_mem>>)
      } else {
      }
      %mul3A_289 = arith.constant 12 : i32
      %mul3A_290 = arith.muli %mul3A_289, %add3A_186 : i32
      %add3A_291 = arith.constant 3 : i32
      %add3A_292 = arith.addi %mul3A_290, %add3A_291 : i32
      %ge3A_293 = arith.constant 1 : i32
      %ge3A_294 = arith.cmpi sge, %add3A_292, %ge3A_293 : i32
      %sub3A_295 = arith.constant 1 : i32
      %sub3A_296 = arith.subi %add3A_292, %sub3A_295 : i32
      %lt3A_297 = arith.cmpi slt, %sub3A_296, %add3A_8 : i32
      %and3A_298 = arith.andi %ge3A_294, %lt3A_297 : i1
      %convert_element_type3A_299 = arith.extui %and3A_298 : i1 to i32
      %cond3A_300 = arith.constant 0 : i32
      %cond3A_301 = arith.cmpi ne, %convert_element_type3A_299, %cond3A_300 : i32
      scf.if %cond3A_301 {
        %dma_wait3A_604 = arith.constant 2 : i32
        %dma_wait3A_605 = arith.constant 0 : i32
        %dma_wait3A_606 = tpu.memref_slice %arg7[%dma_wait3A_604, %dma_wait3A_605] : memref<4x128xi32, #tpu.memory_space<vmem>> -> memref<1x128xi32, #tpu.memory_space<vmem>>
        %dma_wait3A_607 = tpu.memref_squeeze %dma_wait3A_606 : memref<1x128xi32, #tpu.memory_space<vmem>> -> memref<128xi32, #tpu.memory_space<vmem>>
        %dma_wait3A_608 = arith.constant 0 : i32
        %dma_wait3A_609 = arith.constant 0 : i32
        %dma_wait3A_610 = tpu.memref_slice %arg11[%dma_wait3A_608, %dma_wait3A_609] : memref<10000x128xf32, #tpu.memory_space<vmem_shared>> -> memref<10000x128xf32, #tpu.memory_space<vmem_shared>>
        tpu.wait_indirect_dma semaphore(%arg17 : memref<!tpu.dma_semaphore, #tpu.memory_space<semaphore_mem>>) src(%arg10 : memref<128x128xf32, #tpu.memory_space<vmem>>) dst(%dma_wait3A_610 : memref<10000x128xf32, #tpu.memory_space<vmem_shared>>)
      } else {
      }
      %add3A_302 = arith.constant 2 : i32
      %add3A_303 = arith.addi %add3A_292, %add3A_302 : i32
      %lt3A_304 = arith.cmpi slt, %add3A_303, %add3A_8 : i32
      %convert_element_type3A_305 = arith.extui %lt3A_304 : i1 to i32
      %cond3A_306 = arith.constant 0 : i32
      %cond3A_307 = arith.cmpi ne, %convert_element_type3A_305, %cond3A_306 : i32
      scf.if %cond3A_307 {
        %add3A_604 = arith.constant 2 : i32
        %add3A_605 = arith.addi %add3A_292, %add3A_604 : i32
        %add3A_606 = arith.addi %add3A_4, %add3A_605 : i32
        %mul3A_607 = arith.constant 128 : i32
        %mul3A_608 = arith.muli %add3A_606, %mul3A_607 : i32
        %dma_wait3A_609 = arith.constant 0 : i32
        %dma_wait3A_610 = arith.constant 1 : i32
        %dma_wait3A_611 = arith.constant 0 : i32
        %dma_wait3A_612 = tpu.memref_slice %arg6[%dma_wait3A_610, %dma_wait3A_611] : memref<4x128xi32, #tpu.memory_space<vmem>> -> memref<1x128xi32, #tpu.memory_space<vmem>>
        %dma_wait3A_613 = tpu.memref_squeeze %dma_wait3A_612 : memref<1x128xi32, #tpu.memory_space<vmem>> -> memref<128xi32, #tpu.memory_space<vmem>>
        %dma_wait3A_614 = tpu.memref_slice %arg3[%dma_wait3A_609, %mul3A_608] : memref<2x320000xi32, #tpu.memory_space<hbm>> -> memref<1x128xi32, #tpu.memory_space<hbm>>
        %dma_wait3A_615 = tpu.memref_squeeze %dma_wait3A_614 : memref<1x128xi32, #tpu.memory_space<hbm>> -> memref<128xi32, #tpu.memory_space<hbm>>
        %dma_wait3A_616 = arith.constant 0 : i32
        %dma_wait3A_617 = tpu.memref_slice %arg6[%dma_wait3A_610, %dma_wait3A_616] : memref<4x128xi32, #tpu.memory_space<vmem>> -> memref<1x128xi32, #tpu.memory_space<vmem>>
        %dma_wait3A_618 = tpu.memref_squeeze %dma_wait3A_617 : memref<1x128xi32, #tpu.memory_space<vmem>> -> memref<128xi32, #tpu.memory_space<vmem>>
        %dma_wait3A_619 = tpu.memref_slice %arg3[%dma_wait3A_609, %mul3A_608] : memref<2x320000xi32, #tpu.memory_space<hbm>> -> memref<1x128xi32, #tpu.memory_space<hbm>>
        %dma_wait3A_620 = tpu.memref_squeeze %dma_wait3A_619 : memref<1x128xi32, #tpu.memory_space<hbm>> -> memref<128xi32, #tpu.memory_space<hbm>>
        tpu.wait_dma2 semaphore(%arg19 : memref<!tpu.dma_semaphore, #tpu.memory_space<semaphore_mem>>) src(%dma_wait3A_620 : memref<128xi32, #tpu.memory_space<hbm>>) dst(%dma_wait3A_618 : memref<128xi32, #tpu.memory_space<vmem>>)
        %dma_start3A_621 = arith.constant 1 : i32
        %dma_start3A_622 = arith.constant 0 : i32
        %dma_start3A_623 = tpu.memref_slice %arg6[%dma_start3A_621, %dma_start3A_622] : memref<4x128xi32, #tpu.memory_space<vmem>> -> memref<1x128xi32, #tpu.memory_space<vmem>>
        %dma_start3A_624 = tpu.memref_squeeze %dma_start3A_623 : memref<1x128xi32, #tpu.memory_space<vmem>> -> memref<128xi32, #tpu.memory_space<vmem>>
        %dma_start3A_625 = arith.constant 0 : i32
        %dma_start3A_626 = arith.constant 0 : i32
        %dma_start3A_627 = tpu.memref_slice %arg2[%dma_start3A_625, %dma_start3A_626] : memref<10000x128xf32, #tpu.memory_space<hbm>> -> memref<10000x128xf32, #tpu.memory_space<hbm>>
        tpu.enqueue_indirect_dma source(%dma_start3A_627 : memref<10000x128xf32, #tpu.memory_space<hbm>>) target(%arg10 : memref<128x128xf32, #tpu.memory_space<vmem>>) offsets(%dma_start3A_624 : memref<128xi32, #tpu.memory_space<vmem>>) semaphore(%arg14 : memref<!tpu.dma_semaphore, #tpu.memory_space<semaphore_mem>>)
      } else {
      }
      %lt3A_308 = arith.cmpi slt, %add3A_292, %add3A_8 : i32
      %convert_element_type3A_309 = arith.extui %lt3A_308 : i1 to i32
      %cond3A_310 = arith.constant 0 : i32
      %cond3A_311 = arith.cmpi ne, %convert_element_type3A_309, %cond3A_310 : i32
      scf.if %cond3A_311 {
        %dma_wait3A_604 = arith.constant 3 : i32
        %dma_wait3A_605 = arith.constant 0 : i32
        %dma_wait3A_606 = tpu.memref_slice %arg6[%dma_wait3A_604, %dma_wait3A_605] : memref<4x128xi32, #tpu.memory_space<vmem>> -> memref<1x128xi32, #tpu.memory_space<vmem>>
        %dma_wait3A_607 = tpu.memref_squeeze %dma_wait3A_606 : memref<1x128xi32, #tpu.memory_space<vmem>> -> memref<128xi32, #tpu.memory_space<vmem>>
        %dma_wait3A_608 = arith.constant 0 : i32
        %dma_wait3A_609 = arith.constant 0 : i32
        %dma_wait3A_610 = tpu.memref_slice %arg2[%dma_wait3A_608, %dma_wait3A_609] : memref<10000x128xf32, #tpu.memory_space<hbm>> -> memref<10000x128xf32, #tpu.memory_space<hbm>>
        tpu.wait_indirect_dma semaphore(%arg12 : memref<!tpu.dma_semaphore, #tpu.memory_space<semaphore_mem>>) src(%dma_wait3A_610 : memref<10000x128xf32, #tpu.memory_space<hbm>>) dst(%arg8 : memref<128x128xf32, #tpu.memory_space<vmem>>)
        %add3A_611 = arith.addi %add3A_4, %add3A_292 : i32
        %mul3A_612 = arith.constant 128 : i32
        %mul3A_613 = arith.muli %add3A_611, %mul3A_612 : i32
        %dma_wait3A_614 = arith.constant 1 : i32
        %dma_wait3A_615 = arith.constant 3 : i32
        %dma_wait3A_616 = arith.constant 0 : i32
        %dma_wait3A_617 = tpu.memref_slice %arg7[%dma_wait3A_615, %dma_wait3A_616] : memref<4x128xi32, #tpu.memory_space<vmem>> -> memref<1x128xi32, #tpu.memory_space<vmem>>
        %dma_wait3A_618 = tpu.memref_squeeze %dma_wait3A_617 : memref<1x128xi32, #tpu.memory_space<vmem>> -> memref<128xi32, #tpu.memory_space<vmem>>
        %dma_wait3A_619 = tpu.memref_slice %arg3[%dma_wait3A_614, %mul3A_613] : memref<2x320000xi32, #tpu.memory_space<hbm>> -> memref<1x128xi32, #tpu.memory_space<hbm>>
        %dma_wait3A_620 = tpu.memref_squeeze %dma_wait3A_619 : memref<1x128xi32, #tpu.memory_space<hbm>> -> memref<128xi32, #tpu.memory_space<hbm>>
        %dma_wait3A_621 = arith.constant 0 : i32
        %dma_wait3A_622 = tpu.memref_slice %arg7[%dma_wait3A_615, %dma_wait3A_621] : memref<4x128xi32, #tpu.memory_space<vmem>> -> memref<1x128xi32, #tpu.memory_space<vmem>>
        %dma_wait3A_623 = tpu.memref_squeeze %dma_wait3A_622 : memref<1x128xi32, #tpu.memory_space<vmem>> -> memref<128xi32, #tpu.memory_space<vmem>>
        %dma_wait3A_624 = tpu.memref_slice %arg3[%dma_wait3A_614, %mul3A_613] : memref<2x320000xi32, #tpu.memory_space<hbm>> -> memref<1x128xi32, #tpu.memory_space<hbm>>
        %dma_wait3A_625 = tpu.memref_squeeze %dma_wait3A_624 : memref<1x128xi32, #tpu.memory_space<hbm>> -> memref<128xi32, #tpu.memory_space<hbm>>
        tpu.wait_dma2 semaphore(%arg25 : memref<!tpu.dma_semaphore, #tpu.memory_space<semaphore_mem>>) src(%dma_wait3A_625 : memref<128xi32, #tpu.memory_space<hbm>>) dst(%dma_wait3A_623 : memref<128xi32, #tpu.memory_space<vmem>>)
        %dma_start3A_626 = arith.constant 3 : i32
        %dma_start3A_627 = arith.constant 0 : i32
        %dma_start3A_628 = tpu.memref_slice %arg7[%dma_start3A_626, %dma_start3A_627] : memref<4x128xi32, #tpu.memory_space<vmem>> -> memref<1x128xi32, #tpu.memory_space<vmem>>
        %dma_start3A_629 = tpu.memref_squeeze %dma_start3A_628 : memref<1x128xi32, #tpu.memory_space<vmem>> -> memref<128xi32, #tpu.memory_space<vmem>>
        %dma_start3A_630 = arith.constant 0 : i32
        %dma_start3A_631 = arith.constant 0 : i32
        %dma_start3A_632 = tpu.memref_slice %arg11[%dma_start3A_630, %dma_start3A_631] : memref<10000x128xf32, #tpu.memory_space<vmem_shared>> -> memref<10000x128xf32, #tpu.memory_space<vmem_shared>>
        tpu.enqueue_indirect_dma source(%arg8 : memref<128x128xf32, #tpu.memory_space<vmem>>) target(%dma_start3A_632 : memref<10000x128xf32, #tpu.memory_space<vmem_shared>>) offsets(%dma_start3A_629 : memref<128xi32, #tpu.memory_space<vmem>>) semaphore(%arg15 : memref<!tpu.dma_semaphore, #tpu.memory_space<semaphore_mem>>) {add = true}
      } else {
      }
      %add3A_312 = arith.constant 4 : i32
      %add3A_313 = arith.addi %add3A_292, %add3A_312 : i32
      %lt3A_314 = arith.cmpi slt, %add3A_313, %add3A_8 : i32
      %convert_element_type3A_315 = arith.extui %lt3A_314 : i1 to i32
      %cond3A_316 = arith.constant 0 : i32
      %cond3A_317 = arith.cmpi ne, %convert_element_type3A_315, %cond3A_316 : i32
      scf.if %cond3A_317 {
        %add3A_604 = arith.constant 4 : i32
        %add3A_605 = arith.addi %add3A_292, %add3A_604 : i32
        %add3A_606 = arith.addi %add3A_4, %add3A_605 : i32
        %mul3A_607 = arith.constant 128 : i32
        %mul3A_608 = arith.muli %add3A_606, %mul3A_607 : i32
        %dma_start3A_609 = arith.constant 0 : i32
        %dma_start3A_610 = arith.constant 3 : i32
        %dma_start3A_611 = arith.constant 0 : i32
        %dma_start3A_612 = tpu.memref_slice %arg6[%dma_start3A_610, %dma_start3A_611] : memref<4x128xi32, #tpu.memory_space<vmem>> -> memref<1x128xi32, #tpu.memory_space<vmem>>
        %dma_start3A_613 = tpu.memref_squeeze %dma_start3A_612 : memref<1x128xi32, #tpu.memory_space<vmem>> -> memref<128xi32, #tpu.memory_space<vmem>>
        %dma_start3A_614 = tpu.memref_slice %arg3[%dma_start3A_609, %mul3A_608] : memref<2x320000xi32, #tpu.memory_space<hbm>> -> memref<1x128xi32, #tpu.memory_space<hbm>>
        %dma_start3A_615 = tpu.memref_squeeze %dma_start3A_614 : memref<1x128xi32, #tpu.memory_space<hbm>> -> memref<128xi32, #tpu.memory_space<hbm>>
        %dma_start3A_616 = arith.constant 0 : i32
        %dma_start3A_617 = tpu.memref_slice %arg6[%dma_start3A_610, %dma_start3A_616] : memref<4x128xi32, #tpu.memory_space<vmem>> -> memref<1x128xi32, #tpu.memory_space<vmem>>
        %dma_start3A_618 = tpu.memref_squeeze %dma_start3A_617 : memref<1x128xi32, #tpu.memory_space<vmem>> -> memref<128xi32, #tpu.memory_space<vmem>>
        %dma_start3A_619 = tpu.memref_slice %arg3[%dma_start3A_609, %mul3A_608] : memref<2x320000xi32, #tpu.memory_space<hbm>> -> memref<1x128xi32, #tpu.memory_space<hbm>>
        %dma_start3A_620 = tpu.memref_squeeze %dma_start3A_619 : memref<1x128xi32, #tpu.memory_space<hbm>> -> memref<128xi32, #tpu.memory_space<hbm>>
        tpu.enqueue_dma source(%dma_start3A_620 : memref<128xi32, #tpu.memory_space<hbm>>) target(%dma_start3A_618 : memref<128xi32, #tpu.memory_space<vmem>>) target_semaphore(%arg21 : memref<!tpu.dma_semaphore, #tpu.memory_space<semaphore_mem>>)
      } else {
      }
      %add3A_318 = arith.constant 2 : i32
      %add3A_319 = arith.addi %add3A_292, %add3A_318 : i32
      %lt3A_320 = arith.cmpi slt, %add3A_319, %add3A_8 : i32
      %convert_element_type3A_321 = arith.extui %lt3A_320 : i1 to i32
      %cond3A_322 = arith.constant 0 : i32
      %cond3A_323 = arith.cmpi ne, %convert_element_type3A_321, %cond3A_322 : i32
      scf.if %cond3A_323 {
        %add3A_604 = arith.constant 2 : i32
        %add3A_605 = arith.addi %add3A_292, %add3A_604 : i32
        %add3A_606 = arith.addi %add3A_4, %add3A_605 : i32
        %mul3A_607 = arith.constant 128 : i32
        %mul3A_608 = arith.muli %add3A_606, %mul3A_607 : i32
        %dma_start3A_609 = arith.constant 1 : i32
        %dma_start3A_610 = arith.constant 1 : i32
        %dma_start3A_611 = arith.constant 0 : i32
        %dma_start3A_612 = tpu.memref_slice %arg7[%dma_start3A_610, %dma_start3A_611] : memref<4x128xi32, #tpu.memory_space<vmem>> -> memref<1x128xi32, #tpu.memory_space<vmem>>
        %dma_start3A_613 = tpu.memref_squeeze %dma_start3A_612 : memref<1x128xi32, #tpu.memory_space<vmem>> -> memref<128xi32, #tpu.memory_space<vmem>>
        %dma_start3A_614 = tpu.memref_slice %arg3[%dma_start3A_609, %mul3A_608] : memref<2x320000xi32, #tpu.memory_space<hbm>> -> memref<1x128xi32, #tpu.memory_space<hbm>>
        %dma_start3A_615 = tpu.memref_squeeze %dma_start3A_614 : memref<1x128xi32, #tpu.memory_space<hbm>> -> memref<128xi32, #tpu.memory_space<hbm>>
        %dma_start3A_616 = arith.constant 0 : i32
        %dma_start3A_617 = tpu.memref_slice %arg7[%dma_start3A_610, %dma_start3A_616] : memref<4x128xi32, #tpu.memory_space<vmem>> -> memref<1x128xi32, #tpu.memory_space<vmem>>
        %dma_start3A_618 = tpu.memref_squeeze %dma_start3A_617 : memref<1x128xi32, #tpu.memory_space<vmem>> -> memref<128xi32, #tpu.memory_space<vmem>>
        %dma_start3A_619 = tpu.memref_slice %arg3[%dma_start3A_609, %mul3A_608] : memref<2x320000xi32, #tpu.memory_space<hbm>> -> memref<1x128xi32, #tpu.memory_space<hbm>>
        %dma_start3A_620 = tpu.memref_squeeze %dma_start3A_619 : memref<1x128xi32, #tpu.memory_space<hbm>> -> memref<128xi32, #tpu.memory_space<hbm>>
        tpu.enqueue_dma source(%dma_start3A_620 : memref<128xi32, #tpu.memory_space<hbm>>) target(%dma_start3A_618 : memref<128xi32, #tpu.memory_space<vmem>>) target_semaphore(%arg23 : memref<!tpu.dma_semaphore, #tpu.memory_space<semaphore_mem>>)
      } else {
      }
      %mul3A_324 = arith.constant 12 : i32
      %mul3A_325 = arith.muli %mul3A_324, %add3A_186 : i32
      %add3A_326 = arith.constant 4 : i32
      %add3A_327 = arith.addi %mul3A_325, %add3A_326 : i32
      %ge3A_328 = arith.constant 1 : i32
      %ge3A_329 = arith.cmpi sge, %add3A_327, %ge3A_328 : i32
      %sub3A_330 = arith.constant 1 : i32
      %sub3A_331 = arith.subi %add3A_327, %sub3A_330 : i32
      %lt3A_332 = arith.cmpi slt, %sub3A_331, %add3A_8 : i32
      %and3A_333 = arith.andi %ge3A_329, %lt3A_332 : i1
      %convert_element_type3A_334 = arith.extui %and3A_333 : i1 to i32
      %cond3A_335 = arith.constant 0 : i32
      %cond3A_336 = arith.cmpi ne, %convert_element_type3A_334, %cond3A_335 : i32
      scf.if %cond3A_336 {
        %dma_wait3A_604 = arith.constant 3 : i32
        %dma_wait3A_605 = arith.constant 0 : i32
        %dma_wait3A_606 = tpu.memref_slice %arg7[%dma_wait3A_604, %dma_wait3A_605] : memref<4x128xi32, #tpu.memory_space<vmem>> -> memref<1x128xi32, #tpu.memory_space<vmem>>
        %dma_wait3A_607 = tpu.memref_squeeze %dma_wait3A_606 : memref<1x128xi32, #tpu.memory_space<vmem>> -> memref<128xi32, #tpu.memory_space<vmem>>
        %dma_wait3A_608 = arith.constant 0 : i32
        %dma_wait3A_609 = arith.constant 0 : i32
        %dma_wait3A_610 = tpu.memref_slice %arg11[%dma_wait3A_608, %dma_wait3A_609] : memref<10000x128xf32, #tpu.memory_space<vmem_shared>> -> memref<10000x128xf32, #tpu.memory_space<vmem_shared>>
        tpu.wait_indirect_dma semaphore(%arg15 : memref<!tpu.dma_semaphore, #tpu.memory_space<semaphore_mem>>) src(%arg8 : memref<128x128xf32, #tpu.memory_space<vmem>>) dst(%dma_wait3A_610 : memref<10000x128xf32, #tpu.memory_space<vmem_shared>>)
      } else {
      }
      %add3A_337 = arith.constant 2 : i32
      %add3A_338 = arith.addi %add3A_327, %add3A_337 : i32
      %lt3A_339 = arith.cmpi slt, %add3A_338, %add3A_8 : i32
      %convert_element_type3A_340 = arith.extui %lt3A_339 : i1 to i32
      %cond3A_341 = arith.constant 0 : i32
      %cond3A_342 = arith.cmpi ne, %convert_element_type3A_340, %cond3A_341 : i32
      scf.if %cond3A_342 {
        %add3A_604 = arith.constant 2 : i32
        %add3A_605 = arith.addi %add3A_327, %add3A_604 : i32
        %add3A_606 = arith.addi %add3A_4, %add3A_605 : i32
        %mul3A_607 = arith.constant 128 : i32
        %mul3A_608 = arith.muli %add3A_606, %mul3A_607 : i32
        %dma_wait3A_609 = arith.constant 0 : i32
        %dma_wait3A_610 = arith.constant 2 : i32
        %dma_wait3A_611 = arith.constant 0 : i32
        %dma_wait3A_612 = tpu.memref_slice %arg6[%dma_wait3A_610, %dma_wait3A_611] : memref<4x128xi32, #tpu.memory_space<vmem>> -> memref<1x128xi32, #tpu.memory_space<vmem>>
        %dma_wait3A_613 = tpu.memref_squeeze %dma_wait3A_612 : memref<1x128xi32, #tpu.memory_space<vmem>> -> memref<128xi32, #tpu.memory_space<vmem>>
        %dma_wait3A_614 = tpu.memref_slice %arg3[%dma_wait3A_609, %mul3A_608] : memref<2x320000xi32, #tpu.memory_space<hbm>> -> memref<1x128xi32, #tpu.memory_space<hbm>>
        %dma_wait3A_615 = tpu.memref_squeeze %dma_wait3A_614 : memref<1x128xi32, #tpu.memory_space<hbm>> -> memref<128xi32, #tpu.memory_space<hbm>>
        %dma_wait3A_616 = arith.constant 0 : i32
        %dma_wait3A_617 = tpu.memref_slice %arg6[%dma_wait3A_610, %dma_wait3A_616] : memref<4x128xi32, #tpu.memory_space<vmem>> -> memref<1x128xi32, #tpu.memory_space<vmem>>
        %dma_wait3A_618 = tpu.memref_squeeze %dma_wait3A_617 : memref<1x128xi32, #tpu.memory_space<vmem>> -> memref<128xi32, #tpu.memory_space<vmem>>
        %dma_wait3A_619 = tpu.memref_slice %arg3[%dma_wait3A_609, %mul3A_608] : memref<2x320000xi32, #tpu.memory_space<hbm>> -> memref<1x128xi32, #tpu.memory_space<hbm>>
        %dma_wait3A_620 = tpu.memref_squeeze %dma_wait3A_619 : memref<1x128xi32, #tpu.memory_space<hbm>> -> memref<128xi32, #tpu.memory_space<hbm>>
        tpu.wait_dma2 semaphore(%arg20 : memref<!tpu.dma_semaphore, #tpu.memory_space<semaphore_mem>>) src(%dma_wait3A_620 : memref<128xi32, #tpu.memory_space<hbm>>) dst(%dma_wait3A_618 : memref<128xi32, #tpu.memory_space<vmem>>)
        %dma_start3A_621 = arith.constant 2 : i32
        %dma_start3A_622 = arith.constant 0 : i32
        %dma_start3A_623 = tpu.memref_slice %arg6[%dma_start3A_621, %dma_start3A_622] : memref<4x128xi32, #tpu.memory_space<vmem>> -> memref<1x128xi32, #tpu.memory_space<vmem>>
        %dma_start3A_624 = tpu.memref_squeeze %dma_start3A_623 : memref<1x128xi32, #tpu.memory_space<vmem>> -> memref<128xi32, #tpu.memory_space<vmem>>
        %dma_start3A_625 = arith.constant 0 : i32
        %dma_start3A_626 = arith.constant 0 : i32
        %dma_start3A_627 = tpu.memref_slice %arg2[%dma_start3A_625, %dma_start3A_626] : memref<10000x128xf32, #tpu.memory_space<hbm>> -> memref<10000x128xf32, #tpu.memory_space<hbm>>
        tpu.enqueue_indirect_dma source(%dma_start3A_627 : memref<10000x128xf32, #tpu.memory_space<hbm>>) target(%arg8 : memref<128x128xf32, #tpu.memory_space<vmem>>) offsets(%dma_start3A_624 : memref<128xi32, #tpu.memory_space<vmem>>) semaphore(%arg12 : memref<!tpu.dma_semaphore, #tpu.memory_space<semaphore_mem>>)
      } else {
      }
      %lt3A_343 = arith.cmpi slt, %add3A_327, %add3A_8 : i32
      %convert_element_type3A_344 = arith.extui %lt3A_343 : i1 to i32
      %cond3A_345 = arith.constant 0 : i32
      %cond3A_346 = arith.cmpi ne, %convert_element_type3A_344, %cond3A_345 : i32
      scf.if %cond3A_346 {
        %dma_wait3A_604 = arith.constant 0 : i32
        %dma_wait3A_605 = arith.constant 0 : i32
        %dma_wait3A_606 = tpu.memref_slice %arg6[%dma_wait3A_604, %dma_wait3A_605] : memref<4x128xi32, #tpu.memory_space<vmem>> -> memref<1x128xi32, #tpu.memory_space<vmem>>
        %dma_wait3A_607 = tpu.memref_squeeze %dma_wait3A_606 : memref<1x128xi32, #tpu.memory_space<vmem>> -> memref<128xi32, #tpu.memory_space<vmem>>
        %dma_wait3A_608 = arith.constant 0 : i32
        %dma_wait3A_609 = arith.constant 0 : i32
        %dma_wait3A_610 = tpu.memref_slice %arg2[%dma_wait3A_608, %dma_wait3A_609] : memref<10000x128xf32, #tpu.memory_space<hbm>> -> memref<10000x128xf32, #tpu.memory_space<hbm>>
        tpu.wait_indirect_dma semaphore(%arg13 : memref<!tpu.dma_semaphore, #tpu.memory_space<semaphore_mem>>) src(%dma_wait3A_610 : memref<10000x128xf32, #tpu.memory_space<hbm>>) dst(%arg9 : memref<128x128xf32, #tpu.memory_space<vmem>>)
        %add3A_611 = arith.addi %add3A_4, %add3A_327 : i32
        %mul3A_612 = arith.constant 128 : i32
        %mul3A_613 = arith.muli %add3A_611, %mul3A_612 : i32
        %dma_wait3A_614 = arith.constant 1 : i32
        %dma_wait3A_615 = arith.constant 0 : i32
        %dma_wait3A_616 = arith.constant 0 : i32
        %dma_wait3A_617 = tpu.memref_slice %arg7[%dma_wait3A_615, %dma_wait3A_616] : memref<4x128xi32, #tpu.memory_space<vmem>> -> memref<1x128xi32, #tpu.memory_space<vmem>>
        %dma_wait3A_618 = tpu.memref_squeeze %dma_wait3A_617 : memref<1x128xi32, #tpu.memory_space<vmem>> -> memref<128xi32, #tpu.memory_space<vmem>>
        %dma_wait3A_619 = tpu.memref_slice %arg3[%dma_wait3A_614, %mul3A_613] : memref<2x320000xi32, #tpu.memory_space<hbm>> -> memref<1x128xi32, #tpu.memory_space<hbm>>
        %dma_wait3A_620 = tpu.memref_squeeze %dma_wait3A_619 : memref<1x128xi32, #tpu.memory_space<hbm>> -> memref<128xi32, #tpu.memory_space<hbm>>
        %dma_wait3A_621 = arith.constant 0 : i32
        %dma_wait3A_622 = tpu.memref_slice %arg7[%dma_wait3A_615, %dma_wait3A_621] : memref<4x128xi32, #tpu.memory_space<vmem>> -> memref<1x128xi32, #tpu.memory_space<vmem>>
        %dma_wait3A_623 = tpu.memref_squeeze %dma_wait3A_622 : memref<1x128xi32, #tpu.memory_space<vmem>> -> memref<128xi32, #tpu.memory_space<vmem>>
        %dma_wait3A_624 = tpu.memref_slice %arg3[%dma_wait3A_614, %mul3A_613] : memref<2x320000xi32, #tpu.memory_space<hbm>> -> memref<1x128xi32, #tpu.memory_space<hbm>>
        %dma_wait3A_625 = tpu.memref_squeeze %dma_wait3A_624 : memref<1x128xi32, #tpu.memory_space<hbm>> -> memref<128xi32, #tpu.memory_space<hbm>>
        tpu.wait_dma2 semaphore(%arg22 : memref<!tpu.dma_semaphore, #tpu.memory_space<semaphore_mem>>) src(%dma_wait3A_625 : memref<128xi32, #tpu.memory_space<hbm>>) dst(%dma_wait3A_623 : memref<128xi32, #tpu.memory_space<vmem>>)
        %dma_start3A_626 = arith.constant 0 : i32
        %dma_start3A_627 = arith.constant 0 : i32
        %dma_start3A_628 = tpu.memref_slice %arg7[%dma_start3A_626, %dma_start3A_627] : memref<4x128xi32, #tpu.memory_space<vmem>> -> memref<1x128xi32, #tpu.memory_space<vmem>>
        %dma_start3A_629 = tpu.memref_squeeze %dma_start3A_628 : memref<1x128xi32, #tpu.memory_space<vmem>> -> memref<128xi32, #tpu.memory_space<vmem>>
        %dma_start3A_630 = arith.constant 0 : i32
        %dma_start3A_631 = arith.constant 0 : i32
        %dma_start3A_632 = tpu.memref_slice %arg11[%dma_start3A_630, %dma_start3A_631] : memref<10000x128xf32, #tpu.memory_space<vmem_shared>> -> memref<10000x128xf32, #tpu.memory_space<vmem_shared>>
        tpu.enqueue_indirect_dma source(%arg9 : memref<128x128xf32, #tpu.memory_space<vmem>>) target(%dma_start3A_632 : memref<10000x128xf32, #tpu.memory_space<vmem_shared>>) offsets(%dma_start3A_629 : memref<128xi32, #tpu.memory_space<vmem>>) semaphore(%arg16 : memref<!tpu.dma_semaphore, #tpu.memory_space<semaphore_mem>>) {add = true}
      } else {
      }
      %add3A_347 = arith.constant 4 : i32
      %add3A_348 = arith.addi %add3A_327, %add3A_347 : i32
      %lt3A_349 = arith.cmpi slt, %add3A_348, %add3A_8 : i32
      %convert_element_type3A_350 = arith.extui %lt3A_349 : i1 to i32
      %cond3A_351 = arith.constant 0 : i32
      %cond3A_352 = arith.cmpi ne, %convert_element_type3A_350, %cond3A_351 : i32
      scf.if %cond3A_352 {
        %add3A_604 = arith.constant 4 : i32
        %add3A_605 = arith.addi %add3A_327, %add3A_604 : i32
        %add3A_606 = arith.addi %add3A_4, %add3A_605 : i32
        %mul3A_607 = arith.constant 128 : i32
        %mul3A_608 = arith.muli %add3A_606, %mul3A_607 : i32
        %dma_start3A_609 = arith.constant 0 : i32
        %dma_start3A_610 = arith.constant 0 : i32
        %dma_start3A_611 = arith.constant 0 : i32
        %dma_start3A_612 = tpu.memref_slice %arg6[%dma_start3A_610, %dma_start3A_611] : memref<4x128xi32, #tpu.memory_space<vmem>> -> memref<1x128xi32, #tpu.memory_space<vmem>>
        %dma_start3A_613 = tpu.memref_squeeze %dma_start3A_612 : memref<1x128xi32, #tpu.memory_space<vmem>> -> memref<128xi32, #tpu.memory_space<vmem>>
        %dma_start3A_614 = tpu.memref_slice %arg3[%dma_start3A_609, %mul3A_608] : memref<2x320000xi32, #tpu.memory_space<hbm>> -> memref<1x128xi32, #tpu.memory_space<hbm>>
        %dma_start3A_615 = tpu.memref_squeeze %dma_start3A_614 : memref<1x128xi32, #tpu.memory_space<hbm>> -> memref<128xi32, #tpu.memory_space<hbm>>
        %dma_start3A_616 = arith.constant 0 : i32
        %dma_start3A_617 = tpu.memref_slice %arg6[%dma_start3A_610, %dma_start3A_616] : memref<4x128xi32, #tpu.memory_space<vmem>> -> memref<1x128xi32, #tpu.memory_space<vmem>>
        %dma_start3A_618 = tpu.memref_squeeze %dma_start3A_617 : memref<1x128xi32, #tpu.memory_space<vmem>> -> memref<128xi32, #tpu.memory_space<vmem>>
        %dma_start3A_619 = tpu.memref_slice %arg3[%dma_start3A_609, %mul3A_608] : memref<2x320000xi32, #tpu.memory_space<hbm>> -> memref<1x128xi32, #tpu.memory_space<hbm>>
        %dma_start3A_620 = tpu.memref_squeeze %dma_start3A_619 : memref<1x128xi32, #tpu.memory_space<hbm>> -> memref<128xi32, #tpu.memory_space<hbm>>
        tpu.enqueue_dma source(%dma_start3A_620 : memref<128xi32, #tpu.memory_space<hbm>>) target(%dma_start3A_618 : memref<128xi32, #tpu.memory_space<vmem>>) target_semaphore(%arg18 : memref<!tpu.dma_semaphore, #tpu.memory_space<semaphore_mem>>)
      } else {
      }
      %add3A_353 = arith.constant 2 : i32
      %add3A_354 = arith.addi %add3A_327, %add3A_353 : i32
      %lt3A_355 = arith.cmpi slt, %add3A_354, %add3A_8 : i32
      %convert_element_type3A_356 = arith.extui %lt3A_355 : i1 to i32
      %cond3A_357 = arith.constant 0 : i32
      %cond3A_358 = arith.cmpi ne, %convert_element_type3A_356, %cond3A_357 : i32
      scf.if %cond3A_358 {
        %add3A_604 = arith.constant 2 : i32
        %add3A_605 = arith.addi %add3A_327, %add3A_604 : i32
        %add3A_606 = arith.addi %add3A_4, %add3A_605 : i32
        %mul3A_607 = arith.constant 128 : i32
        %mul3A_608 = arith.muli %add3A_606, %mul3A_607 : i32
        %dma_start3A_609 = arith.constant 1 : i32
        %dma_start3A_610 = arith.constant 2 : i32
        %dma_start3A_611 = arith.constant 0 : i32
        %dma_start3A_612 = tpu.memref_slice %arg7[%dma_start3A_610, %dma_start3A_611] : memref<4x128xi32, #tpu.memory_space<vmem>> -> memref<1x128xi32, #tpu.memory_space<vmem>>
        %dma_start3A_613 = tpu.memref_squeeze %dma_start3A_612 : memref<1x128xi32, #tpu.memory_space<vmem>> -> memref<128xi32, #tpu.memory_space<vmem>>
        %dma_start3A_614 = tpu.memref_slice %arg3[%dma_start3A_609, %mul3A_608] : memref<2x320000xi32, #tpu.memory_space<hbm>> -> memref<1x128xi32, #tpu.memory_space<hbm>>
        %dma_start3A_615 = tpu.memref_squeeze %dma_start3A_614 : memref<1x128xi32, #tpu.memory_space<hbm>> -> memref<128xi32, #tpu.memory_space<hbm>>
        %dma_start3A_616 = arith.constant 0 : i32
        %dma_start3A_617 = tpu.memref_slice %arg7[%dma_start3A_610, %dma_start3A_616] : memref<4x128xi32, #tpu.memory_space<vmem>> -> memref<1x128xi32, #tpu.memory_space<vmem>>
        %dma_start3A_618 = tpu.memref_squeeze %dma_start3A_617 : memref<1x128xi32, #tpu.memory_space<vmem>> -> memref<128xi32, #tpu.memory_space<vmem>>
        %dma_start3A_619 = tpu.memref_slice %arg3[%dma_start3A_609, %mul3A_608] : memref<2x320000xi32, #tpu.memory_space<hbm>> -> memref<1x128xi32, #tpu.memory_space<hbm>>
        %dma_start3A_620 = tpu.memref_squeeze %dma_start3A_619 : memref<1x128xi32, #tpu.memory_space<hbm>> -> memref<128xi32, #tpu.memory_space<hbm>>
        tpu.enqueue_dma source(%dma_start3A_620 : memref<128xi32, #tpu.memory_space<hbm>>) target(%dma_start3A_618 : memref<128xi32, #tpu.memory_space<vmem>>) target_semaphore(%arg24 : memref<!tpu.dma_semaphore, #tpu.memory_space<semaphore_mem>>)
      } else {
      }
      %mul3A_359 = arith.constant 12 : i32
      %mul3A_360 = arith.muli %mul3A_359, %add3A_186 : i32
      %add3A_361 = arith.constant 5 : i32
      %add3A_362 = arith.addi %mul3A_360, %add3A_361 : i32
      %ge3A_363 = arith.constant 1 : i32
      %ge3A_364 = arith.cmpi sge, %add3A_362, %ge3A_363 : i32
      %sub3A_365 = arith.constant 1 : i32
      %sub3A_366 = arith.subi %add3A_362, %sub3A_365 : i32
      %lt3A_367 = arith.cmpi slt, %sub3A_366, %add3A_8 : i32
      %and3A_368 = arith.andi %ge3A_364, %lt3A_367 : i1
      %convert_element_type3A_369 = arith.extui %and3A_368 : i1 to i32
      %cond3A_370 = arith.constant 0 : i32
      %cond3A_371 = arith.cmpi ne, %convert_element_type3A_369, %cond3A_370 : i32
      scf.if %cond3A_371 {
        %dma_wait3A_604 = arith.constant 0 : i32
        %dma_wait3A_605 = arith.constant 0 : i32
        %dma_wait3A_606 = tpu.memref_slice %arg7[%dma_wait3A_604, %dma_wait3A_605] : memref<4x128xi32, #tpu.memory_space<vmem>> -> memref<1x128xi32, #tpu.memory_space<vmem>>
        %dma_wait3A_607 = tpu.memref_squeeze %dma_wait3A_606 : memref<1x128xi32, #tpu.memory_space<vmem>> -> memref<128xi32, #tpu.memory_space<vmem>>
        %dma_wait3A_608 = arith.constant 0 : i32
        %dma_wait3A_609 = arith.constant 0 : i32
        %dma_wait3A_610 = tpu.memref_slice %arg11[%dma_wait3A_608, %dma_wait3A_609] : memref<10000x128xf32, #tpu.memory_space<vmem_shared>> -> memref<10000x128xf32, #tpu.memory_space<vmem_shared>>
        tpu.wait_indirect_dma semaphore(%arg16 : memref<!tpu.dma_semaphore, #tpu.memory_space<semaphore_mem>>) src(%arg9 : memref<128x128xf32, #tpu.memory_space<vmem>>) dst(%dma_wait3A_610 : memref<10000x128xf32, #tpu.memory_space<vmem_shared>>)
      } else {
      }
      %add3A_372 = arith.constant 2 : i32
      %add3A_373 = arith.addi %add3A_362, %add3A_372 : i32
      %lt3A_374 = arith.cmpi slt, %add3A_373, %add3A_8 : i32
      %convert_element_type3A_375 = arith.extui %lt3A_374 : i1 to i32
      %cond3A_376 = arith.constant 0 : i32
      %cond3A_377 = arith.cmpi ne, %convert_element_type3A_375, %cond3A_376 : i32
      scf.if %cond3A_377 {
        %add3A_604 = arith.constant 2 : i32
        %add3A_605 = arith.addi %add3A_362, %add3A_604 : i32
        %add3A_606 = arith.addi %add3A_4, %add3A_605 : i32
        %mul3A_607 = arith.constant 128 : i32
        %mul3A_608 = arith.muli %add3A_606, %mul3A_607 : i32
        %dma_wait3A_609 = arith.constant 0 : i32
        %dma_wait3A_610 = arith.constant 3 : i32
        %dma_wait3A_611 = arith.constant 0 : i32
        %dma_wait3A_612 = tpu.memref_slice %arg6[%dma_wait3A_610, %dma_wait3A_611] : memref<4x128xi32, #tpu.memory_space<vmem>> -> memref<1x128xi32, #tpu.memory_space<vmem>>
        %dma_wait3A_613 = tpu.memref_squeeze %dma_wait3A_612 : memref<1x128xi32, #tpu.memory_space<vmem>> -> memref<128xi32, #tpu.memory_space<vmem>>
        %dma_wait3A_614 = tpu.memref_slice %arg3[%dma_wait3A_609, %mul3A_608] : memref<2x320000xi32, #tpu.memory_space<hbm>> -> memref<1x128xi32, #tpu.memory_space<hbm>>
        %dma_wait3A_615 = tpu.memref_squeeze %dma_wait3A_614 : memref<1x128xi32, #tpu.memory_space<hbm>> -> memref<128xi32, #tpu.memory_space<hbm>>
        %dma_wait3A_616 = arith.constant 0 : i32
        %dma_wait3A_617 = tpu.memref_slice %arg6[%dma_wait3A_610, %dma_wait3A_616] : memref<4x128xi32, #tpu.memory_space<vmem>> -> memref<1x128xi32, #tpu.memory_space<vmem>>
        %dma_wait3A_618 = tpu.memref_squeeze %dma_wait3A_617 : memref<1x128xi32, #tpu.memory_space<vmem>> -> memref<128xi32, #tpu.memory_space<vmem>>
        %dma_wait3A_619 = tpu.memref_slice %arg3[%dma_wait3A_609, %mul3A_608] : memref<2x320000xi32, #tpu.memory_space<hbm>> -> memref<1x128xi32, #tpu.memory_space<hbm>>
        %dma_wait3A_620 = tpu.memref_squeeze %dma_wait3A_619 : memref<1x128xi32, #tpu.memory_space<hbm>> -> memref<128xi32, #tpu.memory_space<hbm>>
        tpu.wait_dma2 semaphore(%arg21 : memref<!tpu.dma_semaphore, #tpu.memory_space<semaphore_mem>>) src(%dma_wait3A_620 : memref<128xi32, #tpu.memory_space<hbm>>) dst(%dma_wait3A_618 : memref<128xi32, #tpu.memory_space<vmem>>)
        %dma_start3A_621 = arith.constant 3 : i32
        %dma_start3A_622 = arith.constant 0 : i32
        %dma_start3A_623 = tpu.memref_slice %arg6[%dma_start3A_621, %dma_start3A_622] : memref<4x128xi32, #tpu.memory_space<vmem>> -> memref<1x128xi32, #tpu.memory_space<vmem>>
        %dma_start3A_624 = tpu.memref_squeeze %dma_start3A_623 : memref<1x128xi32, #tpu.memory_space<vmem>> -> memref<128xi32, #tpu.memory_space<vmem>>
        %dma_start3A_625 = arith.constant 0 : i32
        %dma_start3A_626 = arith.constant 0 : i32
        %dma_start3A_627 = tpu.memref_slice %arg2[%dma_start3A_625, %dma_start3A_626] : memref<10000x128xf32, #tpu.memory_space<hbm>> -> memref<10000x128xf32, #tpu.memory_space<hbm>>
        tpu.enqueue_indirect_dma source(%dma_start3A_627 : memref<10000x128xf32, #tpu.memory_space<hbm>>) target(%arg9 : memref<128x128xf32, #tpu.memory_space<vmem>>) offsets(%dma_start3A_624 : memref<128xi32, #tpu.memory_space<vmem>>) semaphore(%arg13 : memref<!tpu.dma_semaphore, #tpu.memory_space<semaphore_mem>>)
      } else {
      }
      %lt3A_378 = arith.cmpi slt, %add3A_362, %add3A_8 : i32
      %convert_element_type3A_379 = arith.extui %lt3A_378 : i1 to i32
      %cond3A_380 = arith.constant 0 : i32
      %cond3A_381 = arith.cmpi ne, %convert_element_type3A_379, %cond3A_380 : i32
      scf.if %cond3A_381 {
        %dma_wait3A_604 = arith.constant 1 : i32
        %dma_wait3A_605 = arith.constant 0 : i32
        %dma_wait3A_606 = tpu.memref_slice %arg6[%dma_wait3A_604, %dma_wait3A_605] : memref<4x128xi32, #tpu.memory_space<vmem>> -> memref<1x128xi32, #tpu.memory_space<vmem>>
        %dma_wait3A_607 = tpu.memref_squeeze %dma_wait3A_606 : memref<1x128xi32, #tpu.memory_space<vmem>> -> memref<128xi32, #tpu.memory_space<vmem>>
        %dma_wait3A_608 = arith.constant 0 : i32
        %dma_wait3A_609 = arith.constant 0 : i32
        %dma_wait3A_610 = tpu.memref_slice %arg2[%dma_wait3A_608, %dma_wait3A_609] : memref<10000x128xf32, #tpu.memory_space<hbm>> -> memref<10000x128xf32, #tpu.memory_space<hbm>>
        tpu.wait_indirect_dma semaphore(%arg14 : memref<!tpu.dma_semaphore, #tpu.memory_space<semaphore_mem>>) src(%dma_wait3A_610 : memref<10000x128xf32, #tpu.memory_space<hbm>>) dst(%arg10 : memref<128x128xf32, #tpu.memory_space<vmem>>)
        %add3A_611 = arith.addi %add3A_4, %add3A_362 : i32
        %mul3A_612 = arith.constant 128 : i32
        %mul3A_613 = arith.muli %add3A_611, %mul3A_612 : i32
        %dma_wait3A_614 = arith.constant 1 : i32
        %dma_wait3A_615 = arith.constant 1 : i32
        %dma_wait3A_616 = arith.constant 0 : i32
        %dma_wait3A_617 = tpu.memref_slice %arg7[%dma_wait3A_615, %dma_wait3A_616] : memref<4x128xi32, #tpu.memory_space<vmem>> -> memref<1x128xi32, #tpu.memory_space<vmem>>
        %dma_wait3A_618 = tpu.memref_squeeze %dma_wait3A_617 : memref<1x128xi32, #tpu.memory_space<vmem>> -> memref<128xi32, #tpu.memory_space<vmem>>
        %dma_wait3A_619 = tpu.memref_slice %arg3[%dma_wait3A_614, %mul3A_613] : memref<2x320000xi32, #tpu.memory_space<hbm>> -> memref<1x128xi32, #tpu.memory_space<hbm>>
        %dma_wait3A_620 = tpu.memref_squeeze %dma_wait3A_619 : memref<1x128xi32, #tpu.memory_space<hbm>> -> memref<128xi32, #tpu.memory_space<hbm>>
        %dma_wait3A_621 = arith.constant 0 : i32
        %dma_wait3A_622 = tpu.memref_slice %arg7[%dma_wait3A_615, %dma_wait3A_621] : memref<4x128xi32, #tpu.memory_space<vmem>> -> memref<1x128xi32, #tpu.memory_space<vmem>>
        %dma_wait3A_623 = tpu.memref_squeeze %dma_wait3A_622 : memref<1x128xi32, #tpu.memory_space<vmem>> -> memref<128xi32, #tpu.memory_space<vmem>>
        %dma_wait3A_624 = tpu.memref_slice %arg3[%dma_wait3A_614, %mul3A_613] : memref<2x320000xi32, #tpu.memory_space<hbm>> -> memref<1x128xi32, #tpu.memory_space<hbm>>
        %dma_wait3A_625 = tpu.memref_squeeze %dma_wait3A_624 : memref<1x128xi32, #tpu.memory_space<hbm>> -> memref<128xi32, #tpu.memory_space<hbm>>
        tpu.wait_dma2 semaphore(%arg23 : memref<!tpu.dma_semaphore, #tpu.memory_space<semaphore_mem>>) src(%dma_wait3A_625 : memref<128xi32, #tpu.memory_space<hbm>>) dst(%dma_wait3A_623 : memref<128xi32, #tpu.memory_space<vmem>>)
        %dma_start3A_626 = arith.constant 1 : i32
        %dma_start3A_627 = arith.constant 0 : i32
        %dma_start3A_628 = tpu.memref_slice %arg7[%dma_start3A_626, %dma_start3A_627] : memref<4x128xi32, #tpu.memory_space<vmem>> -> memref<1x128xi32, #tpu.memory_space<vmem>>
        %dma_start3A_629 = tpu.memref_squeeze %dma_start3A_628 : memref<1x128xi32, #tpu.memory_space<vmem>> -> memref<128xi32, #tpu.memory_space<vmem>>
        %dma_start3A_630 = arith.constant 0 : i32
        %dma_start3A_631 = arith.constant 0 : i32
        %dma_start3A_632 = tpu.memref_slice %arg11[%dma_start3A_630, %dma_start3A_631] : memref<10000x128xf32, #tpu.memory_space<vmem_shared>> -> memref<10000x128xf32, #tpu.memory_space<vmem_shared>>
        tpu.enqueue_indirect_dma source(%arg10 : memref<128x128xf32, #tpu.memory_space<vmem>>) target(%dma_start3A_632 : memref<10000x128xf32, #tpu.memory_space<vmem_shared>>) offsets(%dma_start3A_629 : memref<128xi32, #tpu.memory_space<vmem>>) semaphore(%arg17 : memref<!tpu.dma_semaphore, #tpu.memory_space<semaphore_mem>>) {add = true}
      } else {
      }
      %add3A_382 = arith.constant 4 : i32
      %add3A_383 = arith.addi %add3A_362, %add3A_382 : i32
      %lt3A_384 = arith.cmpi slt, %add3A_383, %add3A_8 : i32
      %convert_element_type3A_385 = arith.extui %lt3A_384 : i1 to i32
      %cond3A_386 = arith.constant 0 : i32
      %cond3A_387 = arith.cmpi ne, %convert_element_type3A_385, %cond3A_386 : i32
      scf.if %cond3A_387 {
        %add3A_604 = arith.constant 4 : i32
        %add3A_605 = arith.addi %add3A_362, %add3A_604 : i32
        %add3A_606 = arith.addi %add3A_4, %add3A_605 : i32
        %mul3A_607 = arith.constant 128 : i32
        %mul3A_608 = arith.muli %add3A_606, %mul3A_607 : i32
        %dma_start3A_609 = arith.constant 0 : i32
        %dma_start3A_610 = arith.constant 1 : i32
        %dma_start3A_611 = arith.constant 0 : i32
        %dma_start3A_612 = tpu.memref_slice %arg6[%dma_start3A_610, %dma_start3A_611] : memref<4x128xi32, #tpu.memory_space<vmem>> -> memref<1x128xi32, #tpu.memory_space<vmem>>
        %dma_start3A_613 = tpu.memref_squeeze %dma_start3A_612 : memref<1x128xi32, #tpu.memory_space<vmem>> -> memref<128xi32, #tpu.memory_space<vmem>>
        %dma_start3A_614 = tpu.memref_slice %arg3[%dma_start3A_609, %mul3A_608] : memref<2x320000xi32, #tpu.memory_space<hbm>> -> memref<1x128xi32, #tpu.memory_space<hbm>>
        %dma_start3A_615 = tpu.memref_squeeze %dma_start3A_614 : memref<1x128xi32, #tpu.memory_space<hbm>> -> memref<128xi32, #tpu.memory_space<hbm>>
        %dma_start3A_616 = arith.constant 0 : i32
        %dma_start3A_617 = tpu.memref_slice %arg6[%dma_start3A_610, %dma_start3A_616] : memref<4x128xi32, #tpu.memory_space<vmem>> -> memref<1x128xi32, #tpu.memory_space<vmem>>
        %dma_start3A_618 = tpu.memref_squeeze %dma_start3A_617 : memref<1x128xi32, #tpu.memory_space<vmem>> -> memref<128xi32, #tpu.memory_space<vmem>>
        %dma_start3A_619 = tpu.memref_slice %arg3[%dma_start3A_609, %mul3A_608] : memref<2x320000xi32, #tpu.memory_space<hbm>> -> memref<1x128xi32, #tpu.memory_space<hbm>>
        %dma_start3A_620 = tpu.memref_squeeze %dma_start3A_619 : memref<1x128xi32, #tpu.memory_space<hbm>> -> memref<128xi32, #tpu.memory_space<hbm>>
        tpu.enqueue_dma source(%dma_start3A_620 : memref<128xi32, #tpu.memory_space<hbm>>) target(%dma_start3A_618 : memref<128xi32, #tpu.memory_space<vmem>>) target_semaphore(%arg19 : memref<!tpu.dma_semaphore, #tpu.memory_space<semaphore_mem>>)
      } else {
      }
      %add3A_388 = arith.constant 2 : i32
      %add3A_389 = arith.addi %add3A_362, %add3A_388 : i32
      %lt3A_390 = arith.cmpi slt, %add3A_389, %add3A_8 : i32
      %convert_element_type3A_391 = arith.extui %lt3A_390 : i1 to i32
      %cond3A_392 = arith.constant 0 : i32
      %cond3A_393 = arith.cmpi ne, %convert_element_type3A_391, %cond3A_392 : i32
      scf.if %cond3A_393 {
        %add3A_604 = arith.constant 2 : i32
        %add3A_605 = arith.addi %add3A_362, %add3A_604 : i32
        %add3A_606 = arith.addi %add3A_4, %add3A_605 : i32
        %mul3A_607 = arith.constant 128 : i32
        %mul3A_608 = arith.muli %add3A_606, %mul3A_607 : i32
        %dma_start3A_609 = arith.constant 1 : i32
        %dma_start3A_610 = arith.constant 3 : i32
        %dma_start3A_611 = arith.constant 0 : i32
        %dma_start3A_612 = tpu.memref_slice %arg7[%dma_start3A_610, %dma_start3A_611] : memref<4x128xi32, #tpu.memory_space<vmem>> -> memref<1x128xi32, #tpu.memory_space<vmem>>
        %dma_start3A_613 = tpu.memref_squeeze %dma_start3A_612 : memref<1x128xi32, #tpu.memory_space<vmem>> -> memref<128xi32, #tpu.memory_space<vmem>>
        %dma_start3A_614 = tpu.memref_slice %arg3[%dma_start3A_609, %mul3A_608] : memref<2x320000xi32, #tpu.memory_space<hbm>> -> memref<1x128xi32, #tpu.memory_space<hbm>>
        %dma_start3A_615 = tpu.memref_squeeze %dma_start3A_614 : memref<1x128xi32, #tpu.memory_space<hbm>> -> memref<128xi32, #tpu.memory_space<hbm>>
        %dma_start3A_616 = arith.constant 0 : i32
        %dma_start3A_617 = tpu.memref_slice %arg7[%dma_start3A_610, %dma_start3A_616] : memref<4x128xi32, #tpu.memory_space<vmem>> -> memref<1x128xi32, #tpu.memory_space<vmem>>
        %dma_start3A_618 = tpu.memref_squeeze %dma_start3A_617 : memref<1x128xi32, #tpu.memory_space<vmem>> -> memref<128xi32, #tpu.memory_space<vmem>>
        %dma_start3A_619 = tpu.memref_slice %arg3[%dma_start3A_609, %mul3A_608] : memref<2x320000xi32, #tpu.memory_space<hbm>> -> memref<1x128xi32, #tpu.memory_space<hbm>>
        %dma_start3A_620 = tpu.memref_squeeze %dma_start3A_619 : memref<1x128xi32, #tpu.memory_space<hbm>> -> memref<128xi32, #tpu.memory_space<hbm>>
        tpu.enqueue_dma source(%dma_start3A_620 : memref<128xi32, #tpu.memory_space<hbm>>) target(%dma_start3A_618 : memref<128xi32, #tpu.memory_space<vmem>>) target_semaphore(%arg25 : memref<!tpu.dma_semaphore, #tpu.memory_space<semaphore_mem>>)
      } else {
      }
      %mul3A_394 = arith.constant 12 : i32
      %mul3A_395 = arith.muli %mul3A_394, %add3A_186 : i32
      %add3A_396 = arith.constant 6 : i32
      %add3A_397 = arith.addi %mul3A_395, %add3A_396 : i32
      %ge3A_398 = arith.constant 1 : i32
      %ge3A_399 = arith.cmpi sge, %add3A_397, %ge3A_398 : i32
      %sub3A_400 = arith.constant 1 : i32
      %sub3A_401 = arith.subi %add3A_397, %sub3A_400 : i32
      %lt3A_402 = arith.cmpi slt, %sub3A_401, %add3A_8 : i32
      %and3A_403 = arith.andi %ge3A_399, %lt3A_402 : i1
      %convert_element_type3A_404 = arith.extui %and3A_403 : i1 to i32
      %cond3A_405 = arith.constant 0 : i32
      %cond3A_406 = arith.cmpi ne, %convert_element_type3A_404, %cond3A_405 : i32
      scf.if %cond3A_406 {
        %dma_wait3A_604 = arith.constant 1 : i32
        %dma_wait3A_605 = arith.constant 0 : i32
        %dma_wait3A_606 = tpu.memref_slice %arg7[%dma_wait3A_604, %dma_wait3A_605] : memref<4x128xi32, #tpu.memory_space<vmem>> -> memref<1x128xi32, #tpu.memory_space<vmem>>
        %dma_wait3A_607 = tpu.memref_squeeze %dma_wait3A_606 : memref<1x128xi32, #tpu.memory_space<vmem>> -> memref<128xi32, #tpu.memory_space<vmem>>
        %dma_wait3A_608 = arith.constant 0 : i32
        %dma_wait3A_609 = arith.constant 0 : i32
        %dma_wait3A_610 = tpu.memref_slice %arg11[%dma_wait3A_608, %dma_wait3A_609] : memref<10000x128xf32, #tpu.memory_space<vmem_shared>> -> memref<10000x128xf32, #tpu.memory_space<vmem_shared>>
        tpu.wait_indirect_dma semaphore(%arg17 : memref<!tpu.dma_semaphore, #tpu.memory_space<semaphore_mem>>) src(%arg10 : memref<128x128xf32, #tpu.memory_space<vmem>>) dst(%dma_wait3A_610 : memref<10000x128xf32, #tpu.memory_space<vmem_shared>>)
      } else {
      }
      %add3A_407 = arith.constant 2 : i32
      %add3A_408 = arith.addi %add3A_397, %add3A_407 : i32
      %lt3A_409 = arith.cmpi slt, %add3A_408, %add3A_8 : i32
      %convert_element_type3A_410 = arith.extui %lt3A_409 : i1 to i32
      %cond3A_411 = arith.constant 0 : i32
      %cond3A_412 = arith.cmpi ne, %convert_element_type3A_410, %cond3A_411 : i32
      scf.if %cond3A_412 {
        %add3A_604 = arith.constant 2 : i32
        %add3A_605 = arith.addi %add3A_397, %add3A_604 : i32
        %add3A_606 = arith.addi %add3A_4, %add3A_605 : i32
        %mul3A_607 = arith.constant 128 : i32
        %mul3A_608 = arith.muli %add3A_606, %mul3A_607 : i32
        %dma_wait3A_609 = arith.constant 0 : i32
        %dma_wait3A_610 = arith.constant 0 : i32
        %dma_wait3A_611 = arith.constant 0 : i32
        %dma_wait3A_612 = tpu.memref_slice %arg6[%dma_wait3A_610, %dma_wait3A_611] : memref<4x128xi32, #tpu.memory_space<vmem>> -> memref<1x128xi32, #tpu.memory_space<vmem>>
        %dma_wait3A_613 = tpu.memref_squeeze %dma_wait3A_612 : memref<1x128xi32, #tpu.memory_space<vmem>> -> memref<128xi32, #tpu.memory_space<vmem>>
        %dma_wait3A_614 = tpu.memref_slice %arg3[%dma_wait3A_609, %mul3A_608] : memref<2x320000xi32, #tpu.memory_space<hbm>> -> memref<1x128xi32, #tpu.memory_space<hbm>>
        %dma_wait3A_615 = tpu.memref_squeeze %dma_wait3A_614 : memref<1x128xi32, #tpu.memory_space<hbm>> -> memref<128xi32, #tpu.memory_space<hbm>>
        %dma_wait3A_616 = arith.constant 0 : i32
        %dma_wait3A_617 = tpu.memref_slice %arg6[%dma_wait3A_610, %dma_wait3A_616] : memref<4x128xi32, #tpu.memory_space<vmem>> -> memref<1x128xi32, #tpu.memory_space<vmem>>
        %dma_wait3A_618 = tpu.memref_squeeze %dma_wait3A_617 : memref<1x128xi32, #tpu.memory_space<vmem>> -> memref<128xi32, #tpu.memory_space<vmem>>
        %dma_wait3A_619 = tpu.memref_slice %arg3[%dma_wait3A_609, %mul3A_608] : memref<2x320000xi32, #tpu.memory_space<hbm>> -> memref<1x128xi32, #tpu.memory_space<hbm>>
        %dma_wait3A_620 = tpu.memref_squeeze %dma_wait3A_619 : memref<1x128xi32, #tpu.memory_space<hbm>> -> memref<128xi32, #tpu.memory_space<hbm>>
        tpu.wait_dma2 semaphore(%arg18 : memref<!tpu.dma_semaphore, #tpu.memory_space<semaphore_mem>>) src(%dma_wait3A_620 : memref<128xi32, #tpu.memory_space<hbm>>) dst(%dma_wait3A_618 : memref<128xi32, #tpu.memory_space<vmem>>)
        %dma_start3A_621 = arith.constant 0 : i32
        %dma_start3A_622 = arith.constant 0 : i32
        %dma_start3A_623 = tpu.memref_slice %arg6[%dma_start3A_621, %dma_start3A_622] : memref<4x128xi32, #tpu.memory_space<vmem>> -> memref<1x128xi32, #tpu.memory_space<vmem>>
        %dma_start3A_624 = tpu.memref_squeeze %dma_start3A_623 : memref<1x128xi32, #tpu.memory_space<vmem>> -> memref<128xi32, #tpu.memory_space<vmem>>
        %dma_start3A_625 = arith.constant 0 : i32
        %dma_start3A_626 = arith.constant 0 : i32
        %dma_start3A_627 = tpu.memref_slice %arg2[%dma_start3A_625, %dma_start3A_626] : memref<10000x128xf32, #tpu.memory_space<hbm>> -> memref<10000x128xf32, #tpu.memory_space<hbm>>
        tpu.enqueue_indirect_dma source(%dma_start3A_627 : memref<10000x128xf32, #tpu.memory_space<hbm>>) target(%arg10 : memref<128x128xf32, #tpu.memory_space<vmem>>) offsets(%dma_start3A_624 : memref<128xi32, #tpu.memory_space<vmem>>) semaphore(%arg14 : memref<!tpu.dma_semaphore, #tpu.memory_space<semaphore_mem>>)
      } else {
      }
      %lt3A_413 = arith.cmpi slt, %add3A_397, %add3A_8 : i32
      %convert_element_type3A_414 = arith.extui %lt3A_413 : i1 to i32
      %cond3A_415 = arith.constant 0 : i32
      %cond3A_416 = arith.cmpi ne, %convert_element_type3A_414, %cond3A_415 : i32
      scf.if %cond3A_416 {
        %dma_wait3A_604 = arith.constant 2 : i32
        %dma_wait3A_605 = arith.constant 0 : i32
        %dma_wait3A_606 = tpu.memref_slice %arg6[%dma_wait3A_604, %dma_wait3A_605] : memref<4x128xi32, #tpu.memory_space<vmem>> -> memref<1x128xi32, #tpu.memory_space<vmem>>
        %dma_wait3A_607 = tpu.memref_squeeze %dma_wait3A_606 : memref<1x128xi32, #tpu.memory_space<vmem>> -> memref<128xi32, #tpu.memory_space<vmem>>
        %dma_wait3A_608 = arith.constant 0 : i32
        %dma_wait3A_609 = arith.constant 0 : i32
        %dma_wait3A_610 = tpu.memref_slice %arg2[%dma_wait3A_608, %dma_wait3A_609] : memref<10000x128xf32, #tpu.memory_space<hbm>> -> memref<10000x128xf32, #tpu.memory_space<hbm>>
        tpu.wait_indirect_dma semaphore(%arg12 : memref<!tpu.dma_semaphore, #tpu.memory_space<semaphore_mem>>) src(%dma_wait3A_610 : memref<10000x128xf32, #tpu.memory_space<hbm>>) dst(%arg8 : memref<128x128xf32, #tpu.memory_space<vmem>>)
        %add3A_611 = arith.addi %add3A_4, %add3A_397 : i32
        %mul3A_612 = arith.constant 128 : i32
        %mul3A_613 = arith.muli %add3A_611, %mul3A_612 : i32
        %dma_wait3A_614 = arith.constant 1 : i32
        %dma_wait3A_615 = arith.constant 2 : i32
        %dma_wait3A_616 = arith.constant 0 : i32
        %dma_wait3A_617 = tpu.memref_slice %arg7[%dma_wait3A_615, %dma_wait3A_616] : memref<4x128xi32, #tpu.memory_space<vmem>> -> memref<1x128xi32, #tpu.memory_space<vmem>>
        %dma_wait3A_618 = tpu.memref_squeeze %dma_wait3A_617 : memref<1x128xi32, #tpu.memory_space<vmem>> -> memref<128xi32, #tpu.memory_space<vmem>>
        %dma_wait3A_619 = tpu.memref_slice %arg3[%dma_wait3A_614, %mul3A_613] : memref<2x320000xi32, #tpu.memory_space<hbm>> -> memref<1x128xi32, #tpu.memory_space<hbm>>
        %dma_wait3A_620 = tpu.memref_squeeze %dma_wait3A_619 : memref<1x128xi32, #tpu.memory_space<hbm>> -> memref<128xi32, #tpu.memory_space<hbm>>
        %dma_wait3A_621 = arith.constant 0 : i32
        %dma_wait3A_622 = tpu.memref_slice %arg7[%dma_wait3A_615, %dma_wait3A_621] : memref<4x128xi32, #tpu.memory_space<vmem>> -> memref<1x128xi32, #tpu.memory_space<vmem>>
        %dma_wait3A_623 = tpu.memref_squeeze %dma_wait3A_622 : memref<1x128xi32, #tpu.memory_space<vmem>> -> memref<128xi32, #tpu.memory_space<vmem>>
        %dma_wait3A_624 = tpu.memref_slice %arg3[%dma_wait3A_614, %mul3A_613] : memref<2x320000xi32, #tpu.memory_space<hbm>> -> memref<1x128xi32, #tpu.memory_space<hbm>>
        %dma_wait3A_625 = tpu.memref_squeeze %dma_wait3A_624 : memref<1x128xi32, #tpu.memory_space<hbm>> -> memref<128xi32, #tpu.memory_space<hbm>>
        tpu.wait_dma2 semaphore(%arg24 : memref<!tpu.dma_semaphore, #tpu.memory_space<semaphore_mem>>) src(%dma_wait3A_625 : memref<128xi32, #tpu.memory_space<hbm>>) dst(%dma_wait3A_623 : memref<128xi32, #tpu.memory_space<vmem>>)
        %dma_start3A_626 = arith.constant 2 : i32
        %dma_start3A_627 = arith.constant 0 : i32
        %dma_start3A_628 = tpu.memref_slice %arg7[%dma_start3A_626, %dma_start3A_627] : memref<4x128xi32, #tpu.memory_space<vmem>> -> memref<1x128xi32, #tpu.memory_space<vmem>>
        %dma_start3A_629 = tpu.memref_squeeze %dma_start3A_628 : memref<1x128xi32, #tpu.memory_space<vmem>> -> memref<128xi32, #tpu.memory_space<vmem>>
        %dma_start3A_630 = arith.constant 0 : i32
        %dma_start3A_631 = arith.constant 0 : i32
        %dma_start3A_632 = tpu.memref_slice %arg11[%dma_start3A_630, %dma_start3A_631] : memref<10000x128xf32, #tpu.memory_space<vmem_shared>> -> memref<10000x128xf32, #tpu.memory_space<vmem_shared>>
        tpu.enqueue_indirect_dma source(%arg8 : memref<128x128xf32, #tpu.memory_space<vmem>>) target(%dma_start3A_632 : memref<10000x128xf32, #tpu.memory_space<vmem_shared>>) offsets(%dma_start3A_629 : memref<128xi32, #tpu.memory_space<vmem>>) semaphore(%arg15 : memref<!tpu.dma_semaphore, #tpu.memory_space<semaphore_mem>>) {add = true}
      } else {
      }
      %add3A_417 = arith.constant 4 : i32
      %add3A_418 = arith.addi %add3A_397, %add3A_417 : i32
      %lt3A_419 = arith.cmpi slt, %add3A_418, %add3A_8 : i32
      %convert_element_type3A_420 = arith.extui %lt3A_419 : i1 to i32
      %cond3A_421 = arith.constant 0 : i32
      %cond3A_422 = arith.cmpi ne, %convert_element_type3A_420, %cond3A_421 : i32
      scf.if %cond3A_422 {
        %add3A_604 = arith.constant 4 : i32
        %add3A_605 = arith.addi %add3A_397, %add3A_604 : i32
        %add3A_606 = arith.addi %add3A_4, %add3A_605 : i32
        %mul3A_607 = arith.constant 128 : i32
        %mul3A_608 = arith.muli %add3A_606, %mul3A_607 : i32
        %dma_start3A_609 = arith.constant 0 : i32
        %dma_start3A_610 = arith.constant 2 : i32
        %dma_start3A_611 = arith.constant 0 : i32
        %dma_start3A_612 = tpu.memref_slice %arg6[%dma_start3A_610, %dma_start3A_611] : memref<4x128xi32, #tpu.memory_space<vmem>> -> memref<1x128xi32, #tpu.memory_space<vmem>>
        %dma_start3A_613 = tpu.memref_squeeze %dma_start3A_612 : memref<1x128xi32, #tpu.memory_space<vmem>> -> memref<128xi32, #tpu.memory_space<vmem>>
        %dma_start3A_614 = tpu.memref_slice %arg3[%dma_start3A_609, %mul3A_608] : memref<2x320000xi32, #tpu.memory_space<hbm>> -> memref<1x128xi32, #tpu.memory_space<hbm>>
        %dma_start3A_615 = tpu.memref_squeeze %dma_start3A_614 : memref<1x128xi32, #tpu.memory_space<hbm>> -> memref<128xi32, #tpu.memory_space<hbm>>
        %dma_start3A_616 = arith.constant 0 : i32
        %dma_start3A_617 = tpu.memref_slice %arg6[%dma_start3A_610, %dma_start3A_616] : memref<4x128xi32, #tpu.memory_space<vmem>> -> memref<1x128xi32, #tpu.memory_space<vmem>>
        %dma_start3A_618 = tpu.memref_squeeze %dma_start3A_617 : memref<1x128xi32, #tpu.memory_space<vmem>> -> memref<128xi32, #tpu.memory_space<vmem>>
        %dma_start3A_619 = tpu.memref_slice %arg3[%dma_start3A_609, %mul3A_608] : memref<2x320000xi32, #tpu.memory_space<hbm>> -> memref<1x128xi32, #tpu.memory_space<hbm>>
        %dma_start3A_620 = tpu.memref_squeeze %dma_start3A_619 : memref<1x128xi32, #tpu.memory_space<hbm>> -> memref<128xi32, #tpu.memory_space<hbm>>
        tpu.enqueue_dma source(%dma_start3A_620 : memref<128xi32, #tpu.memory_space<hbm>>) target(%dma_start3A_618 : memref<128xi32, #tpu.memory_space<vmem>>) target_semaphore(%arg20 : memref<!tpu.dma_semaphore, #tpu.memory_space<semaphore_mem>>)
      } else {
      }
      %add3A_423 = arith.constant 2 : i32
      %add3A_424 = arith.addi %add3A_397, %add3A_423 : i32
      %lt3A_425 = arith.cmpi slt, %add3A_424, %add3A_8 : i32
      %convert_element_type3A_426 = arith.extui %lt3A_425 : i1 to i32
      %cond3A_427 = arith.constant 0 : i32
      %cond3A_428 = arith.cmpi ne, %convert_element_type3A_426, %cond3A_427 : i32
      scf.if %cond3A_428 {
        %add3A_604 = arith.constant 2 : i32
        %add3A_605 = arith.addi %add3A_397, %add3A_604 : i32
        %add3A_606 = arith.addi %add3A_4, %add3A_605 : i32
        %mul3A_607 = arith.constant 128 : i32
        %mul3A_608 = arith.muli %add3A_606, %mul3A_607 : i32
        %dma_start3A_609 = arith.constant 1 : i32
        %dma_start3A_610 = arith.constant 0 : i32
        %dma_start3A_611 = arith.constant 0 : i32
        %dma_start3A_612 = tpu.memref_slice %arg7[%dma_start3A_610, %dma_start3A_611] : memref<4x128xi32, #tpu.memory_space<vmem>> -> memref<1x128xi32, #tpu.memory_space<vmem>>
        %dma_start3A_613 = tpu.memref_squeeze %dma_start3A_612 : memref<1x128xi32, #tpu.memory_space<vmem>> -> memref<128xi32, #tpu.memory_space<vmem>>
        %dma_start3A_614 = tpu.memref_slice %arg3[%dma_start3A_609, %mul3A_608] : memref<2x320000xi32, #tpu.memory_space<hbm>> -> memref<1x128xi32, #tpu.memory_space<hbm>>
        %dma_start3A_615 = tpu.memref_squeeze %dma_start3A_614 : memref<1x128xi32, #tpu.memory_space<hbm>> -> memref<128xi32, #tpu.memory_space<hbm>>
        %dma_start3A_616 = arith.constant 0 : i32
        %dma_start3A_617 = tpu.memref_slice %arg7[%dma_start3A_610, %dma_start3A_616] : memref<4x128xi32, #tpu.memory_space<vmem>> -> memref<1x128xi32, #tpu.memory_space<vmem>>
        %dma_start3A_618 = tpu.memref_squeeze %dma_start3A_617 : memref<1x128xi32, #tpu.memory_space<vmem>> -> memref<128xi32, #tpu.memory_space<vmem>>
        %dma_start3A_619 = tpu.memref_slice %arg3[%dma_start3A_609, %mul3A_608] : memref<2x320000xi32, #tpu.memory_space<hbm>> -> memref<1x128xi32, #tpu.memory_space<hbm>>
        %dma_start3A_620 = tpu.memref_squeeze %dma_start3A_619 : memref<1x128xi32, #tpu.memory_space<hbm>> -> memref<128xi32, #tpu.memory_space<hbm>>
        tpu.enqueue_dma source(%dma_start3A_620 : memref<128xi32, #tpu.memory_space<hbm>>) target(%dma_start3A_618 : memref<128xi32, #tpu.memory_space<vmem>>) target_semaphore(%arg22 : memref<!tpu.dma_semaphore, #tpu.memory_space<semaphore_mem>>)
      } else {
      }
      %mul3A_429 = arith.constant 12 : i32
      %mul3A_430 = arith.muli %mul3A_429, %add3A_186 : i32
      %add3A_431 = arith.constant 7 : i32
      %add3A_432 = arith.addi %mul3A_430, %add3A_431 : i32
      %ge3A_433 = arith.constant 1 : i32
      %ge3A_434 = arith.cmpi sge, %add3A_432, %ge3A_433 : i32
      %sub3A_435 = arith.constant 1 : i32
      %sub3A_436 = arith.subi %add3A_432, %sub3A_435 : i32
      %lt3A_437 = arith.cmpi slt, %sub3A_436, %add3A_8 : i32
      %and3A_438 = arith.andi %ge3A_434, %lt3A_437 : i1
      %convert_element_type3A_439 = arith.extui %and3A_438 : i1 to i32
      %cond3A_440 = arith.constant 0 : i32
      %cond3A_441 = arith.cmpi ne, %convert_element_type3A_439, %cond3A_440 : i32
      scf.if %cond3A_441 {
        %dma_wait3A_604 = arith.constant 2 : i32
        %dma_wait3A_605 = arith.constant 0 : i32
        %dma_wait3A_606 = tpu.memref_slice %arg7[%dma_wait3A_604, %dma_wait3A_605] : memref<4x128xi32, #tpu.memory_space<vmem>> -> memref<1x128xi32, #tpu.memory_space<vmem>>
        %dma_wait3A_607 = tpu.memref_squeeze %dma_wait3A_606 : memref<1x128xi32, #tpu.memory_space<vmem>> -> memref<128xi32, #tpu.memory_space<vmem>>
        %dma_wait3A_608 = arith.constant 0 : i32
        %dma_wait3A_609 = arith.constant 0 : i32
        %dma_wait3A_610 = tpu.memref_slice %arg11[%dma_wait3A_608, %dma_wait3A_609] : memref<10000x128xf32, #tpu.memory_space<vmem_shared>> -> memref<10000x128xf32, #tpu.memory_space<vmem_shared>>
        tpu.wait_indirect_dma semaphore(%arg15 : memref<!tpu.dma_semaphore, #tpu.memory_space<semaphore_mem>>) src(%arg8 : memref<128x128xf32, #tpu.memory_space<vmem>>) dst(%dma_wait3A_610 : memref<10000x128xf32, #tpu.memory_space<vmem_shared>>)
      } else {
      }
      %add3A_442 = arith.constant 2 : i32
      %add3A_443 = arith.addi %add3A_432, %add3A_442 : i32
      %lt3A_444 = arith.cmpi slt, %add3A_443, %add3A_8 : i32
      %convert_element_type3A_445 = arith.extui %lt3A_444 : i1 to i32
      %cond3A_446 = arith.constant 0 : i32
      %cond3A_447 = arith.cmpi ne, %convert_element_type3A_445, %cond3A_446 : i32
      scf.if %cond3A_447 {
        %add3A_604 = arith.constant 2 : i32
        %add3A_605 = arith.addi %add3A_432, %add3A_604 : i32
        %add3A_606 = arith.addi %add3A_4, %add3A_605 : i32
        %mul3A_607 = arith.constant 128 : i32
        %mul3A_608 = arith.muli %add3A_606, %mul3A_607 : i32
        %dma_wait3A_609 = arith.constant 0 : i32
        %dma_wait3A_610 = arith.constant 1 : i32
        %dma_wait3A_611 = arith.constant 0 : i32
        %dma_wait3A_612 = tpu.memref_slice %arg6[%dma_wait3A_610, %dma_wait3A_611] : memref<4x128xi32, #tpu.memory_space<vmem>> -> memref<1x128xi32, #tpu.memory_space<vmem>>
        %dma_wait3A_613 = tpu.memref_squeeze %dma_wait3A_612 : memref<1x128xi32, #tpu.memory_space<vmem>> -> memref<128xi32, #tpu.memory_space<vmem>>
        %dma_wait3A_614 = tpu.memref_slice %arg3[%dma_wait3A_609, %mul3A_608] : memref<2x320000xi32, #tpu.memory_space<hbm>> -> memref<1x128xi32, #tpu.memory_space<hbm>>
        %dma_wait3A_615 = tpu.memref_squeeze %dma_wait3A_614 : memref<1x128xi32, #tpu.memory_space<hbm>> -> memref<128xi32, #tpu.memory_space<hbm>>
        %dma_wait3A_616 = arith.constant 0 : i32
        %dma_wait3A_617 = tpu.memref_slice %arg6[%dma_wait3A_610, %dma_wait3A_616] : memref<4x128xi32, #tpu.memory_space<vmem>> -> memref<1x128xi32, #tpu.memory_space<vmem>>
        %dma_wait3A_618 = tpu.memref_squeeze %dma_wait3A_617 : memref<1x128xi32, #tpu.memory_space<vmem>> -> memref<128xi32, #tpu.memory_space<vmem>>
        %dma_wait3A_619 = tpu.memref_slice %arg3[%dma_wait3A_609, %mul3A_608] : memref<2x320000xi32, #tpu.memory_space<hbm>> -> memref<1x128xi32, #tpu.memory_space<hbm>>
        %dma_wait3A_620 = tpu.memref_squeeze %dma_wait3A_619 : memref<1x128xi32, #tpu.memory_space<hbm>> -> memref<128xi32, #tpu.memory_space<hbm>>
        tpu.wait_dma2 semaphore(%arg19 : memref<!tpu.dma_semaphore, #tpu.memory_space<semaphore_mem>>) src(%dma_wait3A_620 : memref<128xi32, #tpu.memory_space<hbm>>) dst(%dma_wait3A_618 : memref<128xi32, #tpu.memory_space<vmem>>)
        %dma_start3A_621 = arith.constant 1 : i32
        %dma_start3A_622 = arith.constant 0 : i32
        %dma_start3A_623 = tpu.memref_slice %arg6[%dma_start3A_621, %dma_start3A_622] : memref<4x128xi32, #tpu.memory_space<vmem>> -> memref<1x128xi32, #tpu.memory_space<vmem>>
        %dma_start3A_624 = tpu.memref_squeeze %dma_start3A_623 : memref<1x128xi32, #tpu.memory_space<vmem>> -> memref<128xi32, #tpu.memory_space<vmem>>
        %dma_start3A_625 = arith.constant 0 : i32
        %dma_start3A_626 = arith.constant 0 : i32
        %dma_start3A_627 = tpu.memref_slice %arg2[%dma_start3A_625, %dma_start3A_626] : memref<10000x128xf32, #tpu.memory_space<hbm>> -> memref<10000x128xf32, #tpu.memory_space<hbm>>
        tpu.enqueue_indirect_dma source(%dma_start3A_627 : memref<10000x128xf32, #tpu.memory_space<hbm>>) target(%arg8 : memref<128x128xf32, #tpu.memory_space<vmem>>) offsets(%dma_start3A_624 : memref<128xi32, #tpu.memory_space<vmem>>) semaphore(%arg12 : memref<!tpu.dma_semaphore, #tpu.memory_space<semaphore_mem>>)
      } else {
      }
      %lt3A_448 = arith.cmpi slt, %add3A_432, %add3A_8 : i32
      %convert_element_type3A_449 = arith.extui %lt3A_448 : i1 to i32
      %cond3A_450 = arith.constant 0 : i32
      %cond3A_451 = arith.cmpi ne, %convert_element_type3A_449, %cond3A_450 : i32
      scf.if %cond3A_451 {
        %dma_wait3A_604 = arith.constant 3 : i32
        %dma_wait3A_605 = arith.constant 0 : i32
        %dma_wait3A_606 = tpu.memref_slice %arg6[%dma_wait3A_604, %dma_wait3A_605] : memref<4x128xi32, #tpu.memory_space<vmem>> -> memref<1x128xi32, #tpu.memory_space<vmem>>
        %dma_wait3A_607 = tpu.memref_squeeze %dma_wait3A_606 : memref<1x128xi32, #tpu.memory_space<vmem>> -> memref<128xi32, #tpu.memory_space<vmem>>
        %dma_wait3A_608 = arith.constant 0 : i32
        %dma_wait3A_609 = arith.constant 0 : i32
        %dma_wait3A_610 = tpu.memref_slice %arg2[%dma_wait3A_608, %dma_wait3A_609] : memref<10000x128xf32, #tpu.memory_space<hbm>> -> memref<10000x128xf32, #tpu.memory_space<hbm>>
        tpu.wait_indirect_dma semaphore(%arg13 : memref<!tpu.dma_semaphore, #tpu.memory_space<semaphore_mem>>) src(%dma_wait3A_610 : memref<10000x128xf32, #tpu.memory_space<hbm>>) dst(%arg9 : memref<128x128xf32, #tpu.memory_space<vmem>>)
        %add3A_611 = arith.addi %add3A_4, %add3A_432 : i32
        %mul3A_612 = arith.constant 128 : i32
        %mul3A_613 = arith.muli %add3A_611, %mul3A_612 : i32
        %dma_wait3A_614 = arith.constant 1 : i32
        %dma_wait3A_615 = arith.constant 3 : i32
        %dma_wait3A_616 = arith.constant 0 : i32
        %dma_wait3A_617 = tpu.memref_slice %arg7[%dma_wait3A_615, %dma_wait3A_616] : memref<4x128xi32, #tpu.memory_space<vmem>> -> memref<1x128xi32, #tpu.memory_space<vmem>>
        %dma_wait3A_618 = tpu.memref_squeeze %dma_wait3A_617 : memref<1x128xi32, #tpu.memory_space<vmem>> -> memref<128xi32, #tpu.memory_space<vmem>>
        %dma_wait3A_619 = tpu.memref_slice %arg3[%dma_wait3A_614, %mul3A_613] : memref<2x320000xi32, #tpu.memory_space<hbm>> -> memref<1x128xi32, #tpu.memory_space<hbm>>
        %dma_wait3A_620 = tpu.memref_squeeze %dma_wait3A_619 : memref<1x128xi32, #tpu.memory_space<hbm>> -> memref<128xi32, #tpu.memory_space<hbm>>
        %dma_wait3A_621 = arith.constant 0 : i32
        %dma_wait3A_622 = tpu.memref_slice %arg7[%dma_wait3A_615, %dma_wait3A_621] : memref<4x128xi32, #tpu.memory_space<vmem>> -> memref<1x128xi32, #tpu.memory_space<vmem>>
        %dma_wait3A_623 = tpu.memref_squeeze %dma_wait3A_622 : memref<1x128xi32, #tpu.memory_space<vmem>> -> memref<128xi32, #tpu.memory_space<vmem>>
        %dma_wait3A_624 = tpu.memref_slice %arg3[%dma_wait3A_614, %mul3A_613] : memref<2x320000xi32, #tpu.memory_space<hbm>> -> memref<1x128xi32, #tpu.memory_space<hbm>>
        %dma_wait3A_625 = tpu.memref_squeeze %dma_wait3A_624 : memref<1x128xi32, #tpu.memory_space<hbm>> -> memref<128xi32, #tpu.memory_space<hbm>>
        tpu.wait_dma2 semaphore(%arg25 : memref<!tpu.dma_semaphore, #tpu.memory_space<semaphore_mem>>) src(%dma_wait3A_625 : memref<128xi32, #tpu.memory_space<hbm>>) dst(%dma_wait3A_623 : memref<128xi32, #tpu.memory_space<vmem>>)
        %dma_start3A_626 = arith.constant 3 : i32
        %dma_start3A_627 = arith.constant 0 : i32
        %dma_start3A_628 = tpu.memref_slice %arg7[%dma_start3A_626, %dma_start3A_627] : memref<4x128xi32, #tpu.memory_space<vmem>> -> memref<1x128xi32, #tpu.memory_space<vmem>>
        %dma_start3A_629 = tpu.memref_squeeze %dma_start3A_628 : memref<1x128xi32, #tpu.memory_space<vmem>> -> memref<128xi32, #tpu.memory_space<vmem>>
        %dma_start3A_630 = arith.constant 0 : i32
        %dma_start3A_631 = arith.constant 0 : i32
        %dma_start3A_632 = tpu.memref_slice %arg11[%dma_start3A_630, %dma_start3A_631] : memref<10000x128xf32, #tpu.memory_space<vmem_shared>> -> memref<10000x128xf32, #tpu.memory_space<vmem_shared>>
        tpu.enqueue_indirect_dma source(%arg9 : memref<128x128xf32, #tpu.memory_space<vmem>>) target(%dma_start3A_632 : memref<10000x128xf32, #tpu.memory_space<vmem_shared>>) offsets(%dma_start3A_629 : memref<128xi32, #tpu.memory_space<vmem>>) semaphore(%arg16 : memref<!tpu.dma_semaphore, #tpu.memory_space<semaphore_mem>>) {add = true}
      } else {
      }
      %add3A_452 = arith.constant 4 : i32
      %add3A_453 = arith.addi %add3A_432, %add3A_452 : i32
      %lt3A_454 = arith.cmpi slt, %add3A_453, %add3A_8 : i32
      %convert_element_type3A_455 = arith.extui %lt3A_454 : i1 to i32
      %cond3A_456 = arith.constant 0 : i32
      %cond3A_457 = arith.cmpi ne, %convert_element_type3A_455, %cond3A_456 : i32
      scf.if %cond3A_457 {
        %add3A_604 = arith.constant 4 : i32
        %add3A_605 = arith.addi %add3A_432, %add3A_604 : i32
        %add3A_606 = arith.addi %add3A_4, %add3A_605 : i32
        %mul3A_607 = arith.constant 128 : i32
        %mul3A_608 = arith.muli %add3A_606, %mul3A_607 : i32
        %dma_start3A_609 = arith.constant 0 : i32
        %dma_start3A_610 = arith.constant 3 : i32
        %dma_start3A_611 = arith.constant 0 : i32
        %dma_start3A_612 = tpu.memref_slice %arg6[%dma_start3A_610, %dma_start3A_611] : memref<4x128xi32, #tpu.memory_space<vmem>> -> memref<1x128xi32, #tpu.memory_space<vmem>>
        %dma_start3A_613 = tpu.memref_squeeze %dma_start3A_612 : memref<1x128xi32, #tpu.memory_space<vmem>> -> memref<128xi32, #tpu.memory_space<vmem>>
        %dma_start3A_614 = tpu.memref_slice %arg3[%dma_start3A_609, %mul3A_608] : memref<2x320000xi32, #tpu.memory_space<hbm>> -> memref<1x128xi32, #tpu.memory_space<hbm>>
        %dma_start3A_615 = tpu.memref_squeeze %dma_start3A_614 : memref<1x128xi32, #tpu.memory_space<hbm>> -> memref<128xi32, #tpu.memory_space<hbm>>
        %dma_start3A_616 = arith.constant 0 : i32
        %dma_start3A_617 = tpu.memref_slice %arg6[%dma_start3A_610, %dma_start3A_616] : memref<4x128xi32, #tpu.memory_space<vmem>> -> memref<1x128xi32, #tpu.memory_space<vmem>>
        %dma_start3A_618 = tpu.memref_squeeze %dma_start3A_617 : memref<1x128xi32, #tpu.memory_space<vmem>> -> memref<128xi32, #tpu.memory_space<vmem>>
        %dma_start3A_619 = tpu.memref_slice %arg3[%dma_start3A_609, %mul3A_608] : memref<2x320000xi32, #tpu.memory_space<hbm>> -> memref<1x128xi32, #tpu.memory_space<hbm>>
        %dma_start3A_620 = tpu.memref_squeeze %dma_start3A_619 : memref<1x128xi32, #tpu.memory_space<hbm>> -> memref<128xi32, #tpu.memory_space<hbm>>
        tpu.enqueue_dma source(%dma_start3A_620 : memref<128xi32, #tpu.memory_space<hbm>>) target(%dma_start3A_618 : memref<128xi32, #tpu.memory_space<vmem>>) target_semaphore(%arg21 : memref<!tpu.dma_semaphore, #tpu.memory_space<semaphore_mem>>)
      } else {
      }
      %add3A_458 = arith.constant 2 : i32
      %add3A_459 = arith.addi %add3A_432, %add3A_458 : i32
      %lt3A_460 = arith.cmpi slt, %add3A_459, %add3A_8 : i32
      %convert_element_type3A_461 = arith.extui %lt3A_460 : i1 to i32
      %cond3A_462 = arith.constant 0 : i32
      %cond3A_463 = arith.cmpi ne, %convert_element_type3A_461, %cond3A_462 : i32
      scf.if %cond3A_463 {
        %add3A_604 = arith.constant 2 : i32
        %add3A_605 = arith.addi %add3A_432, %add3A_604 : i32
        %add3A_606 = arith.addi %add3A_4, %add3A_605 : i32
        %mul3A_607 = arith.constant 128 : i32
        %mul3A_608 = arith.muli %add3A_606, %mul3A_607 : i32
        %dma_start3A_609 = arith.constant 1 : i32
        %dma_start3A_610 = arith.constant 1 : i32
        %dma_start3A_611 = arith.constant 0 : i32
        %dma_start3A_612 = tpu.memref_slice %arg7[%dma_start3A_610, %dma_start3A_611] : memref<4x128xi32, #tpu.memory_space<vmem>> -> memref<1x128xi32, #tpu.memory_space<vmem>>
        %dma_start3A_613 = tpu.memref_squeeze %dma_start3A_612 : memref<1x128xi32, #tpu.memory_space<vmem>> -> memref<128xi32, #tpu.memory_space<vmem>>
        %dma_start3A_614 = tpu.memref_slice %arg3[%dma_start3A_609, %mul3A_608] : memref<2x320000xi32, #tpu.memory_space<hbm>> -> memref<1x128xi32, #tpu.memory_space<hbm>>
        %dma_start3A_615 = tpu.memref_squeeze %dma_start3A_614 : memref<1x128xi32, #tpu.memory_space<hbm>> -> memref<128xi32, #tpu.memory_space<hbm>>
        %dma_start3A_616 = arith.constant 0 : i32
        %dma_start3A_617 = tpu.memref_slice %arg7[%dma_start3A_610, %dma_start3A_616] : memref<4x128xi32, #tpu.memory_space<vmem>> -> memref<1x128xi32, #tpu.memory_space<vmem>>
        %dma_start3A_618 = tpu.memref_squeeze %dma_start3A_617 : memref<1x128xi32, #tpu.memory_space<vmem>> -> memref<128xi32, #tpu.memory_space<vmem>>
        %dma_start3A_619 = tpu.memref_slice %arg3[%dma_start3A_609, %mul3A_608] : memref<2x320000xi32, #tpu.memory_space<hbm>> -> memref<1x128xi32, #tpu.memory_space<hbm>>
        %dma_start3A_620 = tpu.memref_squeeze %dma_start3A_619 : memref<1x128xi32, #tpu.memory_space<hbm>> -> memref<128xi32, #tpu.memory_space<hbm>>
        tpu.enqueue_dma source(%dma_start3A_620 : memref<128xi32, #tpu.memory_space<hbm>>) target(%dma_start3A_618 : memref<128xi32, #tpu.memory_space<vmem>>) target_semaphore(%arg23 : memref<!tpu.dma_semaphore, #tpu.memory_space<semaphore_mem>>)
      } else {
      }
      %mul3A_464 = arith.constant 12 : i32
      %mul3A_465 = arith.muli %mul3A_464, %add3A_186 : i32
      %add3A_466 = arith.constant 8 : i32
      %add3A_467 = arith.addi %mul3A_465, %add3A_466 : i32
      %ge3A_468 = arith.constant 1 : i32
      %ge3A_469 = arith.cmpi sge, %add3A_467, %ge3A_468 : i32
      %sub3A_470 = arith.constant 1 : i32
      %sub3A_471 = arith.subi %add3A_467, %sub3A_470 : i32
      %lt3A_472 = arith.cmpi slt, %sub3A_471, %add3A_8 : i32
      %and3A_473 = arith.andi %ge3A_469, %lt3A_472 : i1
      %convert_element_type3A_474 = arith.extui %and3A_473 : i1 to i32
      %cond3A_475 = arith.constant 0 : i32
      %cond3A_476 = arith.cmpi ne, %convert_element_type3A_474, %cond3A_475 : i32
      scf.if %cond3A_476 {
        %dma_wait3A_604 = arith.constant 3 : i32
        %dma_wait3A_605 = arith.constant 0 : i32
        %dma_wait3A_606 = tpu.memref_slice %arg7[%dma_wait3A_604, %dma_wait3A_605] : memref<4x128xi32, #tpu.memory_space<vmem>> -> memref<1x128xi32, #tpu.memory_space<vmem>>
        %dma_wait3A_607 = tpu.memref_squeeze %dma_wait3A_606 : memref<1x128xi32, #tpu.memory_space<vmem>> -> memref<128xi32, #tpu.memory_space<vmem>>
        %dma_wait3A_608 = arith.constant 0 : i32
        %dma_wait3A_609 = arith.constant 0 : i32
        %dma_wait3A_610 = tpu.memref_slice %arg11[%dma_wait3A_608, %dma_wait3A_609] : memref<10000x128xf32, #tpu.memory_space<vmem_shared>> -> memref<10000x128xf32, #tpu.memory_space<vmem_shared>>
        tpu.wait_indirect_dma semaphore(%arg16 : memref<!tpu.dma_semaphore, #tpu.memory_space<semaphore_mem>>) src(%arg9 : memref<128x128xf32, #tpu.memory_space<vmem>>) dst(%dma_wait3A_610 : memref<10000x128xf32, #tpu.memory_space<vmem_shared>>)
      } else {
      }
      %add3A_477 = arith.constant 2 : i32
      %add3A_478 = arith.addi %add3A_467, %add3A_477 : i32
      %lt3A_479 = arith.cmpi slt, %add3A_478, %add3A_8 : i32
      %convert_element_type3A_480 = arith.extui %lt3A_479 : i1 to i32
      %cond3A_481 = arith.constant 0 : i32
      %cond3A_482 = arith.cmpi ne, %convert_element_type3A_480, %cond3A_481 : i32
      scf.if %cond3A_482 {
        %add3A_604 = arith.constant 2 : i32
        %add3A_605 = arith.addi %add3A_467, %add3A_604 : i32
        %add3A_606 = arith.addi %add3A_4, %add3A_605 : i32
        %mul3A_607 = arith.constant 128 : i32
        %mul3A_608 = arith.muli %add3A_606, %mul3A_607 : i32
        %dma_wait3A_609 = arith.constant 0 : i32
        %dma_wait3A_610 = arith.constant 2 : i32
        %dma_wait3A_611 = arith.constant 0 : i32
        %dma_wait3A_612 = tpu.memref_slice %arg6[%dma_wait3A_610, %dma_wait3A_611] : memref<4x128xi32, #tpu.memory_space<vmem>> -> memref<1x128xi32, #tpu.memory_space<vmem>>
        %dma_wait3A_613 = tpu.memref_squeeze %dma_wait3A_612 : memref<1x128xi32, #tpu.memory_space<vmem>> -> memref<128xi32, #tpu.memory_space<vmem>>
        %dma_wait3A_614 = tpu.memref_slice %arg3[%dma_wait3A_609, %mul3A_608] : memref<2x320000xi32, #tpu.memory_space<hbm>> -> memref<1x128xi32, #tpu.memory_space<hbm>>
        %dma_wait3A_615 = tpu.memref_squeeze %dma_wait3A_614 : memref<1x128xi32, #tpu.memory_space<hbm>> -> memref<128xi32, #tpu.memory_space<hbm>>
        %dma_wait3A_616 = arith.constant 0 : i32
        %dma_wait3A_617 = tpu.memref_slice %arg6[%dma_wait3A_610, %dma_wait3A_616] : memref<4x128xi32, #tpu.memory_space<vmem>> -> memref<1x128xi32, #tpu.memory_space<vmem>>
        %dma_wait3A_618 = tpu.memref_squeeze %dma_wait3A_617 : memref<1x128xi32, #tpu.memory_space<vmem>> -> memref<128xi32, #tpu.memory_space<vmem>>
        %dma_wait3A_619 = tpu.memref_slice %arg3[%dma_wait3A_609, %mul3A_608] : memref<2x320000xi32, #tpu.memory_space<hbm>> -> memref<1x128xi32, #tpu.memory_space<hbm>>
        %dma_wait3A_620 = tpu.memref_squeeze %dma_wait3A_619 : memref<1x128xi32, #tpu.memory_space<hbm>> -> memref<128xi32, #tpu.memory_space<hbm>>
        tpu.wait_dma2 semaphore(%arg20 : memref<!tpu.dma_semaphore, #tpu.memory_space<semaphore_mem>>) src(%dma_wait3A_620 : memref<128xi32, #tpu.memory_space<hbm>>) dst(%dma_wait3A_618 : memref<128xi32, #tpu.memory_space<vmem>>)
        %dma_start3A_621 = arith.constant 2 : i32
        %dma_start3A_622 = arith.constant 0 : i32
        %dma_start3A_623 = tpu.memref_slice %arg6[%dma_start3A_621, %dma_start3A_622] : memref<4x128xi32, #tpu.memory_space<vmem>> -> memref<1x128xi32, #tpu.memory_space<vmem>>
        %dma_start3A_624 = tpu.memref_squeeze %dma_start3A_623 : memref<1x128xi32, #tpu.memory_space<vmem>> -> memref<128xi32, #tpu.memory_space<vmem>>
        %dma_start3A_625 = arith.constant 0 : i32
        %dma_start3A_626 = arith.constant 0 : i32
        %dma_start3A_627 = tpu.memref_slice %arg2[%dma_start3A_625, %dma_start3A_626] : memref<10000x128xf32, #tpu.memory_space<hbm>> -> memref<10000x128xf32, #tpu.memory_space<hbm>>
        tpu.enqueue_indirect_dma source(%dma_start3A_627 : memref<10000x128xf32, #tpu.memory_space<hbm>>) target(%arg9 : memref<128x128xf32, #tpu.memory_space<vmem>>) offsets(%dma_start3A_624 : memref<128xi32, #tpu.memory_space<vmem>>) semaphore(%arg13 : memref<!tpu.dma_semaphore, #tpu.memory_space<semaphore_mem>>)
      } else {
      }
      %lt3A_483 = arith.cmpi slt, %add3A_467, %add3A_8 : i32
      %convert_element_type3A_484 = arith.extui %lt3A_483 : i1 to i32
      %cond3A_485 = arith.constant 0 : i32
      %cond3A_486 = arith.cmpi ne, %convert_element_type3A_484, %cond3A_485 : i32
      scf.if %cond3A_486 {
        %dma_wait3A_604 = arith.constant 0 : i32
        %dma_wait3A_605 = arith.constant 0 : i32
        %dma_wait3A_606 = tpu.memref_slice %arg6[%dma_wait3A_604, %dma_wait3A_605] : memref<4x128xi32, #tpu.memory_space<vmem>> -> memref<1x128xi32, #tpu.memory_space<vmem>>
        %dma_wait3A_607 = tpu.memref_squeeze %dma_wait3A_606 : memref<1x128xi32, #tpu.memory_space<vmem>> -> memref<128xi32, #tpu.memory_space<vmem>>
        %dma_wait3A_608 = arith.constant 0 : i32
        %dma_wait3A_609 = arith.constant 0 : i32
        %dma_wait3A_610 = tpu.memref_slice %arg2[%dma_wait3A_608, %dma_wait3A_609] : memref<10000x128xf32, #tpu.memory_space<hbm>> -> memref<10000x128xf32, #tpu.memory_space<hbm>>
        tpu.wait_indirect_dma semaphore(%arg14 : memref<!tpu.dma_semaphore, #tpu.memory_space<semaphore_mem>>) src(%dma_wait3A_610 : memref<10000x128xf32, #tpu.memory_space<hbm>>) dst(%arg10 : memref<128x128xf32, #tpu.memory_space<vmem>>)
        %add3A_611 = arith.addi %add3A_4, %add3A_467 : i32
        %mul3A_612 = arith.constant 128 : i32
        %mul3A_613 = arith.muli %add3A_611, %mul3A_612 : i32
        %dma_wait3A_614 = arith.constant 1 : i32
        %dma_wait3A_615 = arith.constant 0 : i32
        %dma_wait3A_616 = arith.constant 0 : i32
        %dma_wait3A_617 = tpu.memref_slice %arg7[%dma_wait3A_615, %dma_wait3A_616] : memref<4x128xi32, #tpu.memory_space<vmem>> -> memref<1x128xi32, #tpu.memory_space<vmem>>
        %dma_wait3A_618 = tpu.memref_squeeze %dma_wait3A_617 : memref<1x128xi32, #tpu.memory_space<vmem>> -> memref<128xi32, #tpu.memory_space<vmem>>
        %dma_wait3A_619 = tpu.memref_slice %arg3[%dma_wait3A_614, %mul3A_613] : memref<2x320000xi32, #tpu.memory_space<hbm>> -> memref<1x128xi32, #tpu.memory_space<hbm>>
        %dma_wait3A_620 = tpu.memref_squeeze %dma_wait3A_619 : memref<1x128xi32, #tpu.memory_space<hbm>> -> memref<128xi32, #tpu.memory_space<hbm>>
        %dma_wait3A_621 = arith.constant 0 : i32
        %dma_wait3A_622 = tpu.memref_slice %arg7[%dma_wait3A_615, %dma_wait3A_621] : memref<4x128xi32, #tpu.memory_space<vmem>> -> memref<1x128xi32, #tpu.memory_space<vmem>>
        %dma_wait3A_623 = tpu.memref_squeeze %dma_wait3A_622 : memref<1x128xi32, #tpu.memory_space<vmem>> -> memref<128xi32, #tpu.memory_space<vmem>>
        %dma_wait3A_624 = tpu.memref_slice %arg3[%dma_wait3A_614, %mul3A_613] : memref<2x320000xi32, #tpu.memory_space<hbm>> -> memref<1x128xi32, #tpu.memory_space<hbm>>
        %dma_wait3A_625 = tpu.memref_squeeze %dma_wait3A_624 : memref<1x128xi32, #tpu.memory_space<hbm>> -> memref<128xi32, #tpu.memory_space<hbm>>
        tpu.wait_dma2 semaphore(%arg22 : memref<!tpu.dma_semaphore, #tpu.memory_space<semaphore_mem>>) src(%dma_wait3A_625 : memref<128xi32, #tpu.memory_space<hbm>>) dst(%dma_wait3A_623 : memref<128xi32, #tpu.memory_space<vmem>>)
        %dma_start3A_626 = arith.constant 0 : i32
        %dma_start3A_627 = arith.constant 0 : i32
        %dma_start3A_628 = tpu.memref_slice %arg7[%dma_start3A_626, %dma_start3A_627] : memref<4x128xi32, #tpu.memory_space<vmem>> -> memref<1x128xi32, #tpu.memory_space<vmem>>
        %dma_start3A_629 = tpu.memref_squeeze %dma_start3A_628 : memref<1x128xi32, #tpu.memory_space<vmem>> -> memref<128xi32, #tpu.memory_space<vmem>>
        %dma_start3A_630 = arith.constant 0 : i32
        %dma_start3A_631 = arith.constant 0 : i32
        %dma_start3A_632 = tpu.memref_slice %arg11[%dma_start3A_630, %dma_start3A_631] : memref<10000x128xf32, #tpu.memory_space<vmem_shared>> -> memref<10000x128xf32, #tpu.memory_space<vmem_shared>>
        tpu.enqueue_indirect_dma source(%arg10 : memref<128x128xf32, #tpu.memory_space<vmem>>) target(%dma_start3A_632 : memref<10000x128xf32, #tpu.memory_space<vmem_shared>>) offsets(%dma_start3A_629 : memref<128xi32, #tpu.memory_space<vmem>>) semaphore(%arg17 : memref<!tpu.dma_semaphore, #tpu.memory_space<semaphore_mem>>) {add = true}
      } else {
      }
      %add3A_487 = arith.constant 4 : i32
      %add3A_488 = arith.addi %add3A_467, %add3A_487 : i32
      %lt3A_489 = arith.cmpi slt, %add3A_488, %add3A_8 : i32
      %convert_element_type3A_490 = arith.extui %lt3A_489 : i1 to i32
      %cond3A_491 = arith.constant 0 : i32
      %cond3A_492 = arith.cmpi ne, %convert_element_type3A_490, %cond3A_491 : i32
      scf.if %cond3A_492 {
        %add3A_604 = arith.constant 4 : i32
        %add3A_605 = arith.addi %add3A_467, %add3A_604 : i32
        %add3A_606 = arith.addi %add3A_4, %add3A_605 : i32
        %mul3A_607 = arith.constant 128 : i32
        %mul3A_608 = arith.muli %add3A_606, %mul3A_607 : i32
        %dma_start3A_609 = arith.constant 0 : i32
        %dma_start3A_610 = arith.constant 0 : i32
        %dma_start3A_611 = arith.constant 0 : i32
        %dma_start3A_612 = tpu.memref_slice %arg6[%dma_start3A_610, %dma_start3A_611] : memref<4x128xi32, #tpu.memory_space<vmem>> -> memref<1x128xi32, #tpu.memory_space<vmem>>
        %dma_start3A_613 = tpu.memref_squeeze %dma_start3A_612 : memref<1x128xi32, #tpu.memory_space<vmem>> -> memref<128xi32, #tpu.memory_space<vmem>>
        %dma_start3A_614 = tpu.memref_slice %arg3[%dma_start3A_609, %mul3A_608] : memref<2x320000xi32, #tpu.memory_space<hbm>> -> memref<1x128xi32, #tpu.memory_space<hbm>>
        %dma_start3A_615 = tpu.memref_squeeze %dma_start3A_614 : memref<1x128xi32, #tpu.memory_space<hbm>> -> memref<128xi32, #tpu.memory_space<hbm>>
        %dma_start3A_616 = arith.constant 0 : i32
        %dma_start3A_617 = tpu.memref_slice %arg6[%dma_start3A_610, %dma_start3A_616] : memref<4x128xi32, #tpu.memory_space<vmem>> -> memref<1x128xi32, #tpu.memory_space<vmem>>
        %dma_start3A_618 = tpu.memref_squeeze %dma_start3A_617 : memref<1x128xi32, #tpu.memory_space<vmem>> -> memref<128xi32, #tpu.memory_space<vmem>>
        %dma_start3A_619 = tpu.memref_slice %arg3[%dma_start3A_609, %mul3A_608] : memref<2x320000xi32, #tpu.memory_space<hbm>> -> memref<1x128xi32, #tpu.memory_space<hbm>>
        %dma_start3A_620 = tpu.memref_squeeze %dma_start3A_619 : memref<1x128xi32, #tpu.memory_space<hbm>> -> memref<128xi32, #tpu.memory_space<hbm>>
        tpu.enqueue_dma source(%dma_start3A_620 : memref<128xi32, #tpu.memory_space<hbm>>) target(%dma_start3A_618 : memref<128xi32, #tpu.memory_space<vmem>>) target_semaphore(%arg18 : memref<!tpu.dma_semaphore, #tpu.memory_space<semaphore_mem>>)
      } else {
      }
      %add3A_493 = arith.constant 2 : i32
      %add3A_494 = arith.addi %add3A_467, %add3A_493 : i32
      %lt3A_495 = arith.cmpi slt, %add3A_494, %add3A_8 : i32
      %convert_element_type3A_496 = arith.extui %lt3A_495 : i1 to i32
      %cond3A_497 = arith.constant 0 : i32
      %cond3A_498 = arith.cmpi ne, %convert_element_type3A_496, %cond3A_497 : i32
      scf.if %cond3A_498 {
        %add3A_604 = arith.constant 2 : i32
        %add3A_605 = arith.addi %add3A_467, %add3A_604 : i32
        %add3A_606 = arith.addi %add3A_4, %add3A_605 : i32
        %mul3A_607 = arith.constant 128 : i32
        %mul3A_608 = arith.muli %add3A_606, %mul3A_607 : i32
        %dma_start3A_609 = arith.constant 1 : i32
        %dma_start3A_610 = arith.constant 2 : i32
        %dma_start3A_611 = arith.constant 0 : i32
        %dma_start3A_612 = tpu.memref_slice %arg7[%dma_start3A_610, %dma_start3A_611] : memref<4x128xi32, #tpu.memory_space<vmem>> -> memref<1x128xi32, #tpu.memory_space<vmem>>
        %dma_start3A_613 = tpu.memref_squeeze %dma_start3A_612 : memref<1x128xi32, #tpu.memory_space<vmem>> -> memref<128xi32, #tpu.memory_space<vmem>>
        %dma_start3A_614 = tpu.memref_slice %arg3[%dma_start3A_609, %mul3A_608] : memref<2x320000xi32, #tpu.memory_space<hbm>> -> memref<1x128xi32, #tpu.memory_space<hbm>>
        %dma_start3A_615 = tpu.memref_squeeze %dma_start3A_614 : memref<1x128xi32, #tpu.memory_space<hbm>> -> memref<128xi32, #tpu.memory_space<hbm>>
        %dma_start3A_616 = arith.constant 0 : i32
        %dma_start3A_617 = tpu.memref_slice %arg7[%dma_start3A_610, %dma_start3A_616] : memref<4x128xi32, #tpu.memory_space<vmem>> -> memref<1x128xi32, #tpu.memory_space<vmem>>
        %dma_start3A_618 = tpu.memref_squeeze %dma_start3A_617 : memref<1x128xi32, #tpu.memory_space<vmem>> -> memref<128xi32, #tpu.memory_space<vmem>>
        %dma_start3A_619 = tpu.memref_slice %arg3[%dma_start3A_609, %mul3A_608] : memref<2x320000xi32, #tpu.memory_space<hbm>> -> memref<1x128xi32, #tpu.memory_space<hbm>>
        %dma_start3A_620 = tpu.memref_squeeze %dma_start3A_619 : memref<1x128xi32, #tpu.memory_space<hbm>> -> memref<128xi32, #tpu.memory_space<hbm>>
        tpu.enqueue_dma source(%dma_start3A_620 : memref<128xi32, #tpu.memory_space<hbm>>) target(%dma_start3A_618 : memref<128xi32, #tpu.memory_space<vmem>>) target_semaphore(%arg24 : memref<!tpu.dma_semaphore, #tpu.memory_space<semaphore_mem>>)
      } else {
      }
      %mul3A_499 = arith.constant 12 : i32
      %mul3A_500 = arith.muli %mul3A_499, %add3A_186 : i32
      %add3A_501 = arith.constant 9 : i32
      %add3A_502 = arith.addi %mul3A_500, %add3A_501 : i32
      %ge3A_503 = arith.constant 1 : i32
      %ge3A_504 = arith.cmpi sge, %add3A_502, %ge3A_503 : i32
      %sub3A_505 = arith.constant 1 : i32
      %sub3A_506 = arith.subi %add3A_502, %sub3A_505 : i32
      %lt3A_507 = arith.cmpi slt, %sub3A_506, %add3A_8 : i32
      %and3A_508 = arith.andi %ge3A_504, %lt3A_507 : i1
      %convert_element_type3A_509 = arith.extui %and3A_508 : i1 to i32
      %cond3A_510 = arith.constant 0 : i32
      %cond3A_511 = arith.cmpi ne, %convert_element_type3A_509, %cond3A_510 : i32
      scf.if %cond3A_511 {
        %dma_wait3A_604 = arith.constant 0 : i32
        %dma_wait3A_605 = arith.constant 0 : i32
        %dma_wait3A_606 = tpu.memref_slice %arg7[%dma_wait3A_604, %dma_wait3A_605] : memref<4x128xi32, #tpu.memory_space<vmem>> -> memref<1x128xi32, #tpu.memory_space<vmem>>
        %dma_wait3A_607 = tpu.memref_squeeze %dma_wait3A_606 : memref<1x128xi32, #tpu.memory_space<vmem>> -> memref<128xi32, #tpu.memory_space<vmem>>
        %dma_wait3A_608 = arith.constant 0 : i32
        %dma_wait3A_609 = arith.constant 0 : i32
        %dma_wait3A_610 = tpu.memref_slice %arg11[%dma_wait3A_608, %dma_wait3A_609] : memref<10000x128xf32, #tpu.memory_space<vmem_shared>> -> memref<10000x128xf32, #tpu.memory_space<vmem_shared>>
        tpu.wait_indirect_dma semaphore(%arg17 : memref<!tpu.dma_semaphore, #tpu.memory_space<semaphore_mem>>) src(%arg10 : memref<128x128xf32, #tpu.memory_space<vmem>>) dst(%dma_wait3A_610 : memref<10000x128xf32, #tpu.memory_space<vmem_shared>>)
      } else {
      }
      %add3A_512 = arith.constant 2 : i32
      %add3A_513 = arith.addi %add3A_502, %add3A_512 : i32
      %lt3A_514 = arith.cmpi slt, %add3A_513, %add3A_8 : i32
      %convert_element_type3A_515 = arith.extui %lt3A_514 : i1 to i32
      %cond3A_516 = arith.constant 0 : i32
      %cond3A_517 = arith.cmpi ne, %convert_element_type3A_515, %cond3A_516 : i32
      scf.if %cond3A_517 {
        %add3A_604 = arith.constant 2 : i32
        %add3A_605 = arith.addi %add3A_502, %add3A_604 : i32
        %add3A_606 = arith.addi %add3A_4, %add3A_605 : i32
        %mul3A_607 = arith.constant 128 : i32
        %mul3A_608 = arith.muli %add3A_606, %mul3A_607 : i32
        %dma_wait3A_609 = arith.constant 0 : i32
        %dma_wait3A_610 = arith.constant 3 : i32
        %dma_wait3A_611 = arith.constant 0 : i32
        %dma_wait3A_612 = tpu.memref_slice %arg6[%dma_wait3A_610, %dma_wait3A_611] : memref<4x128xi32, #tpu.memory_space<vmem>> -> memref<1x128xi32, #tpu.memory_space<vmem>>
        %dma_wait3A_613 = tpu.memref_squeeze %dma_wait3A_612 : memref<1x128xi32, #tpu.memory_space<vmem>> -> memref<128xi32, #tpu.memory_space<vmem>>
        %dma_wait3A_614 = tpu.memref_slice %arg3[%dma_wait3A_609, %mul3A_608] : memref<2x320000xi32, #tpu.memory_space<hbm>> -> memref<1x128xi32, #tpu.memory_space<hbm>>
        %dma_wait3A_615 = tpu.memref_squeeze %dma_wait3A_614 : memref<1x128xi32, #tpu.memory_space<hbm>> -> memref<128xi32, #tpu.memory_space<hbm>>
        %dma_wait3A_616 = arith.constant 0 : i32
        %dma_wait3A_617 = tpu.memref_slice %arg6[%dma_wait3A_610, %dma_wait3A_616] : memref<4x128xi32, #tpu.memory_space<vmem>> -> memref<1x128xi32, #tpu.memory_space<vmem>>
        %dma_wait3A_618 = tpu.memref_squeeze %dma_wait3A_617 : memref<1x128xi32, #tpu.memory_space<vmem>> -> memref<128xi32, #tpu.memory_space<vmem>>
        %dma_wait3A_619 = tpu.memref_slice %arg3[%dma_wait3A_609, %mul3A_608] : memref<2x320000xi32, #tpu.memory_space<hbm>> -> memref<1x128xi32, #tpu.memory_space<hbm>>
        %dma_wait3A_620 = tpu.memref_squeeze %dma_wait3A_619 : memref<1x128xi32, #tpu.memory_space<hbm>> -> memref<128xi32, #tpu.memory_space<hbm>>
        tpu.wait_dma2 semaphore(%arg21 : memref<!tpu.dma_semaphore, #tpu.memory_space<semaphore_mem>>) src(%dma_wait3A_620 : memref<128xi32, #tpu.memory_space<hbm>>) dst(%dma_wait3A_618 : memref<128xi32, #tpu.memory_space<vmem>>)
        %dma_start3A_621 = arith.constant 3 : i32
        %dma_start3A_622 = arith.constant 0 : i32
        %dma_start3A_623 = tpu.memref_slice %arg6[%dma_start3A_621, %dma_start3A_622] : memref<4x128xi32, #tpu.memory_space<vmem>> -> memref<1x128xi32, #tpu.memory_space<vmem>>
        %dma_start3A_624 = tpu.memref_squeeze %dma_start3A_623 : memref<1x128xi32, #tpu.memory_space<vmem>> -> memref<128xi32, #tpu.memory_space<vmem>>
        %dma_start3A_625 = arith.constant 0 : i32
        %dma_start3A_626 = arith.constant 0 : i32
        %dma_start3A_627 = tpu.memref_slice %arg2[%dma_start3A_625, %dma_start3A_626] : memref<10000x128xf32, #tpu.memory_space<hbm>> -> memref<10000x128xf32, #tpu.memory_space<hbm>>
        tpu.enqueue_indirect_dma source(%dma_start3A_627 : memref<10000x128xf32, #tpu.memory_space<hbm>>) target(%arg10 : memref<128x128xf32, #tpu.memory_space<vmem>>) offsets(%dma_start3A_624 : memref<128xi32, #tpu.memory_space<vmem>>) semaphore(%arg14 : memref<!tpu.dma_semaphore, #tpu.memory_space<semaphore_mem>>)
      } else {
      }
      %lt3A_518 = arith.cmpi slt, %add3A_502, %add3A_8 : i32
      %convert_element_type3A_519 = arith.extui %lt3A_518 : i1 to i32
      %cond3A_520 = arith.constant 0 : i32
      %cond3A_521 = arith.cmpi ne, %convert_element_type3A_519, %cond3A_520 : i32
      scf.if %cond3A_521 {
        %dma_wait3A_604 = arith.constant 1 : i32
        %dma_wait3A_605 = arith.constant 0 : i32
        %dma_wait3A_606 = tpu.memref_slice %arg6[%dma_wait3A_604, %dma_wait3A_605] : memref<4x128xi32, #tpu.memory_space<vmem>> -> memref<1x128xi32, #tpu.memory_space<vmem>>
        %dma_wait3A_607 = tpu.memref_squeeze %dma_wait3A_606 : memref<1x128xi32, #tpu.memory_space<vmem>> -> memref<128xi32, #tpu.memory_space<vmem>>
        %dma_wait3A_608 = arith.constant 0 : i32
        %dma_wait3A_609 = arith.constant 0 : i32
        %dma_wait3A_610 = tpu.memref_slice %arg2[%dma_wait3A_608, %dma_wait3A_609] : memref<10000x128xf32, #tpu.memory_space<hbm>> -> memref<10000x128xf32, #tpu.memory_space<hbm>>
        tpu.wait_indirect_dma semaphore(%arg12 : memref<!tpu.dma_semaphore, #tpu.memory_space<semaphore_mem>>) src(%dma_wait3A_610 : memref<10000x128xf32, #tpu.memory_space<hbm>>) dst(%arg8 : memref<128x128xf32, #tpu.memory_space<vmem>>)
        %add3A_611 = arith.addi %add3A_4, %add3A_502 : i32
        %mul3A_612 = arith.constant 128 : i32
        %mul3A_613 = arith.muli %add3A_611, %mul3A_612 : i32
        %dma_wait3A_614 = arith.constant 1 : i32
        %dma_wait3A_615 = arith.constant 1 : i32
        %dma_wait3A_616 = arith.constant 0 : i32
        %dma_wait3A_617 = tpu.memref_slice %arg7[%dma_wait3A_615, %dma_wait3A_616] : memref<4x128xi32, #tpu.memory_space<vmem>> -> memref<1x128xi32, #tpu.memory_space<vmem>>
        %dma_wait3A_618 = tpu.memref_squeeze %dma_wait3A_617 : memref<1x128xi32, #tpu.memory_space<vmem>> -> memref<128xi32, #tpu.memory_space<vmem>>
        %dma_wait3A_619 = tpu.memref_slice %arg3[%dma_wait3A_614, %mul3A_613] : memref<2x320000xi32, #tpu.memory_space<hbm>> -> memref<1x128xi32, #tpu.memory_space<hbm>>
        %dma_wait3A_620 = tpu.memref_squeeze %dma_wait3A_619 : memref<1x128xi32, #tpu.memory_space<hbm>> -> memref<128xi32, #tpu.memory_space<hbm>>
        %dma_wait3A_621 = arith.constant 0 : i32
        %dma_wait3A_622 = tpu.memref_slice %arg7[%dma_wait3A_615, %dma_wait3A_621] : memref<4x128xi32, #tpu.memory_space<vmem>> -> memref<1x128xi32, #tpu.memory_space<vmem>>
        %dma_wait3A_623 = tpu.memref_squeeze %dma_wait3A_622 : memref<1x128xi32, #tpu.memory_space<vmem>> -> memref<128xi32, #tpu.memory_space<vmem>>
        %dma_wait3A_624 = tpu.memref_slice %arg3[%dma_wait3A_614, %mul3A_613] : memref<2x320000xi32, #tpu.memory_space<hbm>> -> memref<1x128xi32, #tpu.memory_space<hbm>>
        %dma_wait3A_625 = tpu.memref_squeeze %dma_wait3A_624 : memref<1x128xi32, #tpu.memory_space<hbm>> -> memref<128xi32, #tpu.memory_space<hbm>>
        tpu.wait_dma2 semaphore(%arg23 : memref<!tpu.dma_semaphore, #tpu.memory_space<semaphore_mem>>) src(%dma_wait3A_625 : memref<128xi32, #tpu.memory_space<hbm>>) dst(%dma_wait3A_623 : memref<128xi32, #tpu.memory_space<vmem>>)
        %dma_start3A_626 = arith.constant 1 : i32
        %dma_start3A_627 = arith.constant 0 : i32
        %dma_start3A_628 = tpu.memref_slice %arg7[%dma_start3A_626, %dma_start3A_627] : memref<4x128xi32, #tpu.memory_space<vmem>> -> memref<1x128xi32, #tpu.memory_space<vmem>>
        %dma_start3A_629 = tpu.memref_squeeze %dma_start3A_628 : memref<1x128xi32, #tpu.memory_space<vmem>> -> memref<128xi32, #tpu.memory_space<vmem>>
        %dma_start3A_630 = arith.constant 0 : i32
        %dma_start3A_631 = arith.constant 0 : i32
        %dma_start3A_632 = tpu.memref_slice %arg11[%dma_start3A_630, %dma_start3A_631] : memref<10000x128xf32, #tpu.memory_space<vmem_shared>> -> memref<10000x128xf32, #tpu.memory_space<vmem_shared>>
        tpu.enqueue_indirect_dma source(%arg8 : memref<128x128xf32, #tpu.memory_space<vmem>>) target(%dma_start3A_632 : memref<10000x128xf32, #tpu.memory_space<vmem_shared>>) offsets(%dma_start3A_629 : memref<128xi32, #tpu.memory_space<vmem>>) semaphore(%arg15 : memref<!tpu.dma_semaphore, #tpu.memory_space<semaphore_mem>>) {add = true}
      } else {
      }
      %add3A_522 = arith.constant 4 : i32
      %add3A_523 = arith.addi %add3A_502, %add3A_522 : i32
      %lt3A_524 = arith.cmpi slt, %add3A_523, %add3A_8 : i32
      %convert_element_type3A_525 = arith.extui %lt3A_524 : i1 to i32
      %cond3A_526 = arith.constant 0 : i32
      %cond3A_527 = arith.cmpi ne, %convert_element_type3A_525, %cond3A_526 : i32
      scf.if %cond3A_527 {
        %add3A_604 = arith.constant 4 : i32
        %add3A_605 = arith.addi %add3A_502, %add3A_604 : i32
        %add3A_606 = arith.addi %add3A_4, %add3A_605 : i32
        %mul3A_607 = arith.constant 128 : i32
        %mul3A_608 = arith.muli %add3A_606, %mul3A_607 : i32
        %dma_start3A_609 = arith.constant 0 : i32
        %dma_start3A_610 = arith.constant 1 : i32
        %dma_start3A_611 = arith.constant 0 : i32
        %dma_start3A_612 = tpu.memref_slice %arg6[%dma_start3A_610, %dma_start3A_611] : memref<4x128xi32, #tpu.memory_space<vmem>> -> memref<1x128xi32, #tpu.memory_space<vmem>>
        %dma_start3A_613 = tpu.memref_squeeze %dma_start3A_612 : memref<1x128xi32, #tpu.memory_space<vmem>> -> memref<128xi32, #tpu.memory_space<vmem>>
        %dma_start3A_614 = tpu.memref_slice %arg3[%dma_start3A_609, %mul3A_608] : memref<2x320000xi32, #tpu.memory_space<hbm>> -> memref<1x128xi32, #tpu.memory_space<hbm>>
        %dma_start3A_615 = tpu.memref_squeeze %dma_start3A_614 : memref<1x128xi32, #tpu.memory_space<hbm>> -> memref<128xi32, #tpu.memory_space<hbm>>
        %dma_start3A_616 = arith.constant 0 : i32
        %dma_start3A_617 = tpu.memref_slice %arg6[%dma_start3A_610, %dma_start3A_616] : memref<4x128xi32, #tpu.memory_space<vmem>> -> memref<1x128xi32, #tpu.memory_space<vmem>>
        %dma_start3A_618 = tpu.memref_squeeze %dma_start3A_617 : memref<1x128xi32, #tpu.memory_space<vmem>> -> memref<128xi32, #tpu.memory_space<vmem>>
        %dma_start3A_619 = tpu.memref_slice %arg3[%dma_start3A_609, %mul3A_608] : memref<2x320000xi32, #tpu.memory_space<hbm>> -> memref<1x128xi32, #tpu.memory_space<hbm>>
        %dma_start3A_620 = tpu.memref_squeeze %dma_start3A_619 : memref<1x128xi32, #tpu.memory_space<hbm>> -> memref<128xi32, #tpu.memory_space<hbm>>
        tpu.enqueue_dma source(%dma_start3A_620 : memref<128xi32, #tpu.memory_space<hbm>>) target(%dma_start3A_618 : memref<128xi32, #tpu.memory_space<vmem>>) target_semaphore(%arg19 : memref<!tpu.dma_semaphore, #tpu.memory_space<semaphore_mem>>)
      } else {
      }
      %add3A_528 = arith.constant 2 : i32
      %add3A_529 = arith.addi %add3A_502, %add3A_528 : i32
      %lt3A_530 = arith.cmpi slt, %add3A_529, %add3A_8 : i32
      %convert_element_type3A_531 = arith.extui %lt3A_530 : i1 to i32
      %cond3A_532 = arith.constant 0 : i32
      %cond3A_533 = arith.cmpi ne, %convert_element_type3A_531, %cond3A_532 : i32
      scf.if %cond3A_533 {
        %add3A_604 = arith.constant 2 : i32
        %add3A_605 = arith.addi %add3A_502, %add3A_604 : i32
        %add3A_606 = arith.addi %add3A_4, %add3A_605 : i32
        %mul3A_607 = arith.constant 128 : i32
        %mul3A_608 = arith.muli %add3A_606, %mul3A_607 : i32
        %dma_start3A_609 = arith.constant 1 : i32
        %dma_start3A_610 = arith.constant 3 : i32
        %dma_start3A_611 = arith.constant 0 : i32
        %dma_start3A_612 = tpu.memref_slice %arg7[%dma_start3A_610, %dma_start3A_611] : memref<4x128xi32, #tpu.memory_space<vmem>> -> memref<1x128xi32, #tpu.memory_space<vmem>>
        %dma_start3A_613 = tpu.memref_squeeze %dma_start3A_612 : memref<1x128xi32, #tpu.memory_space<vmem>> -> memref<128xi32, #tpu.memory_space<vmem>>
        %dma_start3A_614 = tpu.memref_slice %arg3[%dma_start3A_609, %mul3A_608] : memref<2x320000xi32, #tpu.memory_space<hbm>> -> memref<1x128xi32, #tpu.memory_space<hbm>>
        %dma_start3A_615 = tpu.memref_squeeze %dma_start3A_614 : memref<1x128xi32, #tpu.memory_space<hbm>> -> memref<128xi32, #tpu.memory_space<hbm>>
        %dma_start3A_616 = arith.constant 0 : i32
        %dma_start3A_617 = tpu.memref_slice %arg7[%dma_start3A_610, %dma_start3A_616] : memref<4x128xi32, #tpu.memory_space<vmem>> -> memref<1x128xi32, #tpu.memory_space<vmem>>
        %dma_start3A_618 = tpu.memref_squeeze %dma_start3A_617 : memref<1x128xi32, #tpu.memory_space<vmem>> -> memref<128xi32, #tpu.memory_space<vmem>>
        %dma_start3A_619 = tpu.memref_slice %arg3[%dma_start3A_609, %mul3A_608] : memref<2x320000xi32, #tpu.memory_space<hbm>> -> memref<1x128xi32, #tpu.memory_space<hbm>>
        %dma_start3A_620 = tpu.memref_squeeze %dma_start3A_619 : memref<1x128xi32, #tpu.memory_space<hbm>> -> memref<128xi32, #tpu.memory_space<hbm>>
        tpu.enqueue_dma source(%dma_start3A_620 : memref<128xi32, #tpu.memory_space<hbm>>) target(%dma_start3A_618 : memref<128xi32, #tpu.memory_space<vmem>>) target_semaphore(%arg25 : memref<!tpu.dma_semaphore, #tpu.memory_space<semaphore_mem>>)
      } else {
      }
      %mul3A_534 = arith.constant 12 : i32
      %mul3A_535 = arith.muli %mul3A_534, %add3A_186 : i32
      %add3A_536 = arith.constant 10 : i32
      %add3A_537 = arith.addi %mul3A_535, %add3A_536 : i32
      %ge3A_538 = arith.constant 1 : i32
      %ge3A_539 = arith.cmpi sge, %add3A_537, %ge3A_538 : i32
      %sub3A_540 = arith.constant 1 : i32
      %sub3A_541 = arith.subi %add3A_537, %sub3A_540 : i32
      %lt3A_542 = arith.cmpi slt, %sub3A_541, %add3A_8 : i32
      %and3A_543 = arith.andi %ge3A_539, %lt3A_542 : i1
      %convert_element_type3A_544 = arith.extui %and3A_543 : i1 to i32
      %cond3A_545 = arith.constant 0 : i32
      %cond3A_546 = arith.cmpi ne, %convert_element_type3A_544, %cond3A_545 : i32
      scf.if %cond3A_546 {
        %dma_wait3A_604 = arith.constant 1 : i32
        %dma_wait3A_605 = arith.constant 0 : i32
        %dma_wait3A_606 = tpu.memref_slice %arg7[%dma_wait3A_604, %dma_wait3A_605] : memref<4x128xi32, #tpu.memory_space<vmem>> -> memref<1x128xi32, #tpu.memory_space<vmem>>
        %dma_wait3A_607 = tpu.memref_squeeze %dma_wait3A_606 : memref<1x128xi32, #tpu.memory_space<vmem>> -> memref<128xi32, #tpu.memory_space<vmem>>
        %dma_wait3A_608 = arith.constant 0 : i32
        %dma_wait3A_609 = arith.constant 0 : i32
        %dma_wait3A_610 = tpu.memref_slice %arg11[%dma_wait3A_608, %dma_wait3A_609] : memref<10000x128xf32, #tpu.memory_space<vmem_shared>> -> memref<10000x128xf32, #tpu.memory_space<vmem_shared>>
        tpu.wait_indirect_dma semaphore(%arg15 : memref<!tpu.dma_semaphore, #tpu.memory_space<semaphore_mem>>) src(%arg8 : memref<128x128xf32, #tpu.memory_space<vmem>>) dst(%dma_wait3A_610 : memref<10000x128xf32, #tpu.memory_space<vmem_shared>>)
      } else {
      }
      %add3A_547 = arith.constant 2 : i32
      %add3A_548 = arith.addi %add3A_537, %add3A_547 : i32
      %lt3A_549 = arith.cmpi slt, %add3A_548, %add3A_8 : i32
      %convert_element_type3A_550 = arith.extui %lt3A_549 : i1 to i32
      %cond3A_551 = arith.constant 0 : i32
      %cond3A_552 = arith.cmpi ne, %convert_element_type3A_550, %cond3A_551 : i32
      scf.if %cond3A_552 {
        %add3A_604 = arith.constant 2 : i32
        %add3A_605 = arith.addi %add3A_537, %add3A_604 : i32
        %add3A_606 = arith.addi %add3A_4, %add3A_605 : i32
        %mul3A_607 = arith.constant 128 : i32
        %mul3A_608 = arith.muli %add3A_606, %mul3A_607 : i32
        %dma_wait3A_609 = arith.constant 0 : i32
        %dma_wait3A_610 = arith.constant 0 : i32
        %dma_wait3A_611 = arith.constant 0 : i32
        %dma_wait3A_612 = tpu.memref_slice %arg6[%dma_wait3A_610, %dma_wait3A_611] : memref<4x128xi32, #tpu.memory_space<vmem>> -> memref<1x128xi32, #tpu.memory_space<vmem>>
        %dma_wait3A_613 = tpu.memref_squeeze %dma_wait3A_612 : memref<1x128xi32, #tpu.memory_space<vmem>> -> memref<128xi32, #tpu.memory_space<vmem>>
        %dma_wait3A_614 = tpu.memref_slice %arg3[%dma_wait3A_609, %mul3A_608] : memref<2x320000xi32, #tpu.memory_space<hbm>> -> memref<1x128xi32, #tpu.memory_space<hbm>>
        %dma_wait3A_615 = tpu.memref_squeeze %dma_wait3A_614 : memref<1x128xi32, #tpu.memory_space<hbm>> -> memref<128xi32, #tpu.memory_space<hbm>>
        %dma_wait3A_616 = arith.constant 0 : i32
        %dma_wait3A_617 = tpu.memref_slice %arg6[%dma_wait3A_610, %dma_wait3A_616] : memref<4x128xi32, #tpu.memory_space<vmem>> -> memref<1x128xi32, #tpu.memory_space<vmem>>
        %dma_wait3A_618 = tpu.memref_squeeze %dma_wait3A_617 : memref<1x128xi32, #tpu.memory_space<vmem>> -> memref<128xi32, #tpu.memory_space<vmem>>
        %dma_wait3A_619 = tpu.memref_slice %arg3[%dma_wait3A_609, %mul3A_608] : memref<2x320000xi32, #tpu.memory_space<hbm>> -> memref<1x128xi32, #tpu.memory_space<hbm>>
        %dma_wait3A_620 = tpu.memref_squeeze %dma_wait3A_619 : memref<1x128xi32, #tpu.memory_space<hbm>> -> memref<128xi32, #tpu.memory_space<hbm>>
        tpu.wait_dma2 semaphore(%arg18 : memref<!tpu.dma_semaphore, #tpu.memory_space<semaphore_mem>>) src(%dma_wait3A_620 : memref<128xi32, #tpu.memory_space<hbm>>) dst(%dma_wait3A_618 : memref<128xi32, #tpu.memory_space<vmem>>)
        %dma_start3A_621 = arith.constant 0 : i32
        %dma_start3A_622 = arith.constant 0 : i32
        %dma_start3A_623 = tpu.memref_slice %arg6[%dma_start3A_621, %dma_start3A_622] : memref<4x128xi32, #tpu.memory_space<vmem>> -> memref<1x128xi32, #tpu.memory_space<vmem>>
        %dma_start3A_624 = tpu.memref_squeeze %dma_start3A_623 : memref<1x128xi32, #tpu.memory_space<vmem>> -> memref<128xi32, #tpu.memory_space<vmem>>
        %dma_start3A_625 = arith.constant 0 : i32
        %dma_start3A_626 = arith.constant 0 : i32
        %dma_start3A_627 = tpu.memref_slice %arg2[%dma_start3A_625, %dma_start3A_626] : memref<10000x128xf32, #tpu.memory_space<hbm>> -> memref<10000x128xf32, #tpu.memory_space<hbm>>
        tpu.enqueue_indirect_dma source(%dma_start3A_627 : memref<10000x128xf32, #tpu.memory_space<hbm>>) target(%arg8 : memref<128x128xf32, #tpu.memory_space<vmem>>) offsets(%dma_start3A_624 : memref<128xi32, #tpu.memory_space<vmem>>) semaphore(%arg12 : memref<!tpu.dma_semaphore, #tpu.memory_space<semaphore_mem>>)
      } else {
      }
      %lt3A_553 = arith.cmpi slt, %add3A_537, %add3A_8 : i32
      %convert_element_type3A_554 = arith.extui %lt3A_553 : i1 to i32
      %cond3A_555 = arith.constant 0 : i32
      %cond3A_556 = arith.cmpi ne, %convert_element_type3A_554, %cond3A_555 : i32
      scf.if %cond3A_556 {
        %dma_wait3A_604 = arith.constant 2 : i32
        %dma_wait3A_605 = arith.constant 0 : i32
        %dma_wait3A_606 = tpu.memref_slice %arg6[%dma_wait3A_604, %dma_wait3A_605] : memref<4x128xi32, #tpu.memory_space<vmem>> -> memref<1x128xi32, #tpu.memory_space<vmem>>
        %dma_wait3A_607 = tpu.memref_squeeze %dma_wait3A_606 : memref<1x128xi32, #tpu.memory_space<vmem>> -> memref<128xi32, #tpu.memory_space<vmem>>
        %dma_wait3A_608 = arith.constant 0 : i32
        %dma_wait3A_609 = arith.constant 0 : i32
        %dma_wait3A_610 = tpu.memref_slice %arg2[%dma_wait3A_608, %dma_wait3A_609] : memref<10000x128xf32, #tpu.memory_space<hbm>> -> memref<10000x128xf32, #tpu.memory_space<hbm>>
        tpu.wait_indirect_dma semaphore(%arg13 : memref<!tpu.dma_semaphore, #tpu.memory_space<semaphore_mem>>) src(%dma_wait3A_610 : memref<10000x128xf32, #tpu.memory_space<hbm>>) dst(%arg9 : memref<128x128xf32, #tpu.memory_space<vmem>>)
        %add3A_611 = arith.addi %add3A_4, %add3A_537 : i32
        %mul3A_612 = arith.constant 128 : i32
        %mul3A_613 = arith.muli %add3A_611, %mul3A_612 : i32
        %dma_wait3A_614 = arith.constant 1 : i32
        %dma_wait3A_615 = arith.constant 2 : i32
        %dma_wait3A_616 = arith.constant 0 : i32
        %dma_wait3A_617 = tpu.memref_slice %arg7[%dma_wait3A_615, %dma_wait3A_616] : memref<4x128xi32, #tpu.memory_space<vmem>> -> memref<1x128xi32, #tpu.memory_space<vmem>>
        %dma_wait3A_618 = tpu.memref_squeeze %dma_wait3A_617 : memref<1x128xi32, #tpu.memory_space<vmem>> -> memref<128xi32, #tpu.memory_space<vmem>>
        %dma_wait3A_619 = tpu.memref_slice %arg3[%dma_wait3A_614, %mul3A_613] : memref<2x320000xi32, #tpu.memory_space<hbm>> -> memref<1x128xi32, #tpu.memory_space<hbm>>
        %dma_wait3A_620 = tpu.memref_squeeze %dma_wait3A_619 : memref<1x128xi32, #tpu.memory_space<hbm>> -> memref<128xi32, #tpu.memory_space<hbm>>
        %dma_wait3A_621 = arith.constant 0 : i32
        %dma_wait3A_622 = tpu.memref_slice %arg7[%dma_wait3A_615, %dma_wait3A_621] : memref<4x128xi32, #tpu.memory_space<vmem>> -> memref<1x128xi32, #tpu.memory_space<vmem>>
        %dma_wait3A_623 = tpu.memref_squeeze %dma_wait3A_622 : memref<1x128xi32, #tpu.memory_space<vmem>> -> memref<128xi32, #tpu.memory_space<vmem>>
        %dma_wait3A_624 = tpu.memref_slice %arg3[%dma_wait3A_614, %mul3A_613] : memref<2x320000xi32, #tpu.memory_space<hbm>> -> memref<1x128xi32, #tpu.memory_space<hbm>>
        %dma_wait3A_625 = tpu.memref_squeeze %dma_wait3A_624 : memref<1x128xi32, #tpu.memory_space<hbm>> -> memref<128xi32, #tpu.memory_space<hbm>>
        tpu.wait_dma2 semaphore(%arg24 : memref<!tpu.dma_semaphore, #tpu.memory_space<semaphore_mem>>) src(%dma_wait3A_625 : memref<128xi32, #tpu.memory_space<hbm>>) dst(%dma_wait3A_623 : memref<128xi32, #tpu.memory_space<vmem>>)
        %dma_start3A_626 = arith.constant 2 : i32
        %dma_start3A_627 = arith.constant 0 : i32
        %dma_start3A_628 = tpu.memref_slice %arg7[%dma_start3A_626, %dma_start3A_627] : memref<4x128xi32, #tpu.memory_space<vmem>> -> memref<1x128xi32, #tpu.memory_space<vmem>>
        %dma_start3A_629 = tpu.memref_squeeze %dma_start3A_628 : memref<1x128xi32, #tpu.memory_space<vmem>> -> memref<128xi32, #tpu.memory_space<vmem>>
        %dma_start3A_630 = arith.constant 0 : i32
        %dma_start3A_631 = arith.constant 0 : i32
        %dma_start3A_632 = tpu.memref_slice %arg11[%dma_start3A_630, %dma_start3A_631] : memref<10000x128xf32, #tpu.memory_space<vmem_shared>> -> memref<10000x128xf32, #tpu.memory_space<vmem_shared>>
        tpu.enqueue_indirect_dma source(%arg9 : memref<128x128xf32, #tpu.memory_space<vmem>>) target(%dma_start3A_632 : memref<10000x128xf32, #tpu.memory_space<vmem_shared>>) offsets(%dma_start3A_629 : memref<128xi32, #tpu.memory_space<vmem>>) semaphore(%arg16 : memref<!tpu.dma_semaphore, #tpu.memory_space<semaphore_mem>>) {add = true}
      } else {
      }
      %add3A_557 = arith.constant 4 : i32
      %add3A_558 = arith.addi %add3A_537, %add3A_557 : i32
      %lt3A_559 = arith.cmpi slt, %add3A_558, %add3A_8 : i32
      %convert_element_type3A_560 = arith.extui %lt3A_559 : i1 to i32
      %cond3A_561 = arith.constant 0 : i32
      %cond3A_562 = arith.cmpi ne, %convert_element_type3A_560, %cond3A_561 : i32
      scf.if %cond3A_562 {
        %add3A_604 = arith.constant 4 : i32
        %add3A_605 = arith.addi %add3A_537, %add3A_604 : i32
        %add3A_606 = arith.addi %add3A_4, %add3A_605 : i32
        %mul3A_607 = arith.constant 128 : i32
        %mul3A_608 = arith.muli %add3A_606, %mul3A_607 : i32
        %dma_start3A_609 = arith.constant 0 : i32
        %dma_start3A_610 = arith.constant 2 : i32
        %dma_start3A_611 = arith.constant 0 : i32
        %dma_start3A_612 = tpu.memref_slice %arg6[%dma_start3A_610, %dma_start3A_611] : memref<4x128xi32, #tpu.memory_space<vmem>> -> memref<1x128xi32, #tpu.memory_space<vmem>>
        %dma_start3A_613 = tpu.memref_squeeze %dma_start3A_612 : memref<1x128xi32, #tpu.memory_space<vmem>> -> memref<128xi32, #tpu.memory_space<vmem>>
        %dma_start3A_614 = tpu.memref_slice %arg3[%dma_start3A_609, %mul3A_608] : memref<2x320000xi32, #tpu.memory_space<hbm>> -> memref<1x128xi32, #tpu.memory_space<hbm>>
        %dma_start3A_615 = tpu.memref_squeeze %dma_start3A_614 : memref<1x128xi32, #tpu.memory_space<hbm>> -> memref<128xi32, #tpu.memory_space<hbm>>
        %dma_start3A_616 = arith.constant 0 : i32
        %dma_start3A_617 = tpu.memref_slice %arg6[%dma_start3A_610, %dma_start3A_616] : memref<4x128xi32, #tpu.memory_space<vmem>> -> memref<1x128xi32, #tpu.memory_space<vmem>>
        %dma_start3A_618 = tpu.memref_squeeze %dma_start3A_617 : memref<1x128xi32, #tpu.memory_space<vmem>> -> memref<128xi32, #tpu.memory_space<vmem>>
        %dma_start3A_619 = tpu.memref_slice %arg3[%dma_start3A_609, %mul3A_608] : memref<2x320000xi32, #tpu.memory_space<hbm>> -> memref<1x128xi32, #tpu.memory_space<hbm>>
        %dma_start3A_620 = tpu.memref_squeeze %dma_start3A_619 : memref<1x128xi32, #tpu.memory_space<hbm>> -> memref<128xi32, #tpu.memory_space<hbm>>
        tpu.enqueue_dma source(%dma_start3A_620 : memref<128xi32, #tpu.memory_space<hbm>>) target(%dma_start3A_618 : memref<128xi32, #tpu.memory_space<vmem>>) target_semaphore(%arg20 : memref<!tpu.dma_semaphore, #tpu.memory_space<semaphore_mem>>)
      } else {
      }
      %add3A_563 = arith.constant 2 : i32
      %add3A_564 = arith.addi %add3A_537, %add3A_563 : i32
      %lt3A_565 = arith.cmpi slt, %add3A_564, %add3A_8 : i32
      %convert_element_type3A_566 = arith.extui %lt3A_565 : i1 to i32
      %cond3A_567 = arith.constant 0 : i32
      %cond3A_568 = arith.cmpi ne, %convert_element_type3A_566, %cond3A_567 : i32
      scf.if %cond3A_568 {
        %add3A_604 = arith.constant 2 : i32
        %add3A_605 = arith.addi %add3A_537, %add3A_604 : i32
        %add3A_606 = arith.addi %add3A_4, %add3A_605 : i32
        %mul3A_607 = arith.constant 128 : i32
        %mul3A_608 = arith.muli %add3A_606, %mul3A_607 : i32
        %dma_start3A_609 = arith.constant 1 : i32
        %dma_start3A_610 = arith.constant 0 : i32
        %dma_start3A_611 = arith.constant 0 : i32
        %dma_start3A_612 = tpu.memref_slice %arg7[%dma_start3A_610, %dma_start3A_611] : memref<4x128xi32, #tpu.memory_space<vmem>> -> memref<1x128xi32, #tpu.memory_space<vmem>>
        %dma_start3A_613 = tpu.memref_squeeze %dma_start3A_612 : memref<1x128xi32, #tpu.memory_space<vmem>> -> memref<128xi32, #tpu.memory_space<vmem>>
        %dma_start3A_614 = tpu.memref_slice %arg3[%dma_start3A_609, %mul3A_608] : memref<2x320000xi32, #tpu.memory_space<hbm>> -> memref<1x128xi32, #tpu.memory_space<hbm>>
        %dma_start3A_615 = tpu.memref_squeeze %dma_start3A_614 : memref<1x128xi32, #tpu.memory_space<hbm>> -> memref<128xi32, #tpu.memory_space<hbm>>
        %dma_start3A_616 = arith.constant 0 : i32
        %dma_start3A_617 = tpu.memref_slice %arg7[%dma_start3A_610, %dma_start3A_616] : memref<4x128xi32, #tpu.memory_space<vmem>> -> memref<1x128xi32, #tpu.memory_space<vmem>>
        %dma_start3A_618 = tpu.memref_squeeze %dma_start3A_617 : memref<1x128xi32, #tpu.memory_space<vmem>> -> memref<128xi32, #tpu.memory_space<vmem>>
        %dma_start3A_619 = tpu.memref_slice %arg3[%dma_start3A_609, %mul3A_608] : memref<2x320000xi32, #tpu.memory_space<hbm>> -> memref<1x128xi32, #tpu.memory_space<hbm>>
        %dma_start3A_620 = tpu.memref_squeeze %dma_start3A_619 : memref<1x128xi32, #tpu.memory_space<hbm>> -> memref<128xi32, #tpu.memory_space<hbm>>
        tpu.enqueue_dma source(%dma_start3A_620 : memref<128xi32, #tpu.memory_space<hbm>>) target(%dma_start3A_618 : memref<128xi32, #tpu.memory_space<vmem>>) target_semaphore(%arg22 : memref<!tpu.dma_semaphore, #tpu.memory_space<semaphore_mem>>)
      } else {
      }
      %mul3A_569 = arith.constant 12 : i32
      %mul3A_570 = arith.muli %mul3A_569, %add3A_186 : i32
      %add3A_571 = arith.constant 11 : i32
      %add3A_572 = arith.addi %mul3A_570, %add3A_571 : i32
      %ge3A_573 = arith.constant 1 : i32
      %ge3A_574 = arith.cmpi sge, %add3A_572, %ge3A_573 : i32
      %sub3A_575 = arith.constant 1 : i32
      %sub3A_576 = arith.subi %add3A_572, %sub3A_575 : i32
      %lt3A_577 = arith.cmpi slt, %sub3A_576, %add3A_8 : i32
      %and3A_578 = arith.andi %ge3A_574, %lt3A_577 : i1
      %convert_element_type3A_579 = arith.extui %and3A_578 : i1 to i32
      %cond3A_580 = arith.constant 0 : i32
      %cond3A_581 = arith.cmpi ne, %convert_element_type3A_579, %cond3A_580 : i32
      scf.if %cond3A_581 {
        %dma_wait3A_604 = arith.constant 2 : i32
        %dma_wait3A_605 = arith.constant 0 : i32
        %dma_wait3A_606 = tpu.memref_slice %arg7[%dma_wait3A_604, %dma_wait3A_605] : memref<4x128xi32, #tpu.memory_space<vmem>> -> memref<1x128xi32, #tpu.memory_space<vmem>>
        %dma_wait3A_607 = tpu.memref_squeeze %dma_wait3A_606 : memref<1x128xi32, #tpu.memory_space<vmem>> -> memref<128xi32, #tpu.memory_space<vmem>>
        %dma_wait3A_608 = arith.constant 0 : i32
        %dma_wait3A_609 = arith.constant 0 : i32
        %dma_wait3A_610 = tpu.memref_slice %arg11[%dma_wait3A_608, %dma_wait3A_609] : memref<10000x128xf32, #tpu.memory_space<vmem_shared>> -> memref<10000x128xf32, #tpu.memory_space<vmem_shared>>
        tpu.wait_indirect_dma semaphore(%arg16 : memref<!tpu.dma_semaphore, #tpu.memory_space<semaphore_mem>>) src(%arg9 : memref<128x128xf32, #tpu.memory_space<vmem>>) dst(%dma_wait3A_610 : memref<10000x128xf32, #tpu.memory_space<vmem_shared>>)
      } else {
      }
      %add3A_582 = arith.constant 2 : i32
      %add3A_583 = arith.addi %add3A_572, %add3A_582 : i32
      %lt3A_584 = arith.cmpi slt, %add3A_583, %add3A_8 : i32
      %convert_element_type3A_585 = arith.extui %lt3A_584 : i1 to i32
      %cond3A_586 = arith.constant 0 : i32
      %cond3A_587 = arith.cmpi ne, %convert_element_type3A_585, %cond3A_586 : i32
      scf.if %cond3A_587 {
        %add3A_604 = arith.constant 2 : i32
        %add3A_605 = arith.addi %add3A_572, %add3A_604 : i32
        %add3A_606 = arith.addi %add3A_4, %add3A_605 : i32
        %mul3A_607 = arith.constant 128 : i32
        %mul3A_608 = arith.muli %add3A_606, %mul3A_607 : i32
        %dma_wait3A_609 = arith.constant 0 : i32
        %dma_wait3A_610 = arith.constant 1 : i32
        %dma_wait3A_611 = arith.constant 0 : i32
        %dma_wait3A_612 = tpu.memref_slice %arg6[%dma_wait3A_610, %dma_wait3A_611] : memref<4x128xi32, #tpu.memory_space<vmem>> -> memref<1x128xi32, #tpu.memory_space<vmem>>
        %dma_wait3A_613 = tpu.memref_squeeze %dma_wait3A_612 : memref<1x128xi32, #tpu.memory_space<vmem>> -> memref<128xi32, #tpu.memory_space<vmem>>
        %dma_wait3A_614 = tpu.memref_slice %arg3[%dma_wait3A_609, %mul3A_608] : memref<2x320000xi32, #tpu.memory_space<hbm>> -> memref<1x128xi32, #tpu.memory_space<hbm>>
        %dma_wait3A_615 = tpu.memref_squeeze %dma_wait3A_614 : memref<1x128xi32, #tpu.memory_space<hbm>> -> memref<128xi32, #tpu.memory_space<hbm>>
        %dma_wait3A_616 = arith.constant 0 : i32
        %dma_wait3A_617 = tpu.memref_slice %arg6[%dma_wait3A_610, %dma_wait3A_616] : memref<4x128xi32, #tpu.memory_space<vmem>> -> memref<1x128xi32, #tpu.memory_space<vmem>>
        %dma_wait3A_618 = tpu.memref_squeeze %dma_wait3A_617 : memref<1x128xi32, #tpu.memory_space<vmem>> -> memref<128xi32, #tpu.memory_space<vmem>>
        %dma_wait3A_619 = tpu.memref_slice %arg3[%dma_wait3A_609, %mul3A_608] : memref<2x320000xi32, #tpu.memory_space<hbm>> -> memref<1x128xi32, #tpu.memory_space<hbm>>
        %dma_wait3A_620 = tpu.memref_squeeze %dma_wait3A_619 : memref<1x128xi32, #tpu.memory_space<hbm>> -> memref<128xi32, #tpu.memory_space<hbm>>
        tpu.wait_dma2 semaphore(%arg19 : memref<!tpu.dma_semaphore, #tpu.memory_space<semaphore_mem>>) src(%dma_wait3A_620 : memref<128xi32, #tpu.memory_space<hbm>>) dst(%dma_wait3A_618 : memref<128xi32, #tpu.memory_space<vmem>>)
        %dma_start3A_621 = arith.constant 1 : i32
        %dma_start3A_622 = arith.constant 0 : i32
        %dma_start3A_623 = tpu.memref_slice %arg6[%dma_start3A_621, %dma_start3A_622] : memref<4x128xi32, #tpu.memory_space<vmem>> -> memref<1x128xi32, #tpu.memory_space<vmem>>
        %dma_start3A_624 = tpu.memref_squeeze %dma_start3A_623 : memref<1x128xi32, #tpu.memory_space<vmem>> -> memref<128xi32, #tpu.memory_space<vmem>>
        %dma_start3A_625 = arith.constant 0 : i32
        %dma_start3A_626 = arith.constant 0 : i32
        %dma_start3A_627 = tpu.memref_slice %arg2[%dma_start3A_625, %dma_start3A_626] : memref<10000x128xf32, #tpu.memory_space<hbm>> -> memref<10000x128xf32, #tpu.memory_space<hbm>>
        tpu.enqueue_indirect_dma source(%dma_start3A_627 : memref<10000x128xf32, #tpu.memory_space<hbm>>) target(%arg9 : memref<128x128xf32, #tpu.memory_space<vmem>>) offsets(%dma_start3A_624 : memref<128xi32, #tpu.memory_space<vmem>>) semaphore(%arg13 : memref<!tpu.dma_semaphore, #tpu.memory_space<semaphore_mem>>)
      } else {
      }
      %lt3A_588 = arith.cmpi slt, %add3A_572, %add3A_8 : i32
      %convert_element_type3A_589 = arith.extui %lt3A_588 : i1 to i32
      %cond3A_590 = arith.constant 0 : i32
      %cond3A_591 = arith.cmpi ne, %convert_element_type3A_589, %cond3A_590 : i32
      scf.if %cond3A_591 {
        %dma_wait3A_604 = arith.constant 3 : i32
        %dma_wait3A_605 = arith.constant 0 : i32
        %dma_wait3A_606 = tpu.memref_slice %arg6[%dma_wait3A_604, %dma_wait3A_605] : memref<4x128xi32, #tpu.memory_space<vmem>> -> memref<1x128xi32, #tpu.memory_space<vmem>>
        %dma_wait3A_607 = tpu.memref_squeeze %dma_wait3A_606 : memref<1x128xi32, #tpu.memory_space<vmem>> -> memref<128xi32, #tpu.memory_space<vmem>>
        %dma_wait3A_608 = arith.constant 0 : i32
        %dma_wait3A_609 = arith.constant 0 : i32
        %dma_wait3A_610 = tpu.memref_slice %arg2[%dma_wait3A_608, %dma_wait3A_609] : memref<10000x128xf32, #tpu.memory_space<hbm>> -> memref<10000x128xf32, #tpu.memory_space<hbm>>
        tpu.wait_indirect_dma semaphore(%arg14 : memref<!tpu.dma_semaphore, #tpu.memory_space<semaphore_mem>>) src(%dma_wait3A_610 : memref<10000x128xf32, #tpu.memory_space<hbm>>) dst(%arg10 : memref<128x128xf32, #tpu.memory_space<vmem>>)
        %add3A_611 = arith.addi %add3A_4, %add3A_572 : i32
        %mul3A_612 = arith.constant 128 : i32
        %mul3A_613 = arith.muli %add3A_611, %mul3A_612 : i32
        %dma_wait3A_614 = arith.constant 1 : i32
        %dma_wait3A_615 = arith.constant 3 : i32
        %dma_wait3A_616 = arith.constant 0 : i32
        %dma_wait3A_617 = tpu.memref_slice %arg7[%dma_wait3A_615, %dma_wait3A_616] : memref<4x128xi32, #tpu.memory_space<vmem>> -> memref<1x128xi32, #tpu.memory_space<vmem>>
        %dma_wait3A_618 = tpu.memref_squeeze %dma_wait3A_617 : memref<1x128xi32, #tpu.memory_space<vmem>> -> memref<128xi32, #tpu.memory_space<vmem>>
        %dma_wait3A_619 = tpu.memref_slice %arg3[%dma_wait3A_614, %mul3A_613] : memref<2x320000xi32, #tpu.memory_space<hbm>> -> memref<1x128xi32, #tpu.memory_space<hbm>>
        %dma_wait3A_620 = tpu.memref_squeeze %dma_wait3A_619 : memref<1x128xi32, #tpu.memory_space<hbm>> -> memref<128xi32, #tpu.memory_space<hbm>>
        %dma_wait3A_621 = arith.constant 0 : i32
        %dma_wait3A_622 = tpu.memref_slice %arg7[%dma_wait3A_615, %dma_wait3A_621] : memref<4x128xi32, #tpu.memory_space<vmem>> -> memref<1x128xi32, #tpu.memory_space<vmem>>
        %dma_wait3A_623 = tpu.memref_squeeze %dma_wait3A_622 : memref<1x128xi32, #tpu.memory_space<vmem>> -> memref<128xi32, #tpu.memory_space<vmem>>
        %dma_wait3A_624 = tpu.memref_slice %arg3[%dma_wait3A_614, %mul3A_613] : memref<2x320000xi32, #tpu.memory_space<hbm>> -> memref<1x128xi32, #tpu.memory_space<hbm>>
        %dma_wait3A_625 = tpu.memref_squeeze %dma_wait3A_624 : memref<1x128xi32, #tpu.memory_space<hbm>> -> memref<128xi32, #tpu.memory_space<hbm>>
        tpu.wait_dma2 semaphore(%arg25 : memref<!tpu.dma_semaphore, #tpu.memory_space<semaphore_mem>>) src(%dma_wait3A_625 : memref<128xi32, #tpu.memory_space<hbm>>) dst(%dma_wait3A_623 : memref<128xi32, #tpu.memory_space<vmem>>)
        %dma_start3A_626 = arith.constant 3 : i32
        %dma_start3A_627 = arith.constant 0 : i32
        %dma_start3A_628 = tpu.memref_slice %arg7[%dma_start3A_626, %dma_start3A_627] : memref<4x128xi32, #tpu.memory_space<vmem>> -> memref<1x128xi32, #tpu.memory_space<vmem>>
        %dma_start3A_629 = tpu.memref_squeeze %dma_start3A_628 : memref<1x128xi32, #tpu.memory_space<vmem>> -> memref<128xi32, #tpu.memory_space<vmem>>
        %dma_start3A_630 = arith.constant 0 : i32
        %dma_start3A_631 = arith.constant 0 : i32
        %dma_start3A_632 = tpu.memref_slice %arg11[%dma_start3A_630, %dma_start3A_631] : memref<10000x128xf32, #tpu.memory_space<vmem_shared>> -> memref<10000x128xf32, #tpu.memory_space<vmem_shared>>
        tpu.enqueue_indirect_dma source(%arg10 : memref<128x128xf32, #tpu.memory_space<vmem>>) target(%dma_start3A_632 : memref<10000x128xf32, #tpu.memory_space<vmem_shared>>) offsets(%dma_start3A_629 : memref<128xi32, #tpu.memory_space<vmem>>) semaphore(%arg17 : memref<!tpu.dma_semaphore, #tpu.memory_space<semaphore_mem>>) {add = true}
      } else {
      }
      %add3A_592 = arith.constant 4 : i32
      %add3A_593 = arith.addi %add3A_572, %add3A_592 : i32
      %lt3A_594 = arith.cmpi slt, %add3A_593, %add3A_8 : i32
      %convert_element_type3A_595 = arith.extui %lt3A_594 : i1 to i32
      %cond3A_596 = arith.constant 0 : i32
      %cond3A_597 = arith.cmpi ne, %convert_element_type3A_595, %cond3A_596 : i32
      scf.if %cond3A_597 {
        %add3A_604 = arith.constant 4 : i32
        %add3A_605 = arith.addi %add3A_572, %add3A_604 : i32
        %add3A_606 = arith.addi %add3A_4, %add3A_605 : i32
        %mul3A_607 = arith.constant 128 : i32
        %mul3A_608 = arith.muli %add3A_606, %mul3A_607 : i32
        %dma_start3A_609 = arith.constant 0 : i32
        %dma_start3A_610 = arith.constant 3 : i32
        %dma_start3A_611 = arith.constant 0 : i32
        %dma_start3A_612 = tpu.memref_slice %arg6[%dma_start3A_610, %dma_start3A_611] : memref<4x128xi32, #tpu.memory_space<vmem>> -> memref<1x128xi32, #tpu.memory_space<vmem>>
        %dma_start3A_613 = tpu.memref_squeeze %dma_start3A_612 : memref<1x128xi32, #tpu.memory_space<vmem>> -> memref<128xi32, #tpu.memory_space<vmem>>
        %dma_start3A_614 = tpu.memref_slice %arg3[%dma_start3A_609, %mul3A_608] : memref<2x320000xi32, #tpu.memory_space<hbm>> -> memref<1x128xi32, #tpu.memory_space<hbm>>
        %dma_start3A_615 = tpu.memref_squeeze %dma_start3A_614 : memref<1x128xi32, #tpu.memory_space<hbm>> -> memref<128xi32, #tpu.memory_space<hbm>>
        %dma_start3A_616 = arith.constant 0 : i32
        %dma_start3A_617 = tpu.memref_slice %arg6[%dma_start3A_610, %dma_start3A_616] : memref<4x128xi32, #tpu.memory_space<vmem>> -> memref<1x128xi32, #tpu.memory_space<vmem>>
        %dma_start3A_618 = tpu.memref_squeeze %dma_start3A_617 : memref<1x128xi32, #tpu.memory_space<vmem>> -> memref<128xi32, #tpu.memory_space<vmem>>
        %dma_start3A_619 = tpu.memref_slice %arg3[%dma_start3A_609, %mul3A_608] : memref<2x320000xi32, #tpu.memory_space<hbm>> -> memref<1x128xi32, #tpu.memory_space<hbm>>
        %dma_start3A_620 = tpu.memref_squeeze %dma_start3A_619 : memref<1x128xi32, #tpu.memory_space<hbm>> -> memref<128xi32, #tpu.memory_space<hbm>>
        tpu.enqueue_dma source(%dma_start3A_620 : memref<128xi32, #tpu.memory_space<hbm>>) target(%dma_start3A_618 : memref<128xi32, #tpu.memory_space<vmem>>) target_semaphore(%arg21 : memref<!tpu.dma_semaphore, #tpu.memory_space<semaphore_mem>>)
      } else {
      }
      %add3A_598 = arith.constant 2 : i32
      %add3A_599 = arith.addi %add3A_572, %add3A_598 : i32
      %lt3A_600 = arith.cmpi slt, %add3A_599, %add3A_8 : i32
      %convert_element_type3A_601 = arith.extui %lt3A_600 : i1 to i32
      %cond3A_602 = arith.constant 0 : i32
      %cond3A_603 = arith.cmpi ne, %convert_element_type3A_601, %cond3A_602 : i32
      scf.if %cond3A_603 {
        %add3A_604 = arith.constant 2 : i32
        %add3A_605 = arith.addi %add3A_572, %add3A_604 : i32
        %add3A_606 = arith.addi %add3A_4, %add3A_605 : i32
        %mul3A_607 = arith.constant 128 : i32
        %mul3A_608 = arith.muli %add3A_606, %mul3A_607 : i32
        %dma_start3A_609 = arith.constant 1 : i32
        %dma_start3A_610 = arith.constant 1 : i32
        %dma_start3A_611 = arith.constant 0 : i32
        %dma_start3A_612 = tpu.memref_slice %arg7[%dma_start3A_610, %dma_start3A_611] : memref<4x128xi32, #tpu.memory_space<vmem>> -> memref<1x128xi32, #tpu.memory_space<vmem>>
        %dma_start3A_613 = tpu.memref_squeeze %dma_start3A_612 : memref<1x128xi32, #tpu.memory_space<vmem>> -> memref<128xi32, #tpu.memory_space<vmem>>
        %dma_start3A_614 = tpu.memref_slice %arg3[%dma_start3A_609, %mul3A_608] : memref<2x320000xi32, #tpu.memory_space<hbm>> -> memref<1x128xi32, #tpu.memory_space<hbm>>
        %dma_start3A_615 = tpu.memref_squeeze %dma_start3A_614 : memref<1x128xi32, #tpu.memory_space<hbm>> -> memref<128xi32, #tpu.memory_space<hbm>>
        %dma_start3A_616 = arith.constant 0 : i32
        %dma_start3A_617 = tpu.memref_slice %arg7[%dma_start3A_610, %dma_start3A_616] : memref<4x128xi32, #tpu.memory_space<vmem>> -> memref<1x128xi32, #tpu.memory_space<vmem>>
        %dma_start3A_618 = tpu.memref_squeeze %dma_start3A_617 : memref<1x128xi32, #tpu.memory_space<vmem>> -> memref<128xi32, #tpu.memory_space<vmem>>
        %dma_start3A_619 = tpu.memref_slice %arg3[%dma_start3A_609, %mul3A_608] : memref<2x320000xi32, #tpu.memory_space<hbm>> -> memref<1x128xi32, #tpu.memory_space<hbm>>
        %dma_start3A_620 = tpu.memref_squeeze %dma_start3A_619 : memref<1x128xi32, #tpu.memory_space<hbm>> -> memref<128xi32, #tpu.memory_space<hbm>>
        tpu.enqueue_dma source(%dma_start3A_620 : memref<128xi32, #tpu.memory_space<hbm>>) target(%dma_start3A_618 : memref<128xi32, #tpu.memory_space<vmem>>) target_semaphore(%arg23 : memref<!tpu.dma_semaphore, #tpu.memory_space<semaphore_mem>>)
      } else {
      }
    }
    %scan3A_171 = arith.constant 7 : i32
    %barrier3A_172 = arith.constant 0 : index
    tpu.barrier barrier_id(%barrier3A_172)
    %mul3A_173 = arith.constant 624 : i32
    %mul3A_174 = arith.muli %arg1, %mul3A_173 : i32
    %mul3A_175 = arith.constant 624 : i32
    %mul3A_176 = arith.muli %arg1, %mul3A_175 : i32
    "tpu.region"() ({
      %run_scoped3A = tpu.sem_alloc : memref<!tpu.dma_semaphore, #tpu.memory_space<semaphore_mem>>
      %dma_start3A_182 = arith.constant 0 : i32
      %dma_start3A_183 = tpu.memref_slice %arg5[%arg0, %mul3A_176, %dma_start3A_182] : memref<2x10000x128xf32, #tpu.memory_space<hbm>> -> memref<1x624x128xf32, #tpu.memory_space<hbm>>
      %dma_start3A_184 = tpu.memref_squeeze %dma_start3A_183 : memref<1x624x128xf32, #tpu.memory_space<hbm>> -> memref<624x128xf32, #tpu.memory_space<hbm>>
      %dma_start3A_185 = arith.constant 0 : i32
      %dma_start3A_186 = tpu.memref_slice %arg11[%mul3A_174, %dma_start3A_185] : memref<10000x128xf32, #tpu.memory_space<vmem_shared>> -> memref<624x128xf32, #tpu.memory_space<vmem_shared>>
      tpu.enqueue_dma source(%dma_start3A_186 : memref<624x128xf32, #tpu.memory_space<vmem_shared>>) target(%dma_start3A_184 : memref<624x128xf32, #tpu.memory_space<hbm>>) target_semaphore(%run_scoped3A : memref<!tpu.dma_semaphore, #tpu.memory_space<semaphore_mem>>)
      %dma_wait3A_187 = arith.constant 0 : i32
      %dma_wait3A_188 = tpu.memref_slice %arg5[%arg0, %mul3A_176, %dma_wait3A_187] : memref<2x10000x128xf32, #tpu.memory_space<hbm>> -> memref<1x624x128xf32, #tpu.memory_space<hbm>>
      %dma_wait3A_189 = tpu.memref_squeeze %dma_wait3A_188 : memref<1x624x128xf32, #tpu.memory_space<hbm>> -> memref<624x128xf32, #tpu.memory_space<hbm>>
      %dma_wait3A_190 = arith.constant 0 : i32
      %dma_wait3A_191 = tpu.memref_slice %arg11[%mul3A_174, %dma_wait3A_190] : memref<10000x128xf32, #tpu.memory_space<vmem_shared>> -> memref<624x128xf32, #tpu.memory_space<vmem_shared>>
      tpu.wait_dma2 semaphore(%run_scoped3A : memref<!tpu.dma_semaphore, #tpu.memory_space<semaphore_mem>>) src(%dma_wait3A_191 : memref<624x128xf32, #tpu.memory_space<vmem_shared>>) dst(%dma_wait3A_189 : memref<624x128xf32, #tpu.memory_space<hbm>>)
      tpu.yield
    }) : () -> ()
    %eq3A_177 = arith.constant 15 : i32
    %eq3A_178 = arith.cmpi eq, %arg1, %eq3A_177 : i32
    %convert_element_type3A_179 = arith.extui %eq3A_178 : i1 to i32
    %cond3A_180 = arith.constant 0 : i32
    %cond3A_181 = arith.cmpi ne, %convert_element_type3A_179, %cond3A_180 : i32
    scf.if %cond3A_181 {
      "tpu.region"() ({
        %run_scoped3A = tpu.sem_alloc : memref<!tpu.dma_semaphore, #tpu.memory_space<semaphore_mem>>
        %dma_start3A_182 = arith.constant 9984 : i32
        %dma_start3A_183 = arith.constant 0 : i32
        %dma_start3A_184 = tpu.memref_slice %arg5[%arg0, %dma_start3A_182, %dma_start3A_183] : memref<2x10000x128xf32, #tpu.memory_space<hbm>> -> memref<1x16x128xf32, #tpu.memory_space<hbm>>
        %dma_start3A_185 = tpu.memref_squeeze %dma_start3A_184 : memref<1x16x128xf32, #tpu.memory_space<hbm>> -> memref<16x128xf32, #tpu.memory_space<hbm>>
        %dma_start3A_186 = arith.constant 9984 : i32
        %dma_start3A_187 = arith.constant 0 : i32
        %dma_start3A_188 = tpu.memref_slice %arg11[%dma_start3A_186, %dma_start3A_187] : memref<10000x128xf32, #tpu.memory_space<vmem_shared>> -> memref<16x128xf32, #tpu.memory_space<vmem_shared>>
        tpu.enqueue_dma source(%dma_start3A_188 : memref<16x128xf32, #tpu.memory_space<vmem_shared>>) target(%dma_start3A_185 : memref<16x128xf32, #tpu.memory_space<hbm>>) target_semaphore(%run_scoped3A : memref<!tpu.dma_semaphore, #tpu.memory_space<semaphore_mem>>)
        %dma_wait3A_189 = arith.constant 9984 : i32
        %dma_wait3A_190 = arith.constant 0 : i32
        %dma_wait3A_191 = tpu.memref_slice %arg5[%arg0, %dma_wait3A_189, %dma_wait3A_190] : memref<2x10000x128xf32, #tpu.memory_space<hbm>> -> memref<1x16x128xf32, #tpu.memory_space<hbm>>
        %dma_wait3A_192 = tpu.memref_squeeze %dma_wait3A_191 : memref<1x16x128xf32, #tpu.memory_space<hbm>> -> memref<16x128xf32, #tpu.memory_space<hbm>>
        %dma_wait3A_193 = arith.constant 9984 : i32
        %dma_wait3A_194 = arith.constant 0 : i32
        %dma_wait3A_195 = tpu.memref_slice %arg11[%dma_wait3A_193, %dma_wait3A_194] : memref<10000x128xf32, #tpu.memory_space<vmem_shared>> -> memref<16x128xf32, #tpu.memory_space<vmem_shared>>
        tpu.wait_dma2 semaphore(%run_scoped3A : memref<!tpu.dma_semaphore, #tpu.memory_space<semaphore_mem>>) src(%dma_wait3A_195 : memref<16x128xf32, #tpu.memory_space<vmem_shared>>) dst(%dma_wait3A_192 : memref<16x128xf32, #tpu.memory_space<hbm>>)
        tpu.yield
      }) : () -> ()
    } else {
    }
    return
  }
}

module attributes {stable_mosaic.version = 14 : i64} {
  func.func @body(%arg0: memref<10000x128xf32, #tpu.memory_space<vmem>>, %arg1: memref<128x128xf32, #tpu.memory_space<vmem>>, %arg2: memref<1x128xf32, #tpu.memory_space<vmem>>, %arg3: memref<10000x128xf32, #tpu.memory_space<vmem>>) attributes {dimension_semantics = [], scalar_prefetch = 0 : i64, scratch_operands = 0 : i64, tpu.core_type = #tpu.core_type<tc>} {
    %get3A = arith.constant 0 : index
    %get3A_0 = arith.constant 0 : index
    %get3A_1 = vector.load %arg0[%get3A, %get3A_0] : memref<10000x128xf32, #tpu.memory_space<vmem>>, vector<10000x128xf32>
    %get3A_2 = arith.constant 0 : index
    %get3A_3 = arith.constant 0 : index
    %get3A_4 = vector.load %arg1[%get3A_2, %get3A_3] : memref<128x128xf32, #tpu.memory_space<vmem>>, vector<128x128xf32>
    %dot_general3A = arith.constant dense<0.000000e+00> : vector<10000x128xf32>
    %dot_general3A_5 = tpu.matmul %get3A_1, %get3A_4, %dot_general3A {dimension_numbers = #tpu.dot_dimension_numbers<[1], [0], [0], [1], [0, 0, 1, 1], [], []>, transpose_lhs_hint = false} : vector<10000x128xf32>, vector<128x128xf32>, vector<10000x128xf32> -> vector<10000x128xf32>
    %get3A_6 = arith.constant 0 : index
    %get3A_7 = arith.constant 0 : index
    %get3A_8 = vector.load %arg2[%get3A_6, %get3A_7] : memref<1x128xf32, #tpu.memory_space<vmem>>, vector<1x128xf32>
    %add3A = vector.broadcast %get3A_8 : vector<1x128xf32> to vector<10000x128xf32>
    %add3A_9 = arith.addf %dot_general3A_5, %add3A : vector<10000x128xf32>
    %swap3A = arith.constant 0 : index
    %swap3A_10 = arith.constant 0 : index
    %swap3A_11 = vector.load %arg3[%swap3A, %swap3A_10] : memref<10000x128xf32, #tpu.memory_space<vmem>>, vector<10000x128xf32>
    tpu.vector_store %arg3[%swap3A, %swap3A_10], %add3A_9 {strides = array<i32>} : memref<10000x128xf32, #tpu.memory_space<vmem>>, vector<10000x128xf32>,
    return
  }
}

module attributes {stable_mosaic.version = 14 : i64} {
  func.func @body(%arg0: memref<2x10000x128xf32, #tpu.memory_space<vmem>>, %arg1: memref<10000x128xf32, #tpu.memory_space<vmem>>, %arg2: memref<128x128xf32, #tpu.memory_space<vmem>>, %arg3: memref<1x128xf32, #tpu.memory_space<vmem>>, %arg4: memref<1x10000xi32, #tpu.memory_space<vmem>>, %arg5: memref<64x128xf32, #tpu.memory_space<vmem>>) attributes {dimension_semantics = [], scalar_prefetch = 0 : i64, scratch_operands = 0 : i64, tpu.core_type = #tpu.core_type<tc>} {
    %get3A = arith.constant 0 : index
    %get3A_0 = arith.constant 0 : index
    %get3A_1 = arith.constant 0 : index
    %get3A_2 = vector.load %arg0[%get3A, %get3A_0, %get3A_1] : memref<2x10000x128xf32, #tpu.memory_space<vmem>>, vector<1x10000x128xf32>
    %get3A_3 = vector.shape_cast %get3A_2 : vector<1x10000x128xf32> to vector<10000x128xf32>
    %get3A_4 = arith.constant 1 : index
    %get3A_5 = arith.constant 0 : index
    %get3A_6 = arith.constant 0 : index
    %get3A_7 = vector.load %arg0[%get3A_4, %get3A_5, %get3A_6] : memref<2x10000x128xf32, #tpu.memory_space<vmem>>, vector<1x10000x128xf32>
    %get3A_8 = vector.shape_cast %get3A_7 : vector<1x10000x128xf32> to vector<10000x128xf32>
    %add3A = arith.addf %get3A_3, %get3A_8 : vector<10000x128xf32>
    %get3A_9 = arith.constant 0 : index
    %get3A_10 = arith.constant 0 : index
    %get3A_11 = vector.load %arg2[%get3A_9, %get3A_10] : memref<128x128xf32, #tpu.memory_space<vmem>>, vector<128x128xf32>
    %dot_general3A = arith.constant dense<0.000000e+00> : vector<10000x128xf32>
    %dot_general3A_12 = tpu.matmul %add3A, %get3A_11, %dot_general3A {dimension_numbers = #tpu.dot_dimension_numbers<[1], [0], [0], [1], [0, 0, 1, 1], [], []>, transpose_lhs_hint = false} : vector<10000x128xf32>, vector<128x128xf32>, vector<10000x128xf32> -> vector<10000x128xf32>
    %get3A_13 = arith.constant 0 : index
    %get3A_14 = arith.constant 0 : index
    %get3A_15 = vector.load %arg1[%get3A_13, %get3A_14] : memref<10000x128xf32, #tpu.memory_space<vmem>>, vector<10000x128xf32>
    %add3A_16 = arith.addf %dot_general3A_12, %get3A_15 : vector<10000x128xf32>
    %max3A = arith.constant 0.000000e+00 : f32
    %max3A_17 = vector.broadcast %max3A : f32 to vector<10000x128xf32>
    %max3A_18 = arith.maximumf %add3A_16, %max3A_17 : vector<10000x128xf32>
    %get3A_19 = arith.constant 0 : index
    %get3A_20 = arith.constant 0 : index
    %get3A_21 = vector.load %arg3[%get3A_19, %get3A_20] : memref<1x128xf32, #tpu.memory_space<vmem>>, vector<1x128xf32>
    %dot_general3A_22 = arith.constant dense<0.000000e+00> : vector<1x10000xf32>
    %dot_general3A_23 = tpu.matmul %get3A_21, %max3A_18, %dot_general3A_22 {dimension_numbers = #tpu.dot_dimension_numbers<[1], [1], [0], [0], [0, 0, 1, 0], [], []>, transpose_lhs_hint = false} : vector<1x128xf32>, vector<10000x128xf32>, vector<1x10000xf32> -> vector<1x10000xf32>
    %get3A_24 = arith.constant 0 : index
    %get3A_25 = arith.constant 0 : index
    %get3A_26 = vector.load %arg4[%get3A_24, %get3A_25] : memref<1x10000xi32, #tpu.memory_space<vmem>>, vector<1x10000xi32>
    %iota3A = tpu.iota {dimensions = array<i32: 0>} : vector<64x10000xi32>
    %eq3A = vector.broadcast %get3A_26 : vector<1x10000xi32> to vector<64x10000xi32>
    %eq3A_27 = arith.cmpi eq, %iota3A, %eq3A : vector<64x10000xi32>
    %jit3A = arith.constant -1.000000e+30 : f32
    %broadcast_in_dim3A = vector.shape_cast %dot_general3A_23 : vector<1x10000xf32> to vector<1x10000xf32>
    %broadcast_in_dim3A_28 = vector.broadcast %broadcast_in_dim3A : vector<1x10000xf32> to vector<64x10000xf32>
    %broadcast_in_dim3A_29 = vector.broadcast %jit3A : f32 to vector<64x10000xf32>
    %select_n3A = arith.select %eq3A_27, %broadcast_in_dim3A_28, %broadcast_in_dim3A_29 : vector<64x10000xi1>, vector<64x10000xf32>
    %reduce_max3A = arith.constant dense<0xFF800000> : vector<64xf32>
    %reduce_max3A_30 = vector.multi_reduction <maximumf>, %select_n3A, %reduce_max3A [1] : vector<64x10000xf32> to vector<64xf32>
    %broadcast_in_dim3A_31 = vector.shape_cast %reduce_max3A_30 : vector<64xf32> to vector<64x1xf32>
    %jit3A_32 = arith.constant 0.000000e+00 : f32
    %broadcast_in_dim3A_33 = vector.shape_cast %broadcast_in_dim3A_31 : vector<64x1xf32> to vector<64x1xf32>
    %broadcast_in_dim3A_34 = vector.broadcast %broadcast_in_dim3A_33 : vector<64x1xf32> to vector<64x10000xf32>
    %broadcast_in_dim3A_35 = vector.broadcast %jit3A_32 : f32 to vector<64x10000xf32>
    %select_n3A_36 = arith.select %eq3A_27, %broadcast_in_dim3A_34, %broadcast_in_dim3A_35 : vector<64x10000xi1>, vector<64x10000xf32>
    %reduce_sum3A = arith.constant dense<0.000000e+00> : vector<10000xf32>
    %reduce_sum3A_37 = vector.multi_reduction <add>, %select_n3A_36, %reduce_sum3A [0] : vector<64x10000xf32> to vector<10000xf32>
    %broadcast_in_dim3A_38 = vector.shape_cast %reduce_sum3A_37 : vector<10000xf32> to vector<1x10000xf32>
    %sub3A = arith.subf %dot_general3A_23, %broadcast_in_dim3A_38 : vector<1x10000xf32>
    %exp3A = math.exp %sub3A : vector<1x10000xf32>
    %jit3A_39 = arith.constant 0.000000e+00 : f32
    %broadcast_in_dim3A_40 = vector.shape_cast %exp3A : vector<1x10000xf32> to vector<1x10000xf32>
    %broadcast_in_dim3A_41 = vector.broadcast %broadcast_in_dim3A_40 : vector<1x10000xf32> to vector<64x10000xf32>
    %broadcast_in_dim3A_42 = vector.broadcast %jit3A_39 : f32 to vector<64x10000xf32>
    %select_n3A_43 = arith.select %eq3A_27, %broadcast_in_dim3A_41, %broadcast_in_dim3A_42 : vector<64x10000xi1>, vector<64x10000xf32>
    %reduce_sum3A_44 = arith.constant dense<0.000000e+00> : vector<64xf32>
    %reduce_sum3A_45 = vector.multi_reduction <add>, %select_n3A_43, %reduce_sum3A_44 [1] : vector<64x10000xf32> to vector<64xf32>
    %broadcast_in_dim3A_46 = vector.shape_cast %reduce_sum3A_45 : vector<64xf32> to vector<64x1xf32>
    %jit3A_47 = arith.constant 0.000000e+00 : f32
    %broadcast_in_dim3A_48 = vector.shape_cast %broadcast_in_dim3A_46 : vector<64x1xf32> to vector<64x1xf32>
    %broadcast_in_dim3A_49 = vector.broadcast %broadcast_in_dim3A_48 : vector<64x1xf32> to vector<64x10000xf32>
    %broadcast_in_dim3A_50 = vector.broadcast %jit3A_47 : f32 to vector<64x10000xf32>
    %select_n3A_51 = arith.select %eq3A_27, %broadcast_in_dim3A_49, %broadcast_in_dim3A_50 : vector<64x10000xi1>, vector<64x10000xf32>
    %reduce_sum3A_52 = arith.constant dense<0.000000e+00> : vector<10000xf32>
    %reduce_sum3A_53 = vector.multi_reduction <add>, %select_n3A_51, %reduce_sum3A_52 [0] : vector<64x10000xf32> to vector<10000xf32>
    %broadcast_in_dim3A_54 = vector.shape_cast %reduce_sum3A_53 : vector<10000xf32> to vector<1x10000xf32>
    %div3A = arith.divf %exp3A, %broadcast_in_dim3A_54 : vector<1x10000xf32>
    %jit3A_55 = arith.constant 0.000000e+00 : f32
    %broadcast_in_dim3A_56 = vector.shape_cast %div3A : vector<1x10000xf32> to vector<1x10000xf32>
    %broadcast_in_dim3A_57 = vector.broadcast %broadcast_in_dim3A_56 : vector<1x10000xf32> to vector<64x10000xf32>
    %broadcast_in_dim3A_58 = vector.broadcast %jit3A_55 : f32 to vector<64x10000xf32>
    %select_n3A_59 = arith.select %eq3A_27, %broadcast_in_dim3A_57, %broadcast_in_dim3A_58 : vector<64x10000xi1>, vector<64x10000xf32>
    %dot_general3A_60 = arith.constant dense<0.000000e+00> : vector<64x128xf32>
    %dot_general3A_61 = tpu.matmul %select_n3A_59, %max3A_18, %dot_general3A_60 {dimension_numbers = #tpu.dot_dimension_numbers<[1], [0], [0], [1], [0, 0, 1, 1], [], []>, transpose_lhs_hint = false} : vector<64x10000xf32>, vector<10000x128xf32>, vector<64x128xf32> -> vector<64x128xf32>
    %swap3A = arith.constant 0 : index
    %swap3A_62 = arith.constant 0 : index
    %swap3A_63 = vector.load %arg5[%swap3A, %swap3A_62] : memref<64x128xf32, #tpu.memory_space<vmem>>, vector<64x128xf32>
    tpu.vector_store %arg5[%swap3A, %swap3A_62], %dot_general3A_61 {strides = array<i32>} : memref<64x128xf32, #tpu.memory_space<vmem>>, vector<64x128xf32>,
    return
  }
}

</mosaic_0001>

<sc_bundles>
// kernel: kernel.5.cloned.1.call-start
scs
__scs_entry_jumppad:
0x0: {  	(pc) =	sbr.rel $0x88, $3  }
0x1: {  	(tag) =	ssettag $0x0;
	lr =	simm.s32 $0x1  }
0x2: {  	[smem:$0x3F9A] =	sst lr;
	_ =	strace $0xD0000000  }
0x3: {  	_ = 	snop  }
0x4: {  	_ = 	snop  }
0x5: {  	_ = 	snop  }
0x6: {  	_ = 	snop  }
0x7: {  	_ = 	snop  }
__scs_overlays_trampoline_lowered:
0x8: {  	[smem:$0x3FA9] =	sst s0  }
0x9: {  	[smem:$0x3FAA] =	sst s1  }
0xa: {  	[smem:$0x3FAB] =	sst s2  }
0xb: {  	[smem:$0x3FAC] =	sst s3  }
0xc: {  	[smem:$0x3FAD] =	sst s4  }
0xd: {  	[smem:$0x3FAE] =	sst s5  }
0xe: {  	[smem:$0x3FAF] =	sst s6  }
0xf: {  	[smem:$0x3FB0] =	sst s7  }
0x10: {  	[smem:$0x3FB1] =	sst s8  }
0x11: {  	[smem:$0x3FB2] =	sst s9;
	s0 =	simm.s32 @!p0 $0x0  }
0x12: {  	s1 =	sld [smem:$0x3F98];
	s0 =	simm.s32 @p0 $0x1  }
0x13: {  	[smem:$0x3FB3] =	sst s0;
	s0 =	simm.s32 @!p1 $0x0  }
0x14: {  	s2 =	sld [smem:$0x3F97];
	s0 =	simm.s32 @p1 $0x1  }
0x15: {  	[smem:$0x3FB4] =	sst s0;
	s0 =	simm.s32 @!p2 $0x0  }
0x16: {  	s3 =	sld [smem:$0x3FDB];
	s0 =	simm.s32 @p2 $0x1  }
0x17: {  	s4 =	simm.s32 $0x1BF5;
	[smem:$0x3FB6] =	sst s0  }
0x18: {  	s0 =	sld [smem:$0x3F99];
	_ =	swait.ge [sflag:s4], $0x0  }
0x19: {  	s7 =	sld [smem:$0x3F9A]  }
0x1a: {  	s8 =	sadd.s32 $0xFFFFE003, lr  }
0x1b: {  	s9 =	sadd.s32 $0xFFFFFEF7, lr;
	s5 =	simm.s32 $0xFFFFFFFF;
	p2 =	slt.u32 s8, $0xFFFFF086  }
0x1c: {  	p1 =	slt.u32 s9, $0xF7A;
	s5 =	simm.s32 @!p2 $0x0  }
0x1d: {  	s5 =	simm.s32 @p1 $0x1;
	p0 =	seq.s32 s7, s2  }
0x1e: {  	s7 =	smul.u32 @!p0 $0xF7A, s2;
	p2 =	seq.s32 @!p0 s5, $0x0  }
0x1f: {  	s9 =	smul.u32 $0xF7A, s1;
	s8 =	simm.s32 @!p0 $0x1BF5;
	p2 =	por !p2, p0  }
0x20: {  	[sflag:s8] =	ssyncset.s32 @!p0 $0xFFFFF086;
	s6 =	sadd.s32 @!p0 s3, s7;
	s7 =	simm.s32 @!p0 $0x108  }
0x21: {  	s3 =	sadd.s32 s3, s9;
	s6 =	sadd.s32 @!p0 $0x88, s6;
	s7 =	simm.s32 @p2 $0x1082  }
0x22: {  	[simem:s7], [sflag:s8] =	dma.local @!p0 [hbm:s6], $0xF7A  }
0x23: {  	s9 =	sor.u32 $0xD0000000, s2;
	s6 =	simm.s32 $0x108;
	_ =	swait.ge @!p0 [sflag:s8], $0x0  }
0x24: {  	s3 =	sadd.s32 $0x88, s3;
	s6 =	simm.s32 @!p1 $0x1082;
	[sflag:s4] =	ssyncset.s32 $0xFFFFF086  }
0x25: {  	[simem:s6], [sflag:s4] =	dma.local [hbm:s3], $0xF7A  }
0x26: {  	[smem:$0x3F9A] =	sst s1;
	(tag) =	ssettag s2;
	_ =	strace s9  }
0x27: {  	s1 =	sld [smem:$0x3FAA]  }
0x28: {  	s2 =	sld [smem:$0x3FAB]  }
0x29: {  	s4 =	sld [smem:$0x3FAD]  }
0x2a: {  	p0 =	seq.s32 s5, $0x0;
	s5 =	sld [smem:$0x3FAE]  }
0x2b: {  	s6 =	sld [smem:$0x3FAF]  }
0x2c: {  	s7 =	sld [smem:$0x3FB0]  }
0x2d: {  	s3 =	simm.s32 $0x108;
	s8 =	sld [smem:$0x3FB1]  }
0x2e: {  	s3 =	simm.s32 @!p0 $0x1082;
	s9 =	sld [smem:$0x3FB2]  }
0x2f: {  	lr =	sadd.s32 s0, s3;
	s0 =	sld [smem:$0x3FA9]  }
0x30: {  	s3 =	sld [smem:$0x3FAC]  }
0x31: {  	[smem:$0x3FB5] =	sst s10  }
0x32: {  	s10 =	sld [smem:$0x3FB3];
	_ =	sdelay $0x3  }
0x33: {  	p0 =	seq.s32 s10, $0x1;
	s10 =	sld [smem:$0x3FB5];
	_ =	sdelay $0x3  }
0x34: {  	[smem:$0x3FB5] =	sst s10  }
0x35: {  	s10 =	sld [smem:$0x3FB4];
	_ =	sdelay $0x3  }
0x36: {  	p1 =	seq.s32 s10, $0x1;
	s10 =	sld [smem:$0x3FB5];
	_ =	sdelay $0x3  }
0x37: {  	[smem:$0x3FB5] =	sst s10  }
0x38: {  	s10 =	sld [smem:$0x3FB6]  }
0x39: {  	_ = 	snop;
	(pc) =	sbr.ind lr, $3  }
0x3a: {  	_ = 	snop  }
0x3b: {  	_ = 	snop  }
0x3c: {  	p2 =	seq.s32 s10, $0x1;
	s10 =	sld [smem:$0x3FB5]  }
0x3d: {  	_ =	shalt  }
0x3e: {  	_ =	shalt  }
0x3f: {  	_ =	shalt  }
0x40: {  	_ =	shalt  }
0x41: {  	_ =	shalt  }
0x42: {  	_ =	shalt  }
0x43: {  	_ =	shalt  }
0x44: {  	_ =	shalt  }
0x45: {  	_ =	shalt  }
0x46: {  	_ =	shalt  }
0x47: {  	_ =	shalt  }
0x48: {  	_ =	shalt  }
0x49: {  	_ =	shalt  }
0x4a: {  	_ =	shalt  }
0x4b: {  	_ =	shalt  }
0x4c: {  	_ =	shalt  }
0x4d: {  	_ =	shalt  }
0x4e: {  	_ =	shalt  }
0x4f: {  	_ =	shalt  }
0x50: {  	_ =	shalt  }
0x51: {  	_ =	shalt  }
0x52: {  	_ =	shalt  }
0x53: {  	_ =	shalt  }
0x54: {  	_ =	shalt  }
0x55: {  	_ =	shalt  }
0x56: {  	_ =	shalt  }
0x57: {  	_ =	shalt  }
0x58: {  	_ =	shalt  }
0x59: {  	_ =	shalt  }
0x5a: {  	_ =	shalt  }
0x5b: {  	_ =	shalt  }
0x5c: {  	_ =	shalt  }
0x5d: {  	_ =	shalt  }
0x5e: {  	_ =	shalt  }
0x5f: {  	_ =	shalt  }
0x60: {  	_ =	shalt  }
0x61: {  	_ =	shalt  }
0x62: {  	_ =	shalt  }
0x63: {  	_ =	shalt  }
0x64: {  	_ =	shalt  }
0x65: {  	_ =	shalt  }
0x66: {  	_ =	shalt  }
0x67: {  	_ =	shalt  }
0x68: {  	_ =	shalt  }
0x69: {  	_ =	shalt  }
0x6a: {  	_ =	shalt  }
0x6b: {  	_ =	shalt  }
0x6c: {  	_ =	shalt  }
0x6d: {  	_ =	shalt  }
0x6e: {  	_ =	shalt  }
0x6f: {  	_ =	shalt  }
0x70: {  	_ =	shalt  }
0x71: {  	_ =	shalt  }
0x72: {  	_ =	shalt  }
0x73: {  	_ =	shalt  }
0x74: {  	_ =	shalt  }
0x75: {  	_ =	shalt  }
0x76: {  	_ =	shalt  }
0x77: {  	_ =	shalt  }
0x78: {  	_ =	shalt  }
0x79: {  	_ =	shalt  }
0x7a: {  	_ =	shalt  }
0x7b: {  	_ =	shalt  }
0x7c: {  	_ =	shalt  }
0x7d: {  	_ =	shalt  }
0x7e: {  	_ =	shalt  }
0x7f: {  	_ =	shalt  }
0x80: {  	_ =	shalt  }
0x81: {  	_ =	shalt  }
0x82: {  	_ =	shalt  }
0x83: {  	_ =	shalt  }
0x84: {  	_ =	shalt  }
0x85: {  	_ =	shalt  }
0x86: {  	_ =	shalt  }
0x87: {  	_ =	shalt  }
.Lfunc_end0:
.L_simem_size_0:
called_computation_lowered:
.L_overlay_start_0:
0x88: {  	s2 =	sld [smem:$0x3FD9]  }
0x89: {  	s3 =	sld [smem:$0x3FFE];
	_ =	sdelay $0x1  }
0x8a: {  	s1 =	srdreg.scid  }
0x8b: {  	s0 =	sand.u32 $0x1, s1  }
0x8c: {  	s17 =	sshll.u32 s0, $0xA;
	s2 =	sadd.s32 s3, s2  }
0x8d: {  	s2 =	sadd.s32 s2, s17  }
0x8e: {  	[smem:$0x3FC1] =	sst s2  }
0x8f: {  	_ = 	snop  }
0x90: {  	s2 =	sld [smem:$0x3FC9]  }
0x91: {  	s18 =	sld [smem:$0x3FC8];
	(tm) =	ssettm $0x1  }
0x92: {  	s4 =	sld [smem:$0x3FFB];
	_ =	sdelay $0x3  }
0x93: {  	_ =	strace s4  }
0x94: {  	s4 =	sld [smem:$0x3FFC];
	_ =	sdelay $0x3  }
0x95: {  	_ =	strace s4  }
0x96: {  	s4 =	sld [smem:$0x3FFD];
	_ =	sdelay $0x3  }
0x97: {  	_ =	strace s4  }
0x98: {  	_ =	strace $0x8FFFFFFF  }
0x99: {  	s19 =	sld [smem:$0x3FDB];
	_ =	sdelay $0x1  }
0x9a: {  	s5 =	simm.s32 $_scs_section_size  }
0x9b: {  	s6 =	simm.s32 $_size__tile_overlayer_lowered;
	s7 =	simm.s32 $_tile_overlayer_lowered  }
0x9c: {  	s22 =	simm.s32 $0x1BFF;
	s21 =	sshll.u32 s7, $0x1;
	s4 =	sadd.s32 s5, s19  }
0x9d: {  	s8 =	simm.s32 $0x0;
	s20 =	sshll.u32 s6, $0x1;
	s6 =	sadd.s32 s21, s4  }
0x9e: {  	[timem:s8], [sflag:s22] =	dma.local [hbm:s6], s20  }
0x9f: {  	_ =	swait.ge [sflag:s22], s20  }
0xa0: {  	s5 =	ssub.s32 $0x0, s20;
	[sflag:s22] =	ssyncset.done $0x0  }
0xa1: {  	[sflag:s22] =	ssyncadd.s32 s5;
	_ =	sdelay $0x1  }
0xa2: {  	s23 =	simm.s32 $0x1B8B  }
0xa3: {  	_ =	swait.ge [sflag:s23], $0x1  }
0xa4: {  	[sflag:s23] =	ssyncset.done $0x0  }
0xa5: {  	s25 =	simm.s32 $0x1B8E;
	s24 =	sld [smem:$0x3FFE];
	[sflag:s23] =	ssyncadd.s32 $0xFFFFFFFF  }
0xa6: {  	s26 =	simm.s32 $execute0_lowered;
	[smem:$0x3FD2] =	sst s25  }
0xa7: {  	s6 =	sshll.u32 s26, $0x1;
	_ =	strace $0x80000046;
	[dreg:$0x1] =	wrdreg $0xFFFFFFFF  }
0xa8: {  	s28 =	simm.s32 $_size_execute0_lowered;
	s4 =	sadd.s32 s4, s6;
	[dreg:$0x0] =	wrdreg $0x0  }
0xa9: {  	s6 =	sshll.u32 s28, $0x1;
	[dreg:$0x2] =	wrdreg s4  }
0xaa: {  	[dreg:$0x3] =	wrdreg s6  }
0xab: {  	[dreg:$0x4] =	wrdreg $0xC0  }
0xac: {  	_ =	task [dreg:s8], $0x5FFFF  }
0xad: {  	[dreg:$0x1] =	wrdreg $0xFFFFFFFF  }
0xae: {  	[dreg:$0x0] =	wrdreg $0x60  }
0xaf: {  	[dreg:$0x2] =	wrdreg s2  }
0xb0: {  	[dreg:$0x3] =	wrdreg s18  }
0xb1: {  	[dreg:$0x4] =	wrdreg s24  }
0xb2: {  	[dreg:$0x5] =	wrdreg $0xC4000  }
0xb3: {  	[dreg:$0x6] =	wrdreg $0x9  }
0xb4: {  	_ =	task.clear_ibuf [dreg:s8], $0x7FFFF;
	_ =	strace $0x90000046  }
0xb5: {  	s29 =	simm.s32 $0x9;
	_ =	strace $0x80000048  }
0xb6: {  	_ =	swait.ge [sflag:s29], $0x1  }
0xb7: {  	[sflag:s29] =	ssyncadd.s32 $0xFFFFFFFF  }
0xb8: {  	_ =	strace $0x90000048  }
0xb9: {  	_ =	sfence  }
0xba: {  	s30 =	sld [smem:$0x0];
	_ =	sdelay $0x2  }
0xbb: {  	s31 =	sshll.u32 s1, $0xD;
	s1 =	sshrl.u32 s1, $0x2  }
0xbc: {  	s3 =	sand.u32 $0x4000, s31;
	s1 =	sadd.s32 s1, s30  }
0xbd: {  	s0 =	sor.u32 s3, s0;
	s1 =	sshll.u32 s1, $0x11  }
0xbe: {  	s0 =	sor.u32 s1, s0  }
0xbf: {  	s0 =	sadd.s32 $0x8F2B, s0  }
0xc0: {  	[sflag:s0] =	ssyncadd.remote.s32 $0x1  }
0xc1: {  	_ =	sfence.sel $0xFFFF  }
0xc2: {  	[dreg:$0x0] =	wrdreg $0xFFFFFFFF;
	(pc) =	sbr.abs _section_cstart, $3  }
0xc3: {  	[dreg:$0x1] =	wrdreg $0xFFFFFFFF  }
0xc4: {  	_ =	task.clear_ibuf [dreg:s8], $0x2FFFF;
	_ =	strace $0x9FFFFFFF  }
0xc5: {  	(tm) =	ssettm $0x7FFFFFFF  }
tec
execute0_lowered:
.L_overlay_start_1:
0x0: {  	(tag) =	ssettag $0x1  }
0x1: {  	s1 =	rddreg [dreg:$0x0]  }
0x2: {  	s0 =	rddreg [dreg:$0x1]  }
0x3: {  	s3 =	rddreg [dreg:$0x2];
	s4 =	srdreg.scid  }
0x4: {  	s2 =	rddreg [dreg:$0x3];
	s14 =	stileid.u32;
	s5 =	sand.u32 $0x1, s4  }
0x5: {  	s4 =	simm.s32 $0x0;
	s7 =	sadd.s32 $0x1200, s3;
	s9 =	smul.u32 $0x4E000, s14  }
0x6: {  	s13 =	smul.u32 $0x4E, s14;
	s15 =	sshll.u32 s14, $0x6;
	s25 =	sadd.s32 $0x10, s0  }
0x7: {  	s26 =	sadd.s32 $0x138000, s2;
	s6 =	sshll.u32 s5, $0x4;
	[smem:$0x7FF] =	sst s4  }
0x8: {  	s12 =	smul.u32 $0x4E0, s5;
	s23 =	sor.u32 $0x1C0F, s15;
	s6 =	sor.u32 s14, s6  }
0x9: {  	_ =	strace $0x80000047;
	[dreg:$0x13] =	wrdreg s7;
	s9 =	sshrl.u32 s9, $0x2  }
0xa: {  	[dreg:$0x14] =	wrdreg s15;
	s11 =	smin.u32 s6, $0x4;
	s22 =	sadd.s32 s13, s12  }
0xb: {  	[dreg:$0x16] =	wrdreg s23;
	s9 =	sadd.s32 s9, s2;
	s24 =	sadd.s32 s11, s22  }
0xc: {  	s21 =	smul.u32 $0x4E, s6;
	[dreg:$0x15] =	wrdreg s9;
	s9 =	sshll.u32 s24, $0x5  }
0xd: {  	[dreg:$0x17] =	wrdreg s26;
	s29 =	sadd.s32 s25, s9;
	s9 =	sadd.s32 s9, s0  }
0xe: {  	s7 =	sadd.s32 s11, s21;
	s15 =	sadd.s32 $0x60, s29;
	[dreg:$0x12] =	wrdreg s9  }
0xf: {  	s7 =	sshll.u32 s7, $0x5;
	s11 =	sadd.s32 $0x40, s29;
	[dreg:$0x5] =	wrdreg s15  }
0x10: {  	s28 =	sadd.s32 s0, s7;
	s7 =	sadd.s32 s7, s25;
	[dreg:$0x6] =	wrdreg s11  }
0x11: {  	s17 =	sadd.s32 $0x1E0, s9;
	[dreg:$0x1c] =	wrdreg s7  }
0x12: {  	s18 =	sadd.s32 $0x1C0, s9;
	[dreg:$0x7] =	wrdreg s17  }
0x13: {  	s3 =	sadd.s32 $0x3A00, s3;
	s19 =	sadd.s32 $0x1A0, s9;
	[dreg:$0x8] =	wrdreg s18  }
0x14: {  	s20 =	smul.u32 $0x13800, s14;
	p1 =	sne.s32 s14, $0xF;
	[dreg:$0x9] =	wrdreg s19  }
0x15: {  	s8 =	ssub.s32 $0x2, s5;
	s21 =	sadd.s32 $0x160, s9;
	[dreg:$0x18] =	wrdreg s28  }
0x16: {  	s5 =	smul.u32 $0x138800, s5;
	s23 =	sadd.s32 $0x140, s9;
	[dreg:$0xa] =	wrdreg s21  }
0x17: {  	s10 =	sshrl.u32 s8, $0x1;
	s24 =	sadd.s32 $0x120, s9;
	[dreg:$0xb] =	wrdreg s23  }
0x18: {  	p0 =	slt.u32 s6, $0x4;
	s25 =	sadd.s32 $0x100, s9;
	[dreg:$0xc] =	wrdreg s24  }
0x19: {  	s6 =	simm.s32 $0x4F;
	s26 =	sadd.s32 $0xE0, s9;
	[dreg:$0xd] =	wrdreg s25  }
0x1a: {  	s8 =	ssub.s32 s8, s10;
	s29 =	sadd.s32 $0xA0, s9;
	[dreg:$0xe] =	wrdreg s26  }
0x1b: {  	s6 =	simm.s32 @!p0 $0x4E;
	s30 =	sadd.s32 $0x20, s28;
	[dreg:$0x10] =	wrdreg s29  }
0x1c: {  	s0 =	simm.s32 @!p1 $0x0;
	s31 =	sadd.s32 $0x40, s28;
	[dreg:$0x19] =	wrdreg s30  }
0x1d: {  	s16 =	sadd.s32 $0x60, s28;
	s22 =	sadd.s32 $0x30, s28;
	[dreg:$0x1a] =	wrdreg s31  }
0x1e: {  	s7 =	sadd.s32 s20, s5;
	s5 =	sshrl.u32 s5, $0x3;
	[dreg:$0x1b] =	wrdreg s16  }
0x1f: {  	s28 =	sadd.s32 $0xC0, s9;
	s21 =	simm.s32 $0x80;
	[dreg:$0x1d] =	wrdreg s22  }
0x20: {  	s17 =	simm.s32 $0xC;
	s0 =	simm.s32 @p1 $0x1;
	[dreg:$0xf] =	wrdreg s28  }
0x21: {  	s19 =	simm.s32 $0x3;
	s31 =	smax.u32 s8, $0x1;
	[smem:$0x7FD] =	sst s0  }
0x22: {  	s7 =	sshrl.u32 s7, $0x3;
	s30 =	sadd.s32 $0x80, s9;
	[smem:$0x7FC] =	sst s31  }
0x23: {  	s7 =	sadd.s32 s3, s7;
	s3 =	sadd.s32 s3, s5;
	[dreg:$0x11] =	wrdreg s30  }
0x24: {  	s11 =	simm.s32 $0x6;
	[dreg:$0x1e] =	wrdreg s7;
	s3 =	sadd.s32 $0x27000, s3  }
0x25: {  	s5 =	simm.s32 $0x0;
	s7 =	simm.s32 $0x5;
	[dreg:$0x1f] =	wrdreg s3  }
.LBB2_1:
0x26: {  	[smem:$0x7F9] =	sst s5  }
0x27: {  	s0 =	rddreg [dreg:$0x15]  }
0x28: {  	s3 =	rddreg [dreg:$0x16]  }
0x29: {  	s30 =	sshrl.u32 s0, $0x3;
	s0 =	rddreg [dreg:$0x13]  }
0x2a: {  	[smem:$0x7FA] =	sst s30  }
0x2b: {  	[spmem:s30], [sflag:s3] =	dma.local [hbm:s0], $0x2700  }
0x2c: {  	s5 =	rddreg [dreg:$0x17]  }
0x2d: {  	s5 =	sshrl.u32 @!p1 s5, $0x3  }
0x2e: {  	[smem:$0x7FB] =	sst s5  }
0x2f: {  	[spmem:s5], [sflag:s3] =	dma.local @!p1 [hbm:s0], $0x100  }
0x30: {  	s0 =	rddreg [dreg:$0x18]  }
0x31: {  	[tilespmem:s4], [sflag:$0x7] =	stream.linear.gather [hbm4b:s0+s4], $0x80, $0x38;
	[tilespmem:$0x1FC80] =	vst v63  }
0x32: {  	s31 =	rddreg [dreg:$0x19]  }
0x33: {  	[tilespmem:s21], [sflag:$0x8] =	stream.linear.gather [hbm4b:s31+s4], $0x80, $0x38;
	[tilespmem:$0x1FC80] =	vst v63  }
0x34: {  	s5 =	simm.s32 $0x100;
	s3 =	rddreg [dreg:$0x1a]  }
0x35: {  	[tilespmem:s5], [sflag:$0x9] =	stream.linear.gather [hbm4b:s3+s4], $0x80, $0x38;
	[tilespmem:$0x1FC80] =	vst v63  }
0x36: {  	s10 =	simm.s32 $0x180;
	s9 =	rddreg [dreg:$0x1b]  }
0x37: {  	[tilespmem:s10], [sflag:$0xA] =	stream.linear.gather [hbm4b:s9+s4], $0x80, $0x38;
	[tilespmem:$0x1FC80] =	vst v63  }
0x38: {  	s15 =	simm.s32 $0x200;
	s14 =	rddreg [dreg:$0x1c]  }
0x39: {  	[tilespmem:s15], [sflag:$0xB] =	stream.linear.gather [hbm4b:s14+s4], $0x80, $0x38;
	[tilespmem:$0x1FC80] =	vst v63  }
0x3a: {  	s20 =	simm.s32 $0x280;
	s8 =	simm.s32 $0x7;
	s16 =	rddreg [dreg:$0x1d]  }
0x3b: {  	[tilespmem:s20], [sflag:$0xC] =	stream.linear.gather [hbm4b:s16+s4], $0x80, $0x38;
	[tilespmem:$0x1FC80] =	vst v63  }
0x3c: {  	_ =	swait.ge [sflag:s8], $0x80  }
0x3d: {  	[sflag:s8] =	ssyncset.done $0x0  }
0x3e: {  	s12 =	simm.s32 $0x400;
	s13 =	simm.s32 $0x8;
	[sflag:s8] =	ssyncadd.s32 $0xFFFFFF80  }
0x3f: {  	[tilespmem:s12], [sflag:$0x1] =	stream.indirect.gather [hbm4b:s1+s21], $0x80, s4, s21, $0xb8;
	[tilespmem:$0x1FC80] =	vst v63  }
0x40: {  	_ =	swait.ge [sflag:s13], $0x80  }
0x41: {  	[sflag:s13] =	ssyncset.done $0x0  }
0x42: {  	s18 =	simm.s32 $0xF;
	s16 =	simm.s32 $0x4400;
	[sflag:s13] =	ssyncadd.s32 $0xFFFFFF80  }
0x43: {  	[tilespmem:s16], [sflag:$0x2] =	stream.indirect.gather [hbm4b:s1+s21], $0x80, s21, s21, $0xb8;
	[tilespmem:$0x1FC80] =	vst v63  }
0x44: {  	_ =	swait.ge [sflag:s18], $0x2700  }
0x45: {  	[sflag:s18] =	ssyncset.done $0x0  }
0x46: {  	s0 =	simm.s32 @!p1 $0xF;
	[sflag:s18] =	ssyncadd.s32 $0xFFFFD900  }
0x47: {  	_ =	swait.ge @!p1 [sflag:s0], $0x100  }
0x48: {  	p0 =	por $0x1, $0x1;
	[sflag:s0] =	ssyncset.done @!p1 $0x0  }
0x49: {  	p0 =	por p0, p0;
	[sflag:s0] =	ssyncadd.s32 @!p1 $0xFFFFFF00  }
0x4a: {  	s0 =	simm.s32 @!p0 $0x6;
	[bflag:$0x0] =	sbarrier.arrive $0xFFFF  }
0x4b: {  	_ =	swait.ge @!p0 [sflag:s0], $0x4000  }
0x4c: {  	[sflag:s0] =	ssyncset.done @!p0 $0x0  }
0x4d: {  	s22 =	simm.s32 $0x9;
	[sflag:s0] =	ssyncadd.s32 @!p0 $0xFFFFC000  }
0x4e: {  	_ =	swait.ge [sflag:s22], $0x80  }
0x4f: {  	[sflag:s22] =	ssyncset.done $0x0  }
0x50: {  	s14 =	simm.s32 $0x1;
	[sflag:s22] =	ssyncadd.s32 $0xFFFFFF80;
	s22 =	simm.s32 $0x8400  }
0x51: {  	[tilespmem:s22], [sflag:$0x3] =	stream.indirect.gather [hbm4b:s1+s21], $0x80, s5, s21, $0xb8;
	[tilespmem:$0x1FC80] =	vst v63  }
0x52: {  	_ =	swait.ge [sflag:s14], $0x4000  }
0x53: {  	[sflag:s14] =	ssyncset.done $0x0  }
0x54: {  	s18 =	simm.s32 $0xB;
	[sflag:s14] =	ssyncadd.s32 $0xFFFFC000  }
0x55: {  	_ =	swait.ge [sflag:s18], $0x80  }
0x56: {  	[sflag:s18] =	ssyncset.done $0x0  }
0x57: {  	s23 =	rddreg [dreg:$0x11];
	[sflag:s18] =	ssyncadd.s32 $0xFFFFFF80  }
0x58: {  	[spmem:s2] =	stream.indirect.scatter.add.f32 [tilespmem:s12], [sflag:$0x4], $0x80, s15, s21, $0xb8;
	[tilespmem:$0x1FC80] =	vst v63  }
0x59: {  	s24 =	rddreg [dreg:$0x6];
	s0 =	sadd.s32 $0x0, s23  }
0x5a: {  	[tilespmem:s4], [sflag:$0x7] =	stream.linear.gather [hbm4b:s0+s4], $0x80, $0x38;
	[tilespmem:$0x1FC80] =	vst v63  }
0x5b: {  	s9 =	simm.s32 $0x300;
	s3 =	sadd.s32 $0x0, s24;
	s23 =	simm.s32 $0x4  }
0x5c: {  	[tilespmem:s9], [sflag:$0xD] =	stream.linear.gather [hbm4b:s3+s4], $0x80, $0x38;
	[tilespmem:$0x1FC80] =	vst v63  }
0x5d: {  	_ =	swait.ge [sflag:s23], $0x4000  }
0x5e: {  	[sflag:s23] =	ssyncset.done $0x0  }
0x5f: {  	s25 =	simm.s32 $0xA;
	[sflag:s23] =	ssyncadd.s32 $0xFFFFC000  }
0x60: {  	_ =	swait.ge [sflag:s25], $0x80  }
0x61: {  	[sflag:s25] =	ssyncset.done $0x0  }
0x62: {  	s24 =	simm.s32 $0x2;
	[sflag:s25] =	ssyncadd.s32 $0xFFFFFF80  }
0x63: {  	[tilespmem:s12], [sflag:$0x1] =	stream.indirect.gather [hbm4b:s1+s21], $0x80, s10, s21, $0xb8;
	[tilespmem:$0x1FC80] =	vst v63  }
0x64: {  	_ =	swait.ge [sflag:s24], $0x4000  }
0x65: {  	[sflag:s24] =	ssyncset.done $0x0  }
0x66: {  	[sflag:s24] =	ssyncadd.s32 $0xFFFFC000  }
0x67: {  	_ =	swait.ge [sflag:s17], $0x80  }
0x68: {  	[sflag:s17] =	ssyncset.done $0x0  }
0x69: {  	s26 =	rddreg [dreg:$0x10];
	[sflag:s17] =	ssyncadd.s32 $0xFFFFFF80  }
0x6a: {  	[spmem:s2] =	stream.indirect.scatter.add.f32 [tilespmem:s16], [sflag:$0x5], $0x80, s20, s21, $0xb8;
	[tilespmem:$0x1FC80] =	vst v63  }
0x6b: {  	s29 =	rddreg [dreg:$0x5];
	s3 =	sadd.s32 $0x0, s26  }
0x6c: {  	[tilespmem:s21], [sflag:$0x8] =	stream.linear.gather [hbm4b:s3+s4], $0x80, $0x38;
	[tilespmem:$0x1FC80] =	vst v63  }
0x6d: {  	s25 =	simm.s32 $0x380;
	s5 =	sadd.s32 $0x0, s29  }
0x6e: {  	[tilespmem:s25], [sflag:$0xE] =	stream.linear.gather [hbm4b:s5+s4], $0x80, $0x38;
	[tilespmem:$0x1FC80] =	vst v63  }
0x6f: {  	_ =	swait.ge [sflag:s7], $0x4000  }
0x70: {  	[sflag:s7] =	ssyncset.done $0x0  }
0x71: {  	[sflag:s7] =	ssyncadd.s32 $0xFFFFC000  }
0x72: {  	_ =	swait.ge [sflag:s8], $0x80  }
0x73: {  	[sflag:s8] =	ssyncset.done $0x0  }
0x74: {  	[sflag:s8] =	ssyncadd.s32 $0xFFFFFF80  }
0x75: {  	[tilespmem:s16], [sflag:$0x2] =	stream.indirect.gather [hbm4b:s1+s21], $0x80, s4, s21, $0xb8;
	[tilespmem:$0x1FC80] =	vst v63  }
0x76: {  	_ =	swait.ge [sflag:s19], $0x4000  }
0x77: {  	[sflag:s19] =	ssyncset.done $0x0  }
0x78: {  	s30 =	simm.s32 $0xD;
	[sflag:s19] =	ssyncadd.s32 $0xFFFFC000  }
0x79: {  	_ =	swait.ge [sflag:s30], $0x80  }
0x7a: {  	[sflag:s30] =	ssyncset.done $0x0  }
0x7b: {  	p4 =	sle.u32 s6, $0x6;
	s5 =	rddreg [dreg:$0xf];
	[sflag:s30] =	ssyncadd.s32 $0xFFFFFF80  }
0x7c: {  	[spmem:s2] =	stream.indirect.scatter.add.f32 [tilespmem:s22], [sflag:$0x6], $0x80, s9, s21, $0xb8;
	[tilespmem:$0x1FC80] =	vst v63  }
0x7d: {  	s10 =	simm.s32 @!p4 $0x100;
	s5 =	sadd.s32 @!p4 $0x0, s5;
	s9 =	simm.s32 @!p4 $0x0  }
0x7e: {  	[tilespmem:s10], [sflag:$0x9] =	stream.linear.gather @!p4 [hbm4b:s5+s9], $0x80, $0x38;
	[tilespmem:$0x1FC80] =	vst v63  }
0x7f: {  	s0 =	sadd.s32 $0x10, s0  }
0x80: {  	[tilespmem:s15], [sflag:$0xB] =	stream.linear.gather [hbm4b:s0+s4], $0x80, $0x38;
	[tilespmem:$0x1FC80] =	vst v63  }
0x81: {  	_ =	swait.ge [sflag:s11], $0x4000  }
0x82: {  	[sflag:s11] =	ssyncset.done $0x0  }
0x83: {  	[sflag:s11] =	ssyncadd.s32 $0xFFFFC000  }
0x84: {  	_ =	swait.ge [sflag:s13], $0x80  }
0x85: {  	[sflag:s13] =	ssyncset.done $0x0  }
0x86: {  	[sflag:s13] =	ssyncadd.s32 $0xFFFFFF80  }
0x87: {  	[tilespmem:s22], [sflag:$0x3] =	stream.indirect.gather [hbm4b:s1+s21], $0x80, s21, s21, $0xb8;
	[tilespmem:$0x1FC80] =	vst v63  }
0x88: {  	_ =	swait.ge [sflag:s14], $0x4000  }
0x89: {  	[sflag:s14] =	ssyncset.done $0x0  }
0x8a: {  	s31 =	simm.s32 $0xE;
	[sflag:s14] =	ssyncadd.s32 $0xFFFFC000  }
0x8b: {  	_ =	swait.ge [sflag:s31], $0x80  }
0x8c: {  	[sflag:s31] =	ssyncset.done $0x0  }
0x8d: {  	p3 =	sle.u32 s6, $0x7;
	s0 =	rddreg [dreg:$0xe];
	[sflag:s31] =	ssyncadd.s32 $0xFFFFFF80  }
0x8e: {  	[spmem:s2] =	stream.indirect.scatter.add.f32 [tilespmem:s12], [sflag:$0x4], $0x80, s25, s21, $0xb8;
	[tilespmem:$0x1FC80] =	vst v63  }
0x8f: {  	s13 =	simm.s32 @!p3 $0x0;
	s14 =	simm.s32 @!p3 $0x180;
	s0 =	sadd.s32 @!p3 $0x0, s0  }
0x90: {  	[tilespmem:s14], [sflag:$0xA] =	stream.linear.gather @!p3 [hbm4b:s0+s13], $0x80, $0x38;
	[tilespmem:$0x1FC80] =	vst v63  }
0x91: {  	s3 =	sadd.s32 $0x10, s3  }
0x92: {  	[tilespmem:s20], [sflag:$0xC] =	stream.linear.gather [hbm4b:s3+s4], $0x80, $0x38;
	[tilespmem:$0x1FC80] =	vst v63  }
0x93: {  	_ =	swait.ge [sflag:s23], $0x4000  }
0x94: {  	[sflag:s23] =	ssyncset.done $0x0  }
0x95: {  	s3 =	simm.s32 @!p4 $0x9;
	[sflag:s23] =	ssyncadd.s32 $0xFFFFC000  }
0x96: {  	_ =	swait.ge @!p4 [sflag:s3], $0x80  }
0x97: {  	[sflag:s3] =	ssyncset.done @!p4 $0x0  }
0x98: {  	s8 =	simm.s32 @!p4 $0x80;
	s12 =	simm.s32 @!p4 $0x400;
	[sflag:s3] =	ssyncadd.s32 @!p4 $0xFFFFFF80  }
0x99: {  	[tilespmem:s12], [sflag:$0x1] =	stream.indirect.gather @!p4 [hbm4b:s1+s8], $0x80, s10, s8, $0xb8;
	[tilespmem:$0x1FC80] =	vst v63  }
0x9a: {  	_ =	swait.ge [sflag:s24], $0x4000  }
0x9b: {  	[sflag:s24] =	ssyncset.done $0x0  }
0x9c: {  	[sflag:s24] =	ssyncadd.s32 $0xFFFFC000  }
0x9d: {  	_ =	swait.ge [sflag:s18], $0x80  }
0x9e: {  	[sflag:s18] =	ssyncset.done $0x0  }
0x9f: {  	p2 =	sle.u32 s6, $0x8;
	s3 =	rddreg [dreg:$0xd];
	[sflag:s18] =	ssyncadd.s32 $0xFFFFFF80  }
0xa0: {  	[spmem:s2] =	stream.indirect.scatter.add.f32 [tilespmem:s16], [sflag:$0x5], $0x80, s15, s21, $0xb8;
	[tilespmem:$0x1FC80] =	vst v63  }
0xa1: {  	s15 =	simm.s32 @!p2 $0x0;
	s16 =	sadd.s32 @!p2 $0x0, s3  }
0xa2: {  	[tilespmem:s15], [sflag:$0x7] =	stream.linear.gather @!p2 [hbm4b:s16+s15], $0x80, $0x38;
	[tilespmem:$0x1FC80] =	vst v63  }
0xa3: {  	s18 =	simm.s32 @!p4 $0x300;
	s3 =	sadd.s32 @!p4 $0x10, s5  }
0xa4: {  	[tilespmem:s18], [sflag:$0xD] =	stream.linear.gather @!p4 [hbm4b:s3+s9], $0x80, $0x38;
	[tilespmem:$0x1FC80] =	vst v63  }
0xa5: {  	_ =	swait.ge [sflag:s7], $0x4000  }
0xa6: {  	[sflag:s7] =	ssyncset.done $0x0  }
0xa7: {  	s3 =	simm.s32 @!p3 $0xA;
	[sflag:s7] =	ssyncadd.s32 $0xFFFFC000  }
0xa8: {  	_ =	swait.ge @!p3 [sflag:s3], $0x80  }
0xa9: {  	[sflag:s3] =	ssyncset.done @!p3 $0x0  }
0xaa: {  	s10 =	simm.s32 @!p3 $0x4400;
	s9 =	simm.s32 @!p3 $0x80;
	[sflag:s3] =	ssyncadd.s32 @!p3 $0xFFFFFF80  }
0xab: {  	[tilespmem:s10], [sflag:$0x2] =	stream.indirect.gather @!p3 [hbm4b:s1+s9], $0x80, s14, s9, $0xb8;
	[tilespmem:$0x1FC80] =	vst v63  }
0xac: {  	_ =	swait.ge [sflag:s19], $0x4000  }
0xad: {  	[sflag:s19] =	ssyncset.done $0x0  }
0xae: {  	[sflag:s19] =	ssyncadd.s32 $0xFFFFC000  }
0xaf: {  	_ =	swait.ge [sflag:s17], $0x80  }
0xb0: {  	[sflag:s17] =	ssyncset.done $0x0  }
0xb1: {  	p1 =	sle.u32 s6, $0x9;
	s3 =	rddreg [dreg:$0xc];
	[sflag:s17] =	ssyncadd.s32 $0xFFFFFF80  }
0xb2: {  	[spmem:s2] =	stream.indirect.scatter.add.f32 [tilespmem:s22], [sflag:$0x6], $0x80, s20, s21, $0xb8;
	[tilespmem:$0x1FC80] =	vst v63  }
0xb3: {  	s5 =	simm.s32 @!p1 $0x80;
	s14 =	simm.s32 @!p1 $0x0;
	s20 =	sadd.s32 @!p1 $0x0, s3  }
0xb4: {  	[tilespmem:s5], [sflag:$0x8] =	stream.linear.gather @!p1 [hbm4b:s20+s14], $0x80, $0x38;
	[tilespmem:$0x1FC80] =	vst v63  }
0xb5: {  	s0 =	sadd.s32 @!p3 $0x10, s0;
	s22 =	simm.s32 @!p3 $0x380  }
0xb6: {  	[tilespmem:s22], [sflag:$0xE] =	stream.linear.gather @!p3 [hbm4b:s0+s13], $0x80, $0x38;
	[tilespmem:$0x1FC80] =	vst v63  }
0xb7: {  	_ =	swait.ge [sflag:s11], $0x4000  }
0xb8: {  	[sflag:s11] =	ssyncset.done $0x0  }
0xb9: {  	s13 =	simm.s32 @!p2 $0x7;
	[sflag:s11] =	ssyncadd.s32 $0xFFFFC000  }
0xba: {  	_ =	swait.ge @!p2 [sflag:s13], $0x80  }
0xbb: {  	s23 =	simm.s32 @!p4 $0x1;
	[sflag:s13] =	ssyncset.done @!p2 $0x0  }
0xbc: {  	s3 =	simm.s32 @!p2 $0x80;
	s0 =	simm.s32 @!p2 $0x8400;
	[sflag:s13] =	ssyncadd.s32 @!p2 $0xFFFFFF80  }
0xbd: {  	[tilespmem:s0], [sflag:$0x3] =	stream.indirect.gather @!p2 [hbm4b:s1+s3], $0x80, s15, s3, $0xb8;
	[tilespmem:$0x1FC80] =	vst v63  }
0xbe: {  	_ =	swait.ge @!p4 [sflag:s23], $0x4000  }
0xbf: {  	[sflag:s23] =	ssyncset.done @!p4 $0x0  }
0xc0: {  	s13 =	simm.s32 @!p4 $0xD;
	[sflag:s23] =	ssyncadd.s32 @!p4 $0xFFFFC000  }
0xc1: {  	_ =	swait.ge @!p4 [sflag:s13], $0x80  }
0xc2: {  	[sflag:s13] =	ssyncset.done @!p4 $0x0  }
0xc3: {  	p0 =	sle.u32 s6, $0xA;
	s23 =	rddreg [dreg:$0xb];
	[sflag:s13] =	ssyncadd.s32 @!p4 $0xFFFFFF80  }
0xc4: {  	[spmem:s2] =	stream.indirect.scatter.add.f32 @!p4 [tilespmem:s12], [sflag:$0x4], $0x80, s18, s8, $0xb8;
	[tilespmem:$0x1FC80] =	vst v63  }
0xc5: {  	s12 =	simm.s32 @!p0 $0x0;
	s18 =	sadd.s32 @!p0 $0x0, s23;
	s23 =	simm.s32 @!p0 $0x100  }
0xc6: {  	[tilespmem:s23], [sflag:$0x9] =	stream.linear.gather @!p0 [hbm4b:s18+s12], $0x80, $0x38;
	[tilespmem:$0x1FC80] =	vst v63  }
0xc7: {  	s13 =	simm.s32 @!p4 $0x4;
	s8 =	sadd.s32 @!p2 $0x10, s16;
	s16 =	simm.s32 @!p2 $0x200  }
0xc8: {  	[tilespmem:s16], [sflag:$0xB] =	stream.linear.gather @!p2 [hbm4b:s8+s15], $0x80, $0x38;
	[tilespmem:$0x1FC80] =	vst v63  }
0xc9: {  	_ =	swait.ge @!p4 [sflag:s13], $0x4000  }
0xca: {  	[sflag:s13] =	ssyncset.done @!p4 $0x0  }
0xcb: {  	s15 =	simm.s32 @!p1 $0x8;
	[sflag:s13] =	ssyncadd.s32 @!p4 $0xFFFFC000  }
0xcc: {  	_ =	swait.ge @!p1 [sflag:s15], $0x80  }
0xcd: {  	[sflag:s15] =	ssyncset.done @!p1 $0x0  }
0xce: {  	s8 =	simm.s32 @!p1 $0x400;
	s13 =	simm.s32 @!p3 $0x2;
	[sflag:s15] =	ssyncadd.s32 @!p1 $0xFFFFFF80  }
0xcf: {  	[tilespmem:s8], [sflag:$0x1] =	stream.indirect.gather @!p1 [hbm4b:s1+s5], $0x80, s5, s5, $0xb8;
	[tilespmem:$0x1FC80] =	vst v63  }
0xd0: {  	_ =	swait.ge @!p3 [sflag:s13], $0x4000  }
0xd1: {  	[sflag:s13] =	ssyncset.done @!p3 $0x0  }
0xd2: {  	s15 =	simm.s32 @!p3 $0xE;
	[sflag:s13] =	ssyncadd.s32 @!p3 $0xFFFFC000  }
0xd3: {  	_ =	swait.ge @!p3 [sflag:s15], $0x80  }
0xd4: {  	[sflag:s15] =	ssyncset.done @!p3 $0x0  }
0xd5: {  	p4 =	sle.u32 s6, $0xB;
	s24 =	rddreg [dreg:$0xa];
	[sflag:s15] =	ssyncadd.s32 @!p3 $0xFFFFFF80  }
0xd6: {  	[spmem:s2] =	stream.indirect.scatter.add.f32 @!p3 [tilespmem:s10], [sflag:$0x5], $0x80, s22, s9, $0xb8;
	[tilespmem:$0x1FC80] =	vst v63  }
0xd7: {  	s13 =	simm.s32 @!p4 $0x0;
	s22 =	sadd.s32 @!p4 $0x0, s24;
	s24 =	simm.s32 @!p4 $0x180  }
0xd8: {  	[tilespmem:s24], [sflag:$0xA] =	stream.linear.gather @!p4 [hbm4b:s22+s13], $0x80, $0x38;
	[tilespmem:$0x1FC80] =	vst v63  }
0xd9: {  	s25 =	simm.s32 @!p1 $0x280;
	s9 =	sadd.s32 @!p1 $0x10, s20  }
0xda: {  	[tilespmem:s25], [sflag:$0xC] =	stream.linear.gather @!p1 [hbm4b:s9+s14], $0x80, $0x38;
	[tilespmem:$0x1FC80] =	vst v63  }
0xdb: {  	s9 =	simm.s32 @!p3 $0x5  }
0xdc: {  	_ =	swait.ge @!p3 [sflag:s9], $0x4000  }
0xdd: {  	[sflag:s9] =	ssyncset.done @!p3 $0x0  }
0xde: {  	s10 =	simm.s32 @!p0 $0x9;
	[sflag:s9] =	ssyncadd.s32 @!p3 $0xFFFFC000  }
0xdf: {  	_ =	swait.ge @!p0 [sflag:s10], $0x80  }
0xe0: {  	s14 =	simm.s32 @!p2 $0x3;
	[sflag:s10] =	ssyncset.done @!p0 $0x0  }
0xe1: {  	s9 =	simm.s32 @!p0 $0x80;
	[sflag:s10] =	ssyncadd.s32 @!p0 $0xFFFFFF80;
	s10 =	simm.s32 @!p0 $0x4400  }
0xe2: {  	[tilespmem:s10], [sflag:$0x2] =	stream.indirect.gather @!p0 [hbm4b:s1+s9], $0x80, s23, s9, $0xb8;
	[tilespmem:$0x1FC80] =	vst v63  }
0xe3: {  	_ =	swait.ge @!p2 [sflag:s14], $0x4000  }
0xe4: {  	[sflag:s14] =	ssyncset.done @!p2 $0x0  }
0xe5: {  	[sflag:s14] =	ssyncadd.s32 @!p2 $0xFFFFC000;
	s14 =	simm.s32 @!p2 $0xB  }
0xe6: {  	_ =	swait.ge @!p2 [sflag:s14], $0x80  }
0xe7: {  	[sflag:s14] =	ssyncset.done @!p2 $0x0  }
0xe8: {  	p3 =	sle.u32 s6, $0xC;
	[sflag:s14] =	ssyncadd.s32 @!p2 $0xFFFFFF80;
	s14 =	rddreg [dreg:$0x12]  }
0xe9: {  	s14 =	sadd.s32 @!p3 $0x0, s14  }
0xea: {  	[spmem:s2] =	stream.indirect.scatter.add.f32 @!p2 [tilespmem:s0], [sflag:$0x6], $0x80, s16, s3, $0xb8;
	[tilespmem:$0x1FC80] =	vst v63  }
0xeb: {  	s15 =	simm.s32 @!p3 $0x0;
	s0 =	sadd.s32 @!p3 $0x180, s14  }
0xec: {  	[tilespmem:s15], [sflag:$0x7] =	stream.linear.gather @!p3 [hbm4b:s0+s15], $0x80, $0x38;
	[tilespmem:$0x1FC80] =	vst v63  }
0xed: {  	s16 =	simm.s32 @!p0 $0x300;
	s3 =	simm.s32 @!p2 $0x6;
	s0 =	sadd.s32 @!p0 $0x10, s18  }
0xee: {  	[tilespmem:s16], [sflag:$0xD] =	stream.linear.gather @!p0 [hbm4b:s0+s12], $0x80, $0x38;
	[tilespmem:$0x1FC80] =	vst v63  }
0xef: {  	_ =	swait.ge @!p2 [sflag:s3], $0x4000  }
0xf0: {  	[sflag:s3] =	ssyncset.done @!p2 $0x0  }
0xf1: {  	s12 =	simm.s32 @!p4 $0xA;
	[sflag:s3] =	ssyncadd.s32 @!p2 $0xFFFFC000  }
0xf2: {  	_ =	swait.ge @!p4 [sflag:s12], $0x80  }
0xf3: {  	s0 =	simm.s32 @!p4 $0x80;
	[sflag:s12] =	ssyncset.done @!p4 $0x0  }
0xf4: {  	s3 =	simm.s32 @!p4 $0x8400;
	[sflag:s12] =	ssyncadd.s32 @!p4 $0xFFFFFF80;
	s12 =	simm.s32 @!p1 $0x1  }
0xf5: {  	[tilespmem:s3], [sflag:$0x3] =	stream.indirect.gather @!p4 [hbm4b:s1+s0], $0x80, s24, s0, $0xb8;
	[tilespmem:$0x1FC80] =	vst v63  }
0xf6: {  	_ =	swait.ge @!p1 [sflag:s12], $0x4000  }
0xf7: {  	[sflag:s12] =	ssyncset.done @!p1 $0x0  }
0xf8: {  	s18 =	simm.s32 @!p1 $0xC;
	[sflag:s12] =	ssyncadd.s32 @!p1 $0xFFFFC000  }
0xf9: {  	_ =	swait.ge @!p1 [sflag:s18], $0x80  }
0xfa: {  	[sflag:s18] =	ssyncset.done @!p1 $0x0  }
0xfb: {  	p5 =	sle.u32 s6, $0xD;
	s12 =	rddreg [dreg:$0x9];
	[sflag:s18] =	ssyncadd.s32 @!p1 $0xFFFFFF80  }
0xfc: {  	[spmem:s2] =	stream.indirect.scatter.add.f32 @!p1 [tilespmem:s8], [sflag:$0x4], $0x80, s25, s5, $0xb8;
	[tilespmem:$0x1FC80] =	vst v63  }
0xfd: {  	s18 =	simm.s32 @!p5 $0x0;
	s5 =	sadd.s32 @!p5 $0x0, s12;
	s8 =	simm.s32 @!p5 $0x80  }
0xfe: {  	[tilespmem:s8], [sflag:$0x8] =	stream.linear.gather @!p5 [hbm4b:s5+s18], $0x80, $0x38;
	[tilespmem:$0x1FC80] =	vst v63  }
0xff: {  	s20 =	simm.s32 @!p4 $0x380;
	s12 =	sadd.s32 @!p4 $0x10, s22  }
0x100: {  	[tilespmem:s20], [sflag:$0xE] =	stream.linear.gather @!p4 [hbm4b:s12+s13], $0x80, $0x38;
	[tilespmem:$0x1FC80] =	vst v63  }
0x101: {  	s12 =	simm.s32 @!p1 $0x4  }
0x102: {  	_ =	swait.ge @!p1 [sflag:s12], $0x4000  }
0x103: {  	[sflag:s12] =	ssyncset.done @!p1 $0x0  }
0x104: {  	s13 =	simm.s32 @!p3 $0x7;
	[sflag:s12] =	ssyncadd.s32 @!p1 $0xFFFFC000  }
0x105: {  	_ =	swait.ge @!p3 [sflag:s13], $0x80  }
0x106: {  	[sflag:s13] =	ssyncset.done @!p3 $0x0  }
0x107: {  	s12 =	simm.s32 @!p3 $0x80;
	[sflag:s13] =	ssyncadd.s32 @!p3 $0xFFFFFF80;
	s13 =	simm.s32 @!p3 $0x400  }
0x108: {  	[tilespmem:s13], [sflag:$0x1] =	stream.indirect.gather @!p3 [hbm4b:s1+s12], $0x80, s15, s12, $0xb8;
	[tilespmem:$0x1FC80] =	vst v63  }
0x109: {  	s12 =	simm.s32 @!p0 $0x2  }
0x10a: {  	_ =	swait.ge @!p0 [sflag:s12], $0x4000  }
0x10b: {  	[sflag:s12] =	ssyncset.done @!p0 $0x0  }
0x10c: {  	[sflag:s12] =	ssyncadd.s32 @!p0 $0xFFFFC000;
	s12 =	simm.s32 @!p0 $0xD  }
0x10d: {  	_ =	swait.ge @!p0 [sflag:s12], $0x80  }
0x10e: {  	[sflag:s12] =	ssyncset.done @!p0 $0x0  }
0x10f: {  	p1 =	sle.u32 s6, $0xE;
	[sflag:s12] =	ssyncadd.s32 @!p0 $0xFFFFFF80;
	s12 =	rddreg [dreg:$0x8]  }
0x110: {  	[spmem:s2] =	stream.indirect.scatter.add.f32 @!p0 [tilespmem:s10], [sflag:$0x5], $0x80, s16, s9, $0xb8;
	[tilespmem:$0x1FC80] =	vst v63  }
0x111: {  	s9 =	simm.s32 @!p1 $0x0;
	s10 =	simm.s32 @!p1 $0x100;
	s12 =	sadd.s32 @!p1 $0x0, s12  }
0x112: {  	[tilespmem:s10], [sflag:$0x9] =	stream.linear.gather @!p1 [hbm4b:s12+s9], $0x80, $0x38;
	[tilespmem:$0x1FC80] =	vst v63  }
0x113: {  	s9 =	sadd.s32 @!p3 $0x190, s14;
	s10 =	simm.s32 @!p3 $0x200;
	s12 =	simm.s32 @!p0 $0x5  }
0x114: {  	[tilespmem:s10], [sflag:$0xB] =	stream.linear.gather @!p3 [hbm4b:s9+s15], $0x80, $0x38;
	[tilespmem:$0x1FC80] =	vst v63  }
0x115: {  	_ =	swait.ge @!p0 [sflag:s12], $0x4000  }
0x116: {  	[sflag:s12] =	ssyncset.done @!p0 $0x0  }
0x117: {  	s9 =	simm.s32 @!p5 $0x8;
	[sflag:s12] =	ssyncadd.s32 @!p0 $0xFFFFC000  }
0x118: {  	_ =	swait.ge @!p5 [sflag:s9], $0x80  }
0x119: {  	[sflag:s9] =	ssyncset.done @!p5 $0x0  }
0x11a: {  	s10 =	simm.s32 @!p5 $0x4400;
	s12 =	simm.s32 @!p4 $0x3;
	[sflag:s9] =	ssyncadd.s32 @!p5 $0xFFFFFF80  }
0x11b: {  	[tilespmem:s10], [sflag:$0x2] =	stream.indirect.gather @!p5 [hbm4b:s1+s8], $0x80, s8, s8, $0xb8;
	[tilespmem:$0x1FC80] =	vst v63  }
0x11c: {  	_ =	swait.ge @!p4 [sflag:s12], $0x4000  }
0x11d: {  	p6 =	por $0x0, $0x0;
	s28 =	simm.s32 @!p5 $0x280;
	[sflag:s12] =	ssyncset.done @!p4 $0x0  }
0x11e: {  	s23 =	simm.s32 $0x0;
	s8 =	simm.s32 @!p4 $0xE;
	[sflag:s12] =	ssyncadd.s32 @!p4 $0xFFFFC000  }
0x11f: {  	s22 =	simm.s32 $0x300;
	p1 =	por p6, p6;
	_ =	swait.ge @!p4 [sflag:s8], $0x80  }
0x120: {  	p3 =	sle.u32 s6, $0xF;
	s9 =	simm.s32 $0x180;
	[sflag:s8] =	ssyncset.done @!p4 $0x0  }
0x121: {  	s12 =	sadd.s32 @!p5 $0x10, s5;
	s5 =	simm.s32 $0x1B;
	[sflag:s8] =	ssyncadd.s32 @!p4 $0xFFFFFF80  }
0x122: {  	[spmem:s2] =	stream.indirect.scatter.add.f32 @!p4 [tilespmem:s3], [sflag:$0x6], $0x80, s20, s0, $0xb8;
	[tilespmem:$0x1FC80] =	vst v63  }
0x123: {  	s8 =	rddreg [dreg:$0x7];
	s0 =	simm.s32 @!p3 $0x0;
	s3 =	simm.s32 @!p3 $0x180  }
.LBB2_2:
0x124: {  	s8 =	sadd.s32 @!p3 s23, s8  }
0x125: {  	[tilespmem:s3], [sflag:$0xA] =	stream.linear.gather @!p3 [hbm4b:s8+s0], $0x80, $0x38;
	[tilespmem:$0x1FC80] =	vst v63  }
0x126: {  	s0 =	simm.s32 @!p1 $0x6  }
0x127: {  	[tilespmem:s28], [sflag:$0xC] =	stream.linear.gather @!p5 [hbm4b:s12+s18], $0x80, $0x38;
	[tilespmem:$0x1FC80] =	vst v63  }
0x128: {  	_ =	swait.ge @!p1 [sflag:s0], $0x4000  }
0x129: {  	[sflag:s0] =	ssyncset.done @!p1 $0x0  }
0x12a: {  	s20 =	simm.s32 $0x9;
	[sflag:s0] =	ssyncadd.s32 @!p1 $0xFFFFC000  }
0x12b: {  	_ =	swait.ge [sflag:s20], $0x80  }
0x12c: {  	s24 =	simm.s32 $0x100;
	[sflag:s20] =	ssyncset.done $0x0  }
0x12d: {  	s26 =	simm.s32 $0x8400;
	s15 =	simm.s32 $0x1;
	[sflag:s20] =	ssyncadd.s32 $0xFFFFFF80  }
0x12e: {  	[tilespmem:s26], [sflag:$0x3] =	stream.indirect.gather [hbm4b:s1+s21], $0x80, s24, s21, $0xb8;
	[tilespmem:$0x1FC80] =	vst v63  }
0x12f: {  	_ =	swait.ge [sflag:s15], $0x4000  }
0x130: {  	[sflag:s15] =	ssyncset.done $0x0  }
0x131: {  	s29 =	simm.s32 $0xB;
	[sflag:s15] =	ssyncadd.s32 $0xFFFFC000  }
0x132: {  	_ =	swait.ge [sflag:s29], $0x80  }
0x133: {  	s23 =	smov.u32 s9;
	s16 =	simm.s32 $0x400;
	[sflag:s29] =	ssyncset.done $0x0  }
0x134: {  	s18 =	simm.s32 $0x200;
	s25 =	rddreg [dreg:$0x11];
	[sflag:s29] =	ssyncadd.s32 $0xFFFFFF80  }
0x135: {  	[spmem:s2] =	stream.indirect.scatter.add.f32 [tilespmem:s16], [sflag:$0x4], $0x80, s18, s21, $0xb8;
	[tilespmem:$0x1FC80] =	vst v63  }
0x136: {  	s30 =	rddreg [dreg:$0x6];
	s8 =	sadd.s32 s23, s25  }
0x137: {  	[tilespmem:s4], [sflag:$0x7] =	stream.linear.gather [hbm4b:s8+s4], $0x80, $0x38;
	[tilespmem:$0x1FC80] =	vst v63  }
0x138: {  	s12 =	simm.s32 $0x300;
	s24 =	simm.s32 $0x4;
	s31 =	sadd.s32 s23, s30  }
0x139: {  	[tilespmem:s12], [sflag:$0xD] =	stream.linear.gather [hbm4b:s31+s4], $0x80, $0x38;
	[tilespmem:$0x1FC80] =	vst v63  }
0x13a: {  	_ =	swait.ge [sflag:s24], $0x4000  }
0x13b: {  	[sflag:s24] =	ssyncset.done $0x0  }
0x13c: {  	s3 =	simm.s32 $0xA;
	[sflag:s24] =	ssyncadd.s32 $0xFFFFC000  }
0x13d: {  	_ =	swait.ge [sflag:s3], $0x80  }
0x13e: {  	[sflag:s3] =	ssyncset.done $0x0  }
0x13f: {  	s10 =	simm.s32 $0x180;
	s30 =	simm.s32 $0x2;
	[sflag:s3] =	ssyncadd.s32 $0xFFFFFF80  }
0x140: {  	[tilespmem:s16], [sflag:$0x1] =	stream.indirect.gather [hbm4b:s1+s21], $0x80, s10, s21, $0xb8;
	[tilespmem:$0x1FC80] =	vst v63  }
0x141: {  	_ =	swait.ge [sflag:s30], $0x4000  }
0x142: {  	[sflag:s30] =	ssyncset.done $0x0  }
0x143: {  	[sflag:s30] =	ssyncadd.s32 $0xFFFFC000  }
0x144: {  	_ =	swait.ge [sflag:s17], $0x80  }
0x145: {  	s20 =	simm.s32 $0x280;
	[sflag:s17] =	ssyncset.done $0x0  }
0x146: {  	s25 =	simm.s32 $0x4400;
	s13 =	rddreg [dreg:$0x10];
	[sflag:s17] =	ssyncadd.s32 $0xFFFFFF80  }
0x147: {  	[spmem:s2] =	stream.indirect.scatter.add.f32 [tilespmem:s25], [sflag:$0x5], $0x80, s20, s21, $0xb8;
	[tilespmem:$0x1FC80] =	vst v63  }
0x148: {  	s10 =	rddreg [dreg:$0x5];
	s3 =	sadd.s32 s23, s13  }
0x149: {  	[tilespmem:s21], [sflag:$0x8] =	stream.linear.gather [hbm4b:s3+s4], $0x80, $0x38;
	[tilespmem:$0x1FC80] =	vst v63  }
0x14a: {  	s28 =	simm.s32 $0x380;
	s31 =	sadd.s32 s23, s10  }
0x14b: {  	[tilespmem:s28], [sflag:$0xE] =	stream.linear.gather [hbm4b:s31+s4], $0x80, $0x38;
	[tilespmem:$0x1FC80] =	vst v63  }
0x14c: {  	_ =	swait.ge [sflag:s7], $0x4000  }
0x14d: {  	[sflag:s7] =	ssyncset.done $0x0  }
0x14e: {  	s10 =	simm.s32 $0x7;
	[sflag:s7] =	ssyncadd.s32 $0xFFFFC000  }
0x14f: {  	_ =	swait.ge [sflag:s10], $0x80  }
0x150: {  	[sflag:s10] =	ssyncset.done $0x0  }
0x151: {  	[sflag:s10] =	ssyncadd.s32 $0xFFFFFF80  }
0x152: {  	[tilespmem:s25], [sflag:$0x2] =	stream.indirect.gather [hbm4b:s1+s21], $0x80, s4, s21, $0xb8;
	[tilespmem:$0x1FC80] =	vst v63  }
0x153: {  	_ =	swait.ge [sflag:s19], $0x4000  }
0x154: {  	[sflag:s19] =	ssyncset.done $0x0  }
0x155: {  	s13 =	simm.s32 $0xD;
	[sflag:s19] =	ssyncadd.s32 $0xFFFFC000  }
0x156: {  	p0 =	seq.s32 s22, $0x0;
	_ =	swait.ge [sflag:s13], $0x80  }
0x157: {  	p1 =	por p0, p0;
	s31 =	sadd.s32 $0xFFFFFFF7, s5;
	[sflag:s13] =	ssyncset.done $0x0  }
0x158: {  	p0 =	sge.u32 s31, s6;
	s0 =	rddreg [dreg:$0xf];
	[sflag:s13] =	ssyncadd.s32 $0xFFFFFF80  }
0x159: {  	[spmem:s2] =	stream.indirect.scatter.add.f32 [tilespmem:s26], [sflag:$0x6], $0x80, s12, s21, $0xb8;
	[tilespmem:$0x1FC80] =	vst v63  }
0x15a: {  	s10 =	simm.s32 @!p0 $0x100;
	s12 =	sadd.s32 @!p0 s23, s0;
	s0 =	simm.s32 @!p0 $0x0  }
0x15b: {  	[tilespmem:s10], [sflag:$0x9] =	stream.linear.gather @!p0 [hbm4b:s12+s0], $0x80, $0x38;
	[tilespmem:$0x1FC80] =	vst v63  }
0x15c: {  	s13 =	sadd.s32 $0x10, s8  }
0x15d: {  	[tilespmem:s18], [sflag:$0xB] =	stream.linear.gather [hbm4b:s13+s4], $0x80, $0x38;
	[tilespmem:$0x1FC80] =	vst v63  }
0x15e: {  	_ =	swait.ge [sflag:s11], $0x4000  }
0x15f: {  	[sflag:s11] =	ssyncset.done $0x0  }
0x160: {  	s13 =	simm.s32 $0x8;
	[sflag:s11] =	ssyncadd.s32 $0xFFFFC000  }
0x161: {  	_ =	swait.ge [sflag:s13], $0x80  }
0x162: {  	[sflag:s13] =	ssyncset.done $0x0  }
0x163: {  	[sflag:s13] =	ssyncadd.s32 $0xFFFFFF80  }
0x164: {  	[tilespmem:s26], [sflag:$0x3] =	stream.indirect.gather [hbm4b:s1+s21], $0x80, s21, s21, $0xb8;
	[tilespmem:$0x1FC80] =	vst v63  }
0x165: {  	_ =	swait.ge [sflag:s15], $0x4000  }
0x166: {  	[sflag:s15] =	ssyncset.done $0x0  }
0x167: {  	s31 =	simm.s32 $0xE;
	[sflag:s15] =	ssyncadd.s32 $0xFFFFC000  }
0x168: {  	_ =	swait.ge [sflag:s31], $0x80  }
0x169: {  	s8 =	sadd.s32 @!p0 $0x10, s12;
	s13 =	sadd.s32 $0xFFFFFFF8, s5;
	[sflag:s31] =	ssyncset.done $0x0  }
0x16a: {  	p6 =	sge.u32 s13, s6;
	s13 =	rddreg [dreg:$0xe];
	[sflag:s31] =	ssyncadd.s32 $0xFFFFFF80  }
0x16b: {  	[spmem:s2] =	stream.indirect.scatter.add.f32 [tilespmem:s16], [sflag:$0x4], $0x80, s28, s21, $0xb8;
	[tilespmem:$0x1FC80] =	vst v63  }
0x16c: {  	s12 =	simm.s32 @!p6 $0x180;
	s15 =	simm.s32 @!p6 $0x0;
	s13 =	sadd.s32 @!p6 s23, s13  }
0x16d: {  	[tilespmem:s12], [sflag:$0xA] =	stream.linear.gather @!p6 [hbm4b:s13+s15], $0x80, $0x38;
	[tilespmem:$0x1FC80] =	vst v63  }
0x16e: {  	s31 =	sadd.s32 $0x10, s3  }
0x16f: {  	[tilespmem:s20], [sflag:$0xC] =	stream.linear.gather [hbm4b:s31+s4], $0x80, $0x38;
	[tilespmem:$0x1FC80] =	vst v63  }
0x170: {  	_ =	swait.ge [sflag:s24], $0x4000  }
0x171: {  	[sflag:s24] =	ssyncset.done $0x0  }
0x172: {  	s3 =	sadd.s32 @!p6 $0x10, s13;
	s13 =	simm.s32 @!p0 $0x9;
	[sflag:s24] =	ssyncadd.s32 $0xFFFFC000  }
0x173: {  	_ =	swait.ge @!p0 [sflag:s13], $0x80  }
0x174: {  	[sflag:s13] =	ssyncset.done @!p0 $0x0  }
0x175: {  	s28 =	simm.s32 @!p0 $0x400;
	s24 =	simm.s32 @!p0 $0x80;
	[sflag:s13] =	ssyncadd.s32 @!p0 $0xFFFFFF80  }
0x176: {  	[tilespmem:s28], [sflag:$0x1] =	stream.indirect.gather @!p0 [hbm4b:s1+s24], $0x80, s10, s24, $0xb8;
	[tilespmem:$0x1FC80] =	vst v63  }
0x177: {  	_ =	swait.ge [sflag:s30], $0x4000  }
0x178: {  	[sflag:s30] =	ssyncset.done $0x0  }
0x179: {  	[sflag:s30] =	ssyncadd.s32 $0xFFFFC000  }
0x17a: {  	_ =	swait.ge [sflag:s29], $0x80  }
0x17b: {  	s16 =	sadd.s32 $0xFFFFFFF9, s5;
	[sflag:s29] =	ssyncset.done $0x0  }
0x17c: {  	p5 =	sge.u32 s16, s6;
	s13 =	rddreg [dreg:$0xd];
	[sflag:s29] =	ssyncadd.s32 $0xFFFFFF80  }
0x17d: {  	[spmem:s2] =	stream.indirect.scatter.add.f32 [tilespmem:s25], [sflag:$0x5], $0x80, s18, s21, $0xb8;
	[tilespmem:$0x1FC80] =	vst v63  }
0x17e: {  	s30 =	simm.s32 @!p5 $0x0;
	s13 =	sadd.s32 @!p5 s23, s13  }
0x17f: {  	[tilespmem:s30], [sflag:$0x7] =	stream.linear.gather @!p5 [hbm4b:s13+s30], $0x80, $0x38;
	[tilespmem:$0x1FC80] =	vst v63  }
0x180: {  	s10 =	simm.s32 @!p0 $0x300  }
0x181: {  	[tilespmem:s10], [sflag:$0xD] =	stream.linear.gather @!p0 [hbm4b:s8+s0], $0x80, $0x38;
	[tilespmem:$0x1FC80] =	vst v63  }
0x182: {  	_ =	swait.ge [sflag:s7], $0x4000  }
0x183: {  	[sflag:s7] =	ssyncset.done $0x0  }
0x184: {  	s0 =	simm.s32 @!p6 $0xA;
	[sflag:s7] =	ssyncadd.s32 $0xFFFFC000  }
0x185: {  	_ =	swait.ge @!p6 [sflag:s0], $0x80  }
0x186: {  	[sflag:s0] =	ssyncset.done @!p6 $0x0  }
0x187: {  	s29 =	simm.s32 @!p6 $0x4400;
	s25 =	simm.s32 @!p6 $0x80;
	[sflag:s0] =	ssyncadd.s32 @!p6 $0xFFFFFF80  }
0x188: {  	[tilespmem:s29], [sflag:$0x2] =	stream.indirect.gather @!p6 [hbm4b:s1+s25], $0x80, s12, s25, $0xb8;
	[tilespmem:$0x1FC80] =	vst v63  }
0x189: {  	_ =	swait.ge [sflag:s19], $0x4000  }
0x18a: {  	[sflag:s19] =	ssyncset.done $0x0  }
0x18b: {  	[sflag:s19] =	ssyncadd.s32 $0xFFFFC000  }
0x18c: {  	_ =	swait.ge [sflag:s17], $0x80  }
0x18d: {  	s18 =	sadd.s32 $0xFFFFFFFA, s5;
	[sflag:s17] =	ssyncset.done $0x0  }
0x18e: {  	p4 =	sge.u32 s18, s6;
	s8 =	rddreg [dreg:$0xc];
	[sflag:s17] =	ssyncadd.s32 $0xFFFFFF80  }
0x18f: {  	[spmem:s2] =	stream.indirect.scatter.add.f32 [tilespmem:s26], [sflag:$0x6], $0x80, s20, s21, $0xb8;
	[tilespmem:$0x1FC80] =	vst v63  }
0x190: {  	s0 =	simm.s32 @!p4 $0x0;
	s12 =	simm.s32 @!p4 $0x80;
	s8 =	sadd.s32 @!p4 s23, s8  }
0x191: {  	[tilespmem:s12], [sflag:$0x8] =	stream.linear.gather @!p4 [hbm4b:s8+s0], $0x80, $0x38;
	[tilespmem:$0x1FC80] =	vst v63  }
0x192: {  	s31 =	sadd.s32 @!p5 $0x10, s13;
	s13 =	simm.s32 @!p6 $0x380  }
0x193: {  	[tilespmem:s13], [sflag:$0xE] =	stream.linear.gather @!p6 [hbm4b:s3+s15], $0x80, $0x38;
	[tilespmem:$0x1FC80] =	vst v63  }
0x194: {  	_ =	swait.ge [sflag:s11], $0x4000  }
0x195: {  	[sflag:s11] =	ssyncset.done $0x0  }
0x196: {  	s3 =	simm.s32 @!p5 $0x7;
	[sflag:s11] =	ssyncadd.s32 $0xFFFFC000  }
0x197: {  	_ =	swait.ge @!p5 [sflag:s3], $0x80  }
0x198: {  	s18 =	simm.s32 @!p5 $0x8400;
	[sflag:s3] =	ssyncset.done @!p5 $0x0  }
0x199: {  	s26 =	simm.s32 @!p5 $0x80;
	s15 =	simm.s32 @!p0 $0x1;
	[sflag:s3] =	ssyncadd.s32 @!p5 $0xFFFFFF80  }
0x19a: {  	[tilespmem:s18], [sflag:$0x3] =	stream.indirect.gather @!p5 [hbm4b:s1+s26], $0x80, s30, s26, $0xb8;
	[tilespmem:$0x1FC80] =	vst v63  }
0x19b: {  	_ =	swait.ge @!p0 [sflag:s15], $0x4000  }
0x19c: {  	[sflag:s15] =	ssyncset.done @!p0 $0x0  }
0x19d: {  	s3 =	simm.s32 @!p0 $0xD;
	[sflag:s15] =	ssyncadd.s32 @!p0 $0xFFFFC000  }
0x19e: {  	_ =	swait.ge @!p0 [sflag:s3], $0x80  }
0x19f: {  	s20 =	sadd.s32 $0xFFFFFFFB, s5;
	[sflag:s3] =	ssyncset.done @!p0 $0x0  }
0x1a0: {  	p3 =	sge.u32 s20, s6;
	s16 =	rddreg [dreg:$0xb];
	[sflag:s3] =	ssyncadd.s32 @!p0 $0xFFFFFF80  }
0x1a1: {  	[spmem:s2] =	stream.indirect.scatter.add.f32 @!p0 [tilespmem:s28], [sflag:$0x4], $0x80, s10, s24, $0xb8;
	[tilespmem:$0x1FC80] =	vst v63  }
0x1a2: {  	s15 =	simm.s32 @!p3 $0x0;
	s10 =	sadd.s32 @!p3 s23, s16;
	s16 =	simm.s32 @!p3 $0x100  }
0x1a3: {  	[tilespmem:s16], [sflag:$0x9] =	stream.linear.gather @!p3 [hbm4b:s10+s15], $0x80, $0x38;
	[tilespmem:$0x1FC80] =	vst v63  }
0x1a4: {  	s20 =	simm.s32 @!p5 $0x200;
	s3 =	simm.s32 @!p0 $0x4  }
0x1a5: {  	[tilespmem:s20], [sflag:$0xB] =	stream.linear.gather @!p5 [hbm4b:s31+s30], $0x80, $0x38;
	[tilespmem:$0x1FC80] =	vst v63  }
0x1a6: {  	_ =	swait.ge @!p0 [sflag:s3], $0x4000  }
0x1a7: {  	[sflag:s3] =	ssyncset.done @!p0 $0x0  }
0x1a8: {  	s24 =	simm.s32 @!p4 $0x8;
	[sflag:s3] =	ssyncadd.s32 @!p0 $0xFFFFC000  }
0x1a9: {  	_ =	swait.ge @!p4 [sflag:s24], $0x80  }
0x1aa: {  	[sflag:s24] =	ssyncset.done @!p4 $0x0  }
0x1ab: {  	s28 =	simm.s32 @!p4 $0x400;
	s3 =	simm.s32 @!p6 $0x2;
	[sflag:s24] =	ssyncadd.s32 @!p4 $0xFFFFFF80  }
0x1ac: {  	[tilespmem:s28], [sflag:$0x1] =	stream.indirect.gather @!p4 [hbm4b:s1+s12], $0x80, s12, s12, $0xb8;
	[tilespmem:$0x1FC80] =	vst v63  }
0x1ad: {  	_ =	swait.ge @!p6 [sflag:s3], $0x4000  }
0x1ae: {  	[sflag:s3] =	ssyncset.done @!p6 $0x0  }
0x1af: {  	s24 =	simm.s32 @!p6 $0xE;
	[sflag:s3] =	ssyncadd.s32 @!p6 $0xFFFFC000  }
0x1b0: {  	_ =	swait.ge @!p6 [sflag:s24], $0x80  }
0x1b1: {  	s31 =	sadd.s32 $0xFFFFFFFC, s5;
	[sflag:s24] =	ssyncset.done @!p6 $0x0  }
0x1b2: {  	p0 =	sge.u32 s31, s6;
	s31 =	rddreg [dreg:$0xa];
	[sflag:s24] =	ssyncadd.s32 @!p6 $0xFFFFFF80  }
0x1b3: {  	[spmem:s2] =	stream.indirect.scatter.add.f32 @!p6 [tilespmem:s29], [sflag:$0x5], $0x80, s13, s25, $0xb8;
	[tilespmem:$0x1FC80] =	vst v63  }
0x1b4: {  	s30 =	simm.s32 @!p0 $0x0;
	s31 =	sadd.s32 @!p0 s23, s31;
	s13 =	simm.s32 @!p0 $0x180  }
0x1b5: {  	[tilespmem:s13], [sflag:$0xA] =	stream.linear.gather @!p0 [hbm4b:s31+s30], $0x80, $0x38;
	[tilespmem:$0x1FC80] =	vst v63  }
0x1b6: {  	s8 =	sadd.s32 @!p4 $0x10, s8;
	s3 =	simm.s32 @!p4 $0x280;
	s24 =	simm.s32 @!p6 $0x5  }
0x1b7: {  	[tilespmem:s3], [sflag:$0xC] =	stream.linear.gather @!p4 [hbm4b:s8+s0], $0x80, $0x38;
	[tilespmem:$0x1FC80] =	vst v63  }
0x1b8: {  	_ =	swait.ge @!p6 [sflag:s24], $0x4000  }
0x1b9: {  	[sflag:s24] =	ssyncset.done @!p6 $0x0  }
0x1ba: {  	s0 =	simm.s32 @!p3 $0x9;
	[sflag:s24] =	ssyncadd.s32 @!p6 $0xFFFFC000  }
0x1bb: {  	_ =	swait.ge @!p3 [sflag:s0], $0x80  }
0x1bc: {  	s25 =	simm.s32 @!p3 $0x4400;
	[sflag:s0] =	ssyncset.done @!p3 $0x0  }
0x1bd: {  	s8 =	simm.s32 @!p5 $0x3;
	s24 =	simm.s32 @!p3 $0x80;
	[sflag:s0] =	ssyncadd.s32 @!p3 $0xFFFFFF80  }
0x1be: {  	[tilespmem:s25], [sflag:$0x2] =	stream.indirect.gather @!p3 [hbm4b:s1+s24], $0x80, s16, s24, $0xb8;
	[tilespmem:$0x1FC80] =	vst v63  }
0x1bf: {  	_ =	swait.ge @!p5 [sflag:s8], $0x4000  }
0x1c0: {  	[sflag:s8] =	ssyncset.done @!p5 $0x0  }
0x1c1: {  	s0 =	simm.s32 @!p5 $0xB;
	[sflag:s8] =	ssyncadd.s32 @!p5 $0xFFFFC000  }
0x1c2: {  	s16 =	sadd.s32 $0xFFFFFFFD, s5;
	_ =	swait.ge @!p5 [sflag:s0], $0x80  }
0x1c3: {  	p6 =	sge.u32 s16, s6;
	[sflag:s0] =	ssyncset.done @!p5 $0x0;
	s8 =	rddreg [dreg:$0x12]  }
0x1c4: {  	s16 =	sadd.s32 @!p6 s23, s8;
	[sflag:s0] =	ssyncadd.s32 @!p5 $0xFFFFFF80  }
0x1c5: {  	[spmem:s2] =	stream.indirect.scatter.add.f32 @!p5 [tilespmem:s18], [sflag:$0x6], $0x80, s20, s26, $0xb8;
	[tilespmem:$0x1FC80] =	vst v63  }
0x1c6: {  	s0 =	simm.s32 @!p6 $0x0;
	s29 =	sadd.s32 @!p6 $0x180, s16  }
0x1c7: {  	[tilespmem:s0], [sflag:$0x7] =	stream.linear.gather @!p6 [hbm4b:s29+s0], $0x80, $0x38;
	[tilespmem:$0x1FC80] =	vst v63  }
0x1c8: {  	s10 =	sadd.s32 @!p3 $0x10, s10;
	s8 =	simm.s32 @!p3 $0x300;
	s18 =	simm.s32 @!p5 $0x6  }
0x1c9: {  	[tilespmem:s8], [sflag:$0xD] =	stream.linear.gather @!p3 [hbm4b:s10+s15], $0x80, $0x38;
	[tilespmem:$0x1FC80] =	vst v63  }
0x1ca: {  	_ =	swait.ge @!p5 [sflag:s18], $0x4000  }
0x1cb: {  	[sflag:s18] =	ssyncset.done @!p5 $0x0  }
0x1cc: {  	s10 =	simm.s32 @!p0 $0xA;
	[sflag:s18] =	ssyncadd.s32 @!p5 $0xFFFFC000  }
0x1cd: {  	_ =	swait.ge @!p0 [sflag:s10], $0x80  }
0x1ce: {  	s26 =	simm.s32 @!p0 $0x80;
	[sflag:s10] =	ssyncset.done @!p0 $0x0  }
0x1cf: {  	s29 =	simm.s32 @!p0 $0x8400;
	s15 =	simm.s32 @!p4 $0x1;
	[sflag:s10] =	ssyncadd.s32 @!p0 $0xFFFFFF80  }
0x1d0: {  	[tilespmem:s29], [sflag:$0x3] =	stream.indirect.gather @!p0 [hbm4b:s1+s26], $0x80, s13, s26, $0xb8;
	[tilespmem:$0x1FC80] =	vst v63  }
0x1d1: {  	_ =	swait.ge @!p4 [sflag:s15], $0x4000  }
0x1d2: {  	[sflag:s15] =	ssyncset.done @!p4 $0x0  }
0x1d3: {  	s10 =	simm.s32 @!p4 $0xC;
	[sflag:s15] =	ssyncadd.s32 @!p4 $0xFFFFC000  }
0x1d4: {  	_ =	swait.ge @!p4 [sflag:s10], $0x80  }
0x1d5: {  	s20 =	sadd.s32 @!p6 $0x190, s16;
	s18 =	sadd.s32 $0xFFFFFFFE, s5;
	[sflag:s10] =	ssyncset.done @!p4 $0x0  }
0x1d6: {  	p5 =	sge.u32 s18, s6;
	s13 =	rddreg [dreg:$0x9];
	[sflag:s10] =	ssyncadd.s32 @!p4 $0xFFFFFF80  }
0x1d7: {  	[spmem:s2] =	stream.indirect.scatter.add.f32 @!p4 [tilespmem:s28], [sflag:$0x4], $0x80, s3, s12, $0xb8;
	[tilespmem:$0x1FC80] =	vst v63  }
0x1d8: {  	s18 =	simm.s32 @!p5 $0x0;
	s10 =	sadd.s32 @!p5 s23, s13;
	s3 =	simm.s32 @!p5 $0x80  }
0x1d9: {  	[tilespmem:s3], [sflag:$0x8] =	stream.linear.gather @!p5 [hbm4b:s10+s18], $0x80, $0x38;
	[tilespmem:$0x1FC80] =	vst v63  }
0x1da: {  	s16 =	simm.s32 @!p4 $0x4;
	s15 =	simm.s32 @!p0 $0x380;
	s13 =	sadd.s32 @!p0 $0x10, s31  }
0x1db: {  	[tilespmem:s15], [sflag:$0xE] =	stream.linear.gather @!p0 [hbm4b:s13+s30], $0x80, $0x38;
	[tilespmem:$0x1FC80] =	vst v63  }
0x1dc: {  	_ =	swait.ge @!p4 [sflag:s16], $0x4000  }
0x1dd: {  	[sflag:s16] =	ssyncset.done @!p4 $0x0  }
0x1de: {  	s12 =	sadd.s32 @!p5 $0x10, s10;
	s10 =	simm.s32 @!p6 $0x7;
	[sflag:s16] =	ssyncadd.s32 @!p4 $0xFFFFC000  }
0x1df: {  	_ =	swait.ge @!p6 [sflag:s10], $0x80  }
0x1e0: {  	s13 =	simm.s32 @!p6 $0x80;
	[sflag:s10] =	ssyncset.done @!p6 $0x0  }
0x1e1: {  	s30 =	simm.s32 @!p3 $0x2;
	s16 =	simm.s32 @!p6 $0x400;
	[sflag:s10] =	ssyncadd.s32 @!p6 $0xFFFFFF80  }
0x1e2: {  	[tilespmem:s16], [sflag:$0x1] =	stream.indirect.gather @!p6 [hbm4b:s1+s13], $0x80, s0, s13, $0xb8;
	[tilespmem:$0x1FC80] =	vst v63  }
0x1e3: {  	_ =	swait.ge @!p3 [sflag:s30], $0x4000  }
0x1e4: {  	[sflag:s30] =	ssyncset.done @!p3 $0x0  }
0x1e5: {  	s10 =	simm.s32 @!p3 $0xD;
	[sflag:s30] =	ssyncadd.s32 @!p3 $0xFFFFC000  }
0x1e6: {  	_ =	swait.ge @!p3 [sflag:s10], $0x80  }
0x1e7: {  	s31 =	sadd.s32 $0xFFFFFFFF, s5;
	[sflag:s10] =	ssyncset.done @!p3 $0x0  }
0x1e8: {  	p4 =	sge.u32 s31, s6;
	s13 =	rddreg [dreg:$0x8];
	[sflag:s10] =	ssyncadd.s32 @!p3 $0xFFFFFF80  }
0x1e9: {  	[spmem:s2] =	stream.indirect.scatter.add.f32 @!p3 [tilespmem:s25], [sflag:$0x5], $0x80, s8, s24, $0xb8;
	[tilespmem:$0x1FC80] =	vst v63  }
0x1ea: {  	s16 =	simm.s32 @!p4 $0x100;
	s10 =	simm.s32 @!p4 $0x0;
	s8 =	sadd.s32 @!p4 s23, s13  }
0x1eb: {  	[tilespmem:s16], [sflag:$0x9] =	stream.linear.gather @!p4 [hbm4b:s8+s10], $0x80, $0x38;
	[tilespmem:$0x1FC80] =	vst v63  }
0x1ec: {  	s13 =	simm.s32 @!p6 $0x200;
	s24 =	simm.s32 @!p3 $0x5  }
0x1ed: {  	[tilespmem:s13], [sflag:$0xB] =	stream.linear.gather @!p6 [hbm4b:s20+s0], $0x80, $0x38;
	[tilespmem:$0x1FC80] =	vst v63  }
0x1ee: {  	_ =	swait.ge @!p3 [sflag:s24], $0x4000  }
0x1ef: {  	[sflag:s24] =	ssyncset.done @!p3 $0x0  }
0x1f0: {  	s0 =	simm.s32 @!p5 $0x8;
	[sflag:s24] =	ssyncadd.s32 @!p3 $0xFFFFC000  }
0x1f1: {  	_ =	swait.ge @!p5 [sflag:s0], $0x80  }
0x1f2: {  	[sflag:s0] =	ssyncset.done @!p5 $0x0  }
0x1f3: {  	s8 =	simm.s32 @!p5 $0x4400;
	s10 =	simm.s32 @!p0 $0x3;
	[sflag:s0] =	ssyncadd.s32 @!p5 $0xFFFFFF80  }
0x1f4: {  	[tilespmem:s8], [sflag:$0x2] =	stream.indirect.gather @!p5 [hbm4b:s1+s3], $0x80, s3, s3, $0xb8;
	[tilespmem:$0x1FC80] =	vst v63  }
0x1f5: {  	s9 =	smov.u32 s22;
	s22 =	sadd.s32 $0x180, s22;
	_ =	swait.ge @!p0 [sflag:s10], $0x4000  }
0x1f6: {  	s14 =	smov.u32 s5;
	p2 =	sne.s32 s22, $0xA80;
	[sflag:s10] =	ssyncset.done @!p0 $0x0  }
.Ltmp0:
0x1f7: {  	s0 =	simm.s32 @!p0 $0xE;
	[sflag:s10] =	ssyncadd.s32 @!p0 $0xFFFFC000;
	(pc) =	sbr.rel @p2 .LBB2_2-.Ltmp0, $4  }
0x1f8: {  	s5 =	sadd.s32 $0xC, s5;
	p3 =	sge.u32 s14, s6;
	_ =	swait.ge @!p0 [sflag:s0], $0x80  }
0x1f9: {  	s28 =	simm.s32 @!p5 $0x280;
	s3 =	simm.s32 @!p3 $0x180;
	[sflag:s0] =	ssyncset.done @!p0 $0x0  }
0x1fa: {  	s8 =	rddreg [dreg:$0x7];
	[sflag:s0] =	ssyncadd.s32 @!p0 $0xFFFFFF80;
	s0 =	simm.s32 @!p3 $0x0  }
0x1fb: {  	[spmem:s2] =	stream.indirect.scatter.add.f32 @!p0 [tilespmem:s29], [sflag:$0x6], $0x80, s15, s26, $0xb8;
	[tilespmem:$0x1FC80] =	vst v63  }
0x1fc: {  	s8 =	sadd.s32 @!p3 s23, s8  }
0x1fd: {  	[tilespmem:s3], [sflag:$0xA] =	stream.linear.gather @!p3 [hbm4b:s8+s0], $0x80, $0x38;
	[tilespmem:$0x1FC80] =	vst v63  }
0x1fe: {  	s0 =	simm.s32 @!p1 $0x6  }
0x1ff: {  	[tilespmem:s28], [sflag:$0xC] =	stream.linear.gather @!p5 [hbm4b:s12+s18], $0x80, $0x38;
	[tilespmem:$0x1FC80] =	vst v63  }
0x200: {  	_ =	swait.ge @!p1 [sflag:s0], $0x4000  }
0x201: {  	[sflag:s0] =	ssyncset.done @!p1 $0x0  }
0x202: {  	s23 =	simm.s32 $0x9;
	[sflag:s0] =	ssyncadd.s32 @!p1 $0xFFFFC000  }
0x203: {  	_ =	swait.ge [sflag:s23], $0x80  }
0x204: {  	s24 =	simm.s32 $0x100;
	[sflag:s23] =	ssyncset.done $0x0  }
0x205: {  	s25 =	simm.s32 $0x8400;
	s15 =	simm.s32 $0x1;
	[sflag:s23] =	ssyncadd.s32 $0xFFFFFF80  }
0x206: {  	[tilespmem:s25], [sflag:$0x3] =	stream.indirect.gather [hbm4b:s1+s21], $0x80, s24, s21, $0xb8;
	[tilespmem:$0x1FC80] =	vst v63  }
0x207: {  	_ =	swait.ge [sflag:s15], $0x4000  }
0x208: {  	[sflag:s15] =	ssyncset.done $0x0  }
0x209: {  	s22 =	simm.s32 $0xB;
	[sflag:s15] =	ssyncadd.s32 $0xFFFFC000  }
0x20a: {  	_ =	swait.ge [sflag:s22], $0x80  }
0x20b: {  	s14 =	simm.s32 $0x400;
	[sflag:s22] =	ssyncset.done $0x0  }
0x20c: {  	s18 =	simm.s32 $0x200;
	s26 =	rddreg [dreg:$0x11];
	[sflag:s22] =	ssyncadd.s32 $0xFFFFFF80  }
0x20d: {  	[spmem:s2] =	stream.indirect.scatter.add.f32 [tilespmem:s14], [sflag:$0x4], $0x80, s18, s21, $0xb8;
	[tilespmem:$0x1FC80] =	vst v63  }
0x20e: {  	s28 =	rddreg [dreg:$0x6];
	s0 =	sadd.s32 s9, s26  }
0x20f: {  	[tilespmem:s4], [sflag:$0x7] =	stream.linear.gather [hbm4b:s0+s4], $0x80, $0x38;
	[tilespmem:$0x1FC80] =	vst v63  }
0x210: {  	s29 =	simm.s32 $0x300;
	s23 =	simm.s32 $0x4;
	s3 =	sadd.s32 s9, s28  }
0x211: {  	[tilespmem:s29], [sflag:$0xD] =	stream.linear.gather [hbm4b:s3+s4], $0x80, $0x38;
	[tilespmem:$0x1FC80] =	vst v63  }
0x212: {  	_ =	swait.ge [sflag:s23], $0x4000  }
0x213: {  	[sflag:s23] =	ssyncset.done $0x0  }
0x214: {  	s30 =	simm.s32 $0xA;
	[sflag:s23] =	ssyncadd.s32 $0xFFFFC000  }
0x215: {  	_ =	swait.ge [sflag:s30], $0x80  }
0x216: {  	[sflag:s30] =	ssyncset.done $0x0  }
0x217: {  	s31 =	simm.s32 $0x180;
	s26 =	simm.s32 $0x2;
	[sflag:s30] =	ssyncadd.s32 $0xFFFFFF80  }
0x218: {  	[tilespmem:s14], [sflag:$0x1] =	stream.indirect.gather [hbm4b:s1+s21], $0x80, s31, s21, $0xb8;
	[tilespmem:$0x1FC80] =	vst v63  }
0x219: {  	_ =	swait.ge [sflag:s26], $0x4000  }
0x21a: {  	[sflag:s26] =	ssyncset.done $0x0  }
0x21b: {  	[sflag:s26] =	ssyncadd.s32 $0xFFFFC000  }
0x21c: {  	_ =	swait.ge [sflag:s17], $0x80  }
0x21d: {  	s20 =	simm.s32 $0x4400;
	[sflag:s17] =	ssyncset.done $0x0  }
0x21e: {  	s24 =	simm.s32 $0x280;
	s8 =	rddreg [dreg:$0x10];
	[sflag:s17] =	ssyncadd.s32 $0xFFFFFF80  }
0x21f: {  	[spmem:s2] =	stream.indirect.scatter.add.f32 [tilespmem:s20], [sflag:$0x5], $0x80, s24, s21, $0xb8;
	[tilespmem:$0x1FC80] =	vst v63  }
0x220: {  	s10 =	rddreg [dreg:$0x5];
	s3 =	sadd.s32 s9, s8  }
0x221: {  	[tilespmem:s21], [sflag:$0x8] =	stream.linear.gather [hbm4b:s3+s4], $0x80, $0x38;
	[tilespmem:$0x1FC80] =	vst v63  }
0x222: {  	s16 =	simm.s32 $0x380;
	s8 =	sadd.s32 s9, s10  }
0x223: {  	[tilespmem:s16], [sflag:$0xE] =	stream.linear.gather [hbm4b:s8+s4], $0x80, $0x38;
	[tilespmem:$0x1FC80] =	vst v63  }
0x224: {  	_ =	swait.ge [sflag:s7], $0x4000  }
0x225: {  	[sflag:s7] =	ssyncset.done $0x0  }
0x226: {  	s13 =	simm.s32 $0x7;
	[sflag:s7] =	ssyncadd.s32 $0xFFFFC000  }
0x227: {  	_ =	swait.ge [sflag:s13], $0x80  }
0x228: {  	[sflag:s13] =	ssyncset.done $0x0  }
0x229: {  	[sflag:s13] =	ssyncadd.s32 $0xFFFFFF80  }
0x22a: {  	[tilespmem:s20], [sflag:$0x2] =	stream.indirect.gather [hbm4b:s1+s21], $0x80, s4, s21, $0xb8;
	[tilespmem:$0x1FC80] =	vst v63  }
0x22b: {  	_ =	swait.ge [sflag:s19], $0x4000  }
0x22c: {  	[sflag:s19] =	ssyncset.done $0x0  }
0x22d: {  	s13 =	simm.s32 $0xD;
	[sflag:s19] =	ssyncadd.s32 $0xFFFFC000  }
0x22e: {  	_ =	swait.ge [sflag:s13], $0x80  }
0x22f: {  	s28 =	sadd.s32 $0xFFFFFFF7, s5;
	[sflag:s13] =	ssyncset.done $0x0  }
0x230: {  	p4 =	sge.u32 s28, s6;
	s10 =	rddreg [dreg:$0xf];
	[sflag:s13] =	ssyncadd.s32 $0xFFFFFF80  }
0x231: {  	[spmem:s2] =	stream.indirect.scatter.add.f32 [tilespmem:s25], [sflag:$0x6], $0x80, s29, s21, $0xb8;
	[tilespmem:$0x1FC80] =	vst v63  }
0x232: {  	s12 =	simm.s32 @!p4 $0x0;
	s10 =	sadd.s32 @!p4 s9, s10;
	s13 =	simm.s32 @!p4 $0x100  }
0x233: {  	[tilespmem:s13], [sflag:$0x9] =	stream.linear.gather @!p4 [hbm4b:s10+s12], $0x80, $0x38;
	[tilespmem:$0x1FC80] =	vst v63  }
0x234: {  	s0 =	sadd.s32 $0x10, s0  }
0x235: {  	[tilespmem:s18], [sflag:$0xB] =	stream.linear.gather [hbm4b:s0+s4], $0x80, $0x38;
	[tilespmem:$0x1FC80] =	vst v63  }
0x236: {  	_ =	swait.ge [sflag:s11], $0x4000  }
0x237: {  	[sflag:s11] =	ssyncset.done $0x0  }
0x238: {  	s29 =	simm.s32 $0x8;
	[sflag:s11] =	ssyncadd.s32 $0xFFFFC000  }
0x239: {  	_ =	swait.ge [sflag:s29], $0x80  }
0x23a: {  	[sflag:s29] =	ssyncset.done $0x0  }
0x23b: {  	[sflag:s29] =	ssyncadd.s32 $0xFFFFFF80  }
0x23c: {  	[tilespmem:s25], [sflag:$0x3] =	stream.indirect.gather [hbm4b:s1+s21], $0x80, s21, s21, $0xb8;
	[tilespmem:$0x1FC80] =	vst v63  }
0x23d: {  	_ =	swait.ge [sflag:s15], $0x4000  }
0x23e: {  	[sflag:s15] =	ssyncset.done $0x0  }
0x23f: {  	s30 =	simm.s32 $0xE;
	[sflag:s15] =	ssyncadd.s32 $0xFFFFC000  }
0x240: {  	_ =	swait.ge [sflag:s30], $0x80  }
0x241: {  	s31 =	sadd.s32 $0xFFFFFFF8, s5;
	[sflag:s30] =	ssyncset.done $0x0  }
0x242: {  	p3 =	sge.u32 s31, s6;
	s8 =	rddreg [dreg:$0xe];
	[sflag:s30] =	ssyncadd.s32 $0xFFFFFF80  }
0x243: {  	[spmem:s2] =	stream.indirect.scatter.add.f32 [tilespmem:s14], [sflag:$0x4], $0x80, s16, s21, $0xb8;
	[tilespmem:$0x1FC80] =	vst v63  }
0x244: {  	s0 =	simm.s32 @!p3 $0x0;
	s15 =	simm.s32 @!p3 $0x180;
	s16 =	sadd.s32 @!p3 s9, s8  }
0x245: {  	[tilespmem:s15], [sflag:$0xA] =	stream.linear.gather @!p3 [hbm4b:s16+s0], $0x80, $0x38;
	[tilespmem:$0x1FC80] =	vst v63  }
0x246: {  	s3 =	sadd.s32 $0x10, s3  }
0x247: {  	[tilespmem:s24], [sflag:$0xC] =	stream.linear.gather [hbm4b:s3+s4], $0x80, $0x38;
	[tilespmem:$0x1FC80] =	vst v63  }
0x248: {  	_ =	swait.ge [sflag:s23], $0x4000  }
0x249: {  	[sflag:s23] =	ssyncset.done $0x0  }
0x24a: {  	s3 =	simm.s32 @!p4 $0x9;
	[sflag:s23] =	ssyncadd.s32 $0xFFFFC000  }
0x24b: {  	_ =	swait.ge @!p4 [sflag:s3], $0x80  }
0x24c: {  	[sflag:s3] =	ssyncset.done @!p4 $0x0  }
0x24d: {  	s8 =	simm.s32 @!p4 $0x80;
	s14 =	simm.s32 @!p4 $0x400;
	[sflag:s3] =	ssyncadd.s32 @!p4 $0xFFFFFF80  }
0x24e: {  	[tilespmem:s14], [sflag:$0x1] =	stream.indirect.gather @!p4 [hbm4b:s1+s8], $0x80, s13, s8, $0xb8;
	[tilespmem:$0x1FC80] =	vst v63  }
0x24f: {  	_ =	swait.ge [sflag:s26], $0x4000  }
0x250: {  	[sflag:s26] =	ssyncset.done $0x0  }
0x251: {  	[sflag:s26] =	ssyncadd.s32 $0xFFFFC000  }
0x252: {  	_ =	swait.ge [sflag:s22], $0x80  }
0x253: {  	s23 =	sadd.s32 $0xFFFFFFF9, s5;
	[sflag:s22] =	ssyncset.done $0x0  }
0x254: {  	p2 =	sge.u32 s23, s6;
	s13 =	rddreg [dreg:$0xd];
	[sflag:s22] =	ssyncadd.s32 $0xFFFFFF80  }
0x255: {  	[spmem:s2] =	stream.indirect.scatter.add.f32 [tilespmem:s20], [sflag:$0x5], $0x80, s18, s21, $0xb8;
	[tilespmem:$0x1FC80] =	vst v63  }
0x256: {  	s18 =	simm.s32 @!p2 $0x0;
	s20 =	sadd.s32 @!p2 s9, s13  }
0x257: {  	[tilespmem:s18], [sflag:$0x7] =	stream.linear.gather @!p2 [hbm4b:s20+s18], $0x80, $0x38;
	[tilespmem:$0x1FC80] =	vst v63  }
0x258: {  	s3 =	sadd.s32 @!p4 $0x10, s10;
	s22 =	simm.s32 @!p4 $0x300  }
0x259: {  	[tilespmem:s22], [sflag:$0xD] =	stream.linear.gather @!p4 [hbm4b:s3+s12], $0x80, $0x38;
	[tilespmem:$0x1FC80] =	vst v63  }
0x25a: {  	_ =	swait.ge [sflag:s7], $0x4000  }
0x25b: {  	[sflag:s7] =	ssyncset.done $0x0  }
0x25c: {  	s3 =	simm.s32 @!p3 $0xA;
	[sflag:s7] =	ssyncadd.s32 $0xFFFFC000  }
0x25d: {  	_ =	swait.ge @!p3 [sflag:s3], $0x80  }
0x25e: {  	[sflag:s3] =	ssyncset.done @!p3 $0x0  }
0x25f: {  	s10 =	simm.s32 @!p3 $0x80;
	s13 =	simm.s32 @!p3 $0x4400;
	[sflag:s3] =	ssyncadd.s32 @!p3 $0xFFFFFF80  }
0x260: {  	[tilespmem:s13], [sflag:$0x2] =	stream.indirect.gather @!p3 [hbm4b:s1+s10], $0x80, s15, s10, $0xb8;
	[tilespmem:$0x1FC80] =	vst v63  }
0x261: {  	_ =	swait.ge [sflag:s19], $0x4000  }
0x262: {  	[sflag:s19] =	ssyncset.done $0x0  }
0x263: {  	[sflag:s19] =	ssyncadd.s32 $0xFFFFC000  }
0x264: {  	_ =	swait.ge [sflag:s17], $0x80  }
0x265: {  	s26 =	sadd.s32 $0xFFFFFFFA, s5;
	[sflag:s17] =	ssyncset.done $0x0  }
0x266: {  	p0 =	sge.u32 s26, s6;
	s23 =	rddreg [dreg:$0xc];
	[sflag:s17] =	ssyncadd.s32 $0xFFFFFF80  }
0x267: {  	[spmem:s2] =	stream.indirect.scatter.add.f32 [tilespmem:s25], [sflag:$0x6], $0x80, s24, s21, $0xb8;
	[tilespmem:$0x1FC80] =	vst v63  }
0x268: {  	s12 =	simm.s32 @!p0 $0x80;
	s15 =	simm.s32 @!p0 $0x0;
	s23 =	sadd.s32 @!p0 s9, s23  }
0x269: {  	[tilespmem:s12], [sflag:$0x8] =	stream.linear.gather @!p0 [hbm4b:s23+s15], $0x80, $0x38;
	[tilespmem:$0x1FC80] =	vst v63  }
0x26a: {  	s3 =	sadd.s32 @!p3 $0x10, s16;
	s24 =	simm.s32 @!p3 $0x380  }
0x26b: {  	[tilespmem:s24], [sflag:$0xE] =	stream.linear.gather @!p3 [hbm4b:s3+s0], $0x80, $0x38;
	[tilespmem:$0x1FC80] =	vst v63  }
0x26c: {  	_ =	swait.ge [sflag:s11], $0x4000  }
0x26d: {  	[sflag:s11] =	ssyncset.done $0x0  }
0x26e: {  	s16 =	simm.s32 @!p2 $0x7;
	[sflag:s11] =	ssyncadd.s32 $0xFFFFC000  }
0x26f: {  	_ =	swait.ge @!p2 [sflag:s16], $0x80  }
0x270: {  	s25 =	simm.s32 @!p4 $0x1;
	[sflag:s16] =	ssyncset.done @!p2 $0x0  }
0x271: {  	s0 =	simm.s32 @!p2 $0x8400;
	s3 =	simm.s32 @!p2 $0x80;
	[sflag:s16] =	ssyncadd.s32 @!p2 $0xFFFFFF80  }
0x272: {  	[tilespmem:s0], [sflag:$0x3] =	stream.indirect.gather @!p2 [hbm4b:s1+s3], $0x80, s18, s3, $0xb8;
	[tilespmem:$0x1FC80] =	vst v63  }
0x273: {  	_ =	swait.ge @!p4 [sflag:s25], $0x4000  }
0x274: {  	[sflag:s25] =	ssyncset.done @!p4 $0x0  }
0x275: {  	s16 =	simm.s32 @!p4 $0xD;
	[sflag:s25] =	ssyncadd.s32 @!p4 $0xFFFFC000  }
0x276: {  	_ =	swait.ge @!p4 [sflag:s16], $0x80  }
0x277: {  	s28 =	sadd.s32 $0xFFFFFFFB, s5;
	[sflag:s16] =	ssyncset.done @!p4 $0x0  }
0x278: {  	p1 =	sge.u32 s28, s6;
	s26 =	rddreg [dreg:$0xb];
	[sflag:s16] =	ssyncadd.s32 @!p4 $0xFFFFFF80  }
0x279: {  	[spmem:s2] =	stream.indirect.scatter.add.f32 @!p4 [tilespmem:s14], [sflag:$0x4], $0x80, s22, s8, $0xb8;
	[tilespmem:$0x1FC80] =	vst v63  }
0x27a: {  	s16 =	simm.s32 @!p1 $0x0;
	s22 =	sadd.s32 @!p1 s9, s26;
	s14 =	simm.s32 @!p1 $0x100  }
0x27b: {  	[tilespmem:s14], [sflag:$0x9] =	stream.linear.gather @!p1 [hbm4b:s22+s16], $0x80, $0x38;
	[tilespmem:$0x1FC80] =	vst v63  }
0x27c: {  	s25 =	simm.s32 @!p2 $0x200;
	s8 =	sadd.s32 @!p2 $0x10, s20;
	s20 =	simm.s32 @!p4 $0x4  }
0x27d: {  	[tilespmem:s25], [sflag:$0xB] =	stream.linear.gather @!p2 [hbm4b:s8+s18], $0x80, $0x38;
	[tilespmem:$0x1FC80] =	vst v63  }
0x27e: {  	_ =	swait.ge @!p4 [sflag:s20], $0x4000  }
0x27f: {  	[sflag:s20] =	ssyncset.done @!p4 $0x0  }
0x280: {  	s18 =	simm.s32 @!p0 $0x8;
	[sflag:s20] =	ssyncadd.s32 @!p4 $0xFFFFC000  }
0x281: {  	_ =	swait.ge @!p0 [sflag:s18], $0x80  }
0x282: {  	[sflag:s18] =	ssyncset.done @!p0 $0x0  }
0x283: {  	s8 =	simm.s32 @!p0 $0x400;
	s20 =	simm.s32 @!p3 $0x2;
	[sflag:s18] =	ssyncadd.s32 @!p0 $0xFFFFFF80  }
0x284: {  	[tilespmem:s8], [sflag:$0x1] =	stream.indirect.gather @!p0 [hbm4b:s1+s12], $0x80, s12, s12, $0xb8;
	[tilespmem:$0x1FC80] =	vst v63  }
0x285: {  	_ =	swait.ge @!p3 [sflag:s20], $0x4000  }
0x286: {  	[sflag:s20] =	ssyncset.done @!p3 $0x0  }
0x287: {  	s18 =	simm.s32 @!p3 $0xE;
	[sflag:s20] =	ssyncadd.s32 @!p3 $0xFFFFC000  }
0x288: {  	_ =	swait.ge @!p3 [sflag:s18], $0x80  }
0x289: {  	s29 =	sadd.s32 $0xFFFFFFFC, s5;
	[sflag:s18] =	ssyncset.done @!p3 $0x0  }
0x28a: {  	p4 =	sge.u32 s29, s6;
	s26 =	rddreg [dreg:$0xa];
	[sflag:s18] =	ssyncadd.s32 @!p3 $0xFFFFFF80  }
0x28b: {  	[spmem:s2] =	stream.indirect.scatter.add.f32 @!p3 [tilespmem:s13], [sflag:$0x5], $0x80, s24, s10, $0xb8;
	[tilespmem:$0x1FC80] =	vst v63  }
0x28c: {  	s18 =	simm.s32 @!p4 $0x0;
	s20 =	sadd.s32 @!p4 s9, s26;
	s24 =	simm.s32 @!p4 $0x180  }
0x28d: {  	[tilespmem:s24], [sflag:$0xA] =	stream.linear.gather @!p4 [hbm4b:s20+s18], $0x80, $0x38;
	[tilespmem:$0x1FC80] =	vst v63  }
0x28e: {  	s26 =	simm.s32 @!p0 $0x280;
	s10 =	sadd.s32 @!p0 $0x10, s23;
	s13 =	simm.s32 @!p3 $0x5  }
0x28f: {  	[tilespmem:s26], [sflag:$0xC] =	stream.linear.gather @!p0 [hbm4b:s10+s15], $0x80, $0x38;
	[tilespmem:$0x1FC80] =	vst v63  }
0x290: {  	_ =	swait.ge @!p3 [sflag:s13], $0x4000  }
0x291: {  	[sflag:s13] =	ssyncset.done @!p3 $0x0  }
0x292: {  	s15 =	simm.s32 @!p1 $0x9;
	[sflag:s13] =	ssyncadd.s32 @!p3 $0xFFFFC000  }
0x293: {  	_ =	swait.ge @!p1 [sflag:s15], $0x80  }
0x294: {  	s10 =	simm.s32 @!p1 $0x80;
	[sflag:s15] =	ssyncset.done @!p1 $0x0  }
0x295: {  	s13 =	simm.s32 @!p1 $0x4400;
	[sflag:s15] =	ssyncadd.s32 @!p1 $0xFFFFFF80;
	s15 =	simm.s32 @!p2 $0x3  }
0x296: {  	[tilespmem:s13], [sflag:$0x2] =	stream.indirect.gather @!p1 [hbm4b:s1+s10], $0x80, s14, s10, $0xb8;
	[tilespmem:$0x1FC80] =	vst v63  }
0x297: {  	_ =	swait.ge @!p2 [sflag:s15], $0x4000  }
0x298: {  	[sflag:s15] =	ssyncset.done @!p2 $0x0  }
0x299: {  	s23 =	simm.s32 @!p2 $0xB;
	[sflag:s15] =	ssyncadd.s32 @!p2 $0xFFFFC000  }
0x29a: {  	s30 =	sadd.s32 $0xFFFFFFFD, s5;
	_ =	swait.ge @!p2 [sflag:s23], $0x80  }
0x29b: {  	p3 =	sge.u32 s30, s6;
	[sflag:s23] =	ssyncset.done @!p2 $0x0;
	s14 =	rddreg [dreg:$0x12]  }
0x29c: {  	s14 =	sadd.s32 @!p3 s9, s14;
	[sflag:s23] =	ssyncadd.s32 @!p2 $0xFFFFFF80  }
0x29d: {  	[spmem:s2] =	stream.indirect.scatter.add.f32 @!p2 [tilespmem:s0], [sflag:$0x6], $0x80, s25, s3, $0xb8;
	[tilespmem:$0x1FC80] =	vst v63  }
0x29e: {  	s15 =	simm.s32 @!p3 $0x0;
	s0 =	sadd.s32 @!p3 $0x180, s14  }
0x29f: {  	[tilespmem:s15], [sflag:$0x7] =	stream.linear.gather @!p3 [hbm4b:s0+s15], $0x80, $0x38;
	[tilespmem:$0x1FC80] =	vst v63  }
0x2a0: {  	s3 =	simm.s32 @!p2 $0x6;
	s0 =	sadd.s32 @!p1 $0x10, s22;
	s22 =	simm.s32 @!p1 $0x300  }
0x2a1: {  	[tilespmem:s22], [sflag:$0xD] =	stream.linear.gather @!p1 [hbm4b:s0+s16], $0x80, $0x38;
	[tilespmem:$0x1FC80] =	vst v63  }
0x2a2: {  	_ =	swait.ge @!p2 [sflag:s3], $0x4000  }
0x2a3: {  	[sflag:s3] =	ssyncset.done @!p2 $0x0  }
0x2a4: {  	s16 =	simm.s32 @!p4 $0xA;
	[sflag:s3] =	ssyncadd.s32 @!p2 $0xFFFFC000  }
0x2a5: {  	_ =	swait.ge @!p4 [sflag:s16], $0x80  }
0x2a6: {  	s23 =	simm.s32 @!p0 $0x1;
	[sflag:s16] =	ssyncset.done @!p4 $0x0  }
0x2a7: {  	s0 =	simm.s32 @!p4 $0x80;
	s3 =	simm.s32 @!p4 $0x8400;
	[sflag:s16] =	ssyncadd.s32 @!p4 $0xFFFFFF80  }
0x2a8: {  	[tilespmem:s3], [sflag:$0x3] =	stream.indirect.gather @!p4 [hbm4b:s1+s0], $0x80, s24, s0, $0xb8;
	[tilespmem:$0x1FC80] =	vst v63  }
0x2a9: {  	_ =	swait.ge @!p0 [sflag:s23], $0x4000  }
0x2aa: {  	[sflag:s23] =	ssyncset.done @!p0 $0x0  }
0x2ab: {  	s16 =	simm.s32 @!p0 $0xC;
	[sflag:s23] =	ssyncadd.s32 @!p0 $0xFFFFC000  }
0x2ac: {  	_ =	swait.ge @!p0 [sflag:s16], $0x80  }
0x2ad: {  	s31 =	sadd.s32 $0xFFFFFFFE, s5;
	[sflag:s16] =	ssyncset.done @!p0 $0x0  }
0x2ae: {  	p2 =	sge.u32 s31, s6;
	s24 =	rddreg [dreg:$0x9];
	[sflag:s16] =	ssyncadd.s32 @!p0 $0xFFFFFF80  }
0x2af: {  	[spmem:s2] =	stream.indirect.scatter.add.f32 @!p0 [tilespmem:s8], [sflag:$0x4], $0x80, s26, s12, $0xb8;
	[tilespmem:$0x1FC80] =	vst v63  }
0x2b0: {  	s16 =	simm.s32 @!p2 $0x80;
	s8 =	simm.s32 @!p2 $0x0;
	s12 =	sadd.s32 @!p2 s9, s24  }
0x2b1: {  	[tilespmem:s16], [sflag:$0x8] =	stream.linear.gather @!p2 [hbm4b:s12+s8], $0x80, $0x38;
	[tilespmem:$0x1FC80] =	vst v63  }
0x2b2: {  	s20 =	sadd.s32 @!p4 $0x10, s20;
	s23 =	simm.s32 @!p4 $0x380  }
0x2b3: {  	[tilespmem:s23], [sflag:$0xE] =	stream.linear.gather @!p4 [hbm4b:s20+s18], $0x80, $0x38;
	[tilespmem:$0x1FC80] =	vst v63  }
0x2b4: {  	s18 =	simm.s32 @!p0 $0x4  }
0x2b5: {  	_ =	swait.ge @!p0 [sflag:s18], $0x4000  }
0x2b6: {  	[sflag:s18] =	ssyncset.done @!p0 $0x0  }
0x2b7: {  	s20 =	simm.s32 @!p3 $0x7;
	[sflag:s18] =	ssyncadd.s32 @!p0 $0xFFFFC000  }
0x2b8: {  	_ =	swait.ge @!p3 [sflag:s20], $0x80  }
0x2b9: {  	[sflag:s20] =	ssyncset.done @!p3 $0x0  }
0x2ba: {  	s18 =	simm.s32 @!p3 $0x80;
	[sflag:s20] =	ssyncadd.s32 @!p3 $0xFFFFFF80;
	s20 =	simm.s32 @!p3 $0x400  }
0x2bb: {  	[tilespmem:s20], [sflag:$0x1] =	stream.indirect.gather @!p3 [hbm4b:s1+s18], $0x80, s15, s18, $0xb8;
	[tilespmem:$0x1FC80] =	vst v63  }
0x2bc: {  	s18 =	simm.s32 @!p1 $0x2  }
0x2bd: {  	_ =	swait.ge @!p1 [sflag:s18], $0x4000  }
0x2be: {  	[sflag:s18] =	ssyncset.done @!p1 $0x0  }
0x2bf: {  	[sflag:s18] =	ssyncadd.s32 @!p1 $0xFFFFC000;
	s18 =	simm.s32 @!p1 $0xD  }
0x2c0: {  	_ =	swait.ge @!p1 [sflag:s18], $0x80  }
0x2c1: {  	[sflag:s18] =	ssyncset.done @!p1 $0x0  }
0x2c2: {  	[sflag:s18] =	ssyncadd.s32 @!p1 $0xFFFFFF80  }
0x2c3: {  	[spmem:s2] =	stream.indirect.scatter.add.f32 @!p1 [tilespmem:s13], [sflag:$0x5], $0x80, s22, s10, $0xb8;
	[tilespmem:$0x1FC80] =	vst v63  }
0x2c4: {  	s22 =	sadd.s32 $0xFFFFFFFF, s5  }
0x2c5: {  	s10 =	rddreg [dreg:$0x8];
	p0 =	sge.u32 s22, s6  }
0x2c6: {  	s13 =	simm.s32 @!p0 $0x0;
	s18 =	simm.s32 @!p0 $0x100;
	s10 =	sadd.s32 @!p0 s9, s10  }
0x2c7: {  	[tilespmem:s18], [sflag:$0x9] =	stream.linear.gather @!p0 [hbm4b:s10+s13], $0x80, $0x38;
	[tilespmem:$0x1FC80] =	vst v63  }
0x2c8: {  	s10 =	sadd.s32 @!p3 $0x190, s14;
	s13 =	simm.s32 @!p3 $0x200  }
0x2c9: {  	[tilespmem:s13], [sflag:$0xB] =	stream.linear.gather @!p3 [hbm4b:s10+s15], $0x80, $0x38;
	[tilespmem:$0x1FC80] =	vst v63  }
0x2ca: {  	s10 =	simm.s32 @!p1 $0x5  }
0x2cb: {  	_ =	swait.ge @!p1 [sflag:s10], $0x4000  }
0x2cc: {  	[sflag:s10] =	ssyncset.done @!p1 $0x0  }
0x2cd: {  	[sflag:s10] =	ssyncadd.s32 @!p1 $0xFFFFC000;
	s10 =	simm.s32 @!p2 $0x8  }
0x2ce: {  	_ =	swait.ge @!p2 [sflag:s10], $0x80  }
0x2cf: {  	[sflag:s10] =	ssyncset.done @!p2 $0x0  }
0x2d0: {  	[sflag:s10] =	ssyncadd.s32 @!p2 $0xFFFFFF80;
	s10 =	simm.s32 @!p2 $0x4400  }
0x2d1: {  	[tilespmem:s10], [sflag:$0x2] =	stream.indirect.gather @!p2 [hbm4b:s1+s16], $0x80, s16, s16, $0xb8;
	[tilespmem:$0x1FC80] =	vst v63  }
0x2d2: {  	s10 =	simm.s32 @!p4 $0x3  }
0x2d3: {  	_ =	swait.ge @!p4 [sflag:s10], $0x4000  }
0x2d4: {  	[sflag:s10] =	ssyncset.done @!p4 $0x0  }
0x2d5: {  	[sflag:s10] =	ssyncadd.s32 @!p4 $0xFFFFC000;
	s10 =	simm.s32 @!p4 $0xE  }
0x2d6: {  	_ =	swait.ge @!p4 [sflag:s10], $0x80  }
0x2d7: {  	[sflag:s10] =	ssyncset.done @!p4 $0x0  }
0x2d8: {  	p0 =	sge.u32 s5, s6;
	[sflag:s10] =	ssyncadd.s32 @!p4 $0xFFFFFF80;
	s10 =	rddreg [dreg:$0x7]  }
0x2d9: {  	[spmem:s2] =	stream.indirect.scatter.add.f32 @!p4 [tilespmem:s3], [sflag:$0x6], $0x80, s23, s0, $0xb8;
	[tilespmem:$0x1FC80] =	vst v63  }
0x2da: {  	s5 =	simm.s32 @!p0 $0x180;
	s0 =	simm.s32 @!p0 $0x0;
	s3 =	sadd.s32 @!p0 s9, s10  }
0x2db: {  	[tilespmem:s5], [sflag:$0xA] =	stream.linear.gather @!p0 [hbm4b:s3+s0], $0x80, $0x38;
	[tilespmem:$0x1FC80] =	vst v63  }
0x2dc: {  	s0 =	sadd.s32 @!p2 $0x10, s12;
	s3 =	simm.s32 @!p2 $0x280  }
0x2dd: {  	[tilespmem:s3], [sflag:$0xC] =	stream.linear.gather @!p2 [hbm4b:s0+s8], $0x80, $0x38;
	[tilespmem:$0x1FC80] =	vst v63  }
0x2de: {  	[bflag:$0x0] =	sbarrier.arrive $0xFFFF  }
0x2df: {  	s26 =	sld [smem:$0x7FA]  }
0x2e0: {  	s24 =	rddreg [dreg:$0x14]  }
0x2e1: {  	s28 =	simm.s32 $0x10;
	s25 =	rddreg [dreg:$0x1e];
	s0 =	sor.u32 $0x1C10, s24  }
0x2e2: {  	[hbm:s25], [sflag:s0] =	dma.local [spmem:s26], $0x2700  }
0x2e3: {  	_ =	swait.ge [sflag:s28], $0x2700  }
0x2e4: {  	s29 =	sld [smem:$0x7FD]  }
0x2e5: {  	s5 =	sld [smem:$0x7FB]  }
0x2e6: {  	[sflag:s28] =	ssyncset.done $0x0  }
0x2e7: {  	s3 =	rddreg [dreg:$0x1f];
	[sflag:s28] =	ssyncadd.s32 $0xFFFFD900;
	p1 =	seq.s32 s29, $0x1  }
0x2e8: {  	[hbm:s3], [sflag:s0] =	dma.local @!p1 [spmem:s5], $0x100  }
0x2e9: {  	s0 =	simm.s32 @!p1 $0x10  }
0x2ea: {  	_ =	swait.ge @!p1 [sflag:s0], $0x100  }
0x2eb: {  	s30 =	sld [smem:$0x7F9]  }
0x2ec: {  	s31 =	sld [smem:$0x7FC];
	_ =	sdelay $0x1  }
0x2ed: {  	s5 =	sadd.s32 $0x1, s30  }
0x2ee: {  	p0 =	sne.s32 s5, s31  }
.Ltmp1:
0x2ef: {  	_ = 	snop;
	(pc) =	sbr.rel @p0 .LBB2_1-.Ltmp1, $3  }
0x2f0: {  	_ =	sdelay $0x1  }
0x2f1: {  	[sflag:s0] =	ssyncset.done @!p1 $0x0  }
0x2f2: {  	[sflag:s0] =	ssyncadd.s32 @!p1 $0xFFFFFF00  }
0x2f3: {  	_ =	sfence.sel $0x180000  }
0x2f4: {  	[bflag:$0x0] =	sbarrier.arrive $0xFFFF  }
0x2f5: {  	_ =	strace $0x90000047  }
0x2f6: {  	s0 =	stileid.u32;
	[bflag:$0x2] =	sbarrier.arrive $0xFFFF  }
0x2f7: {  	p0 =	sne.s32 s0, $0x0;
	s0 =	rddreg [dreg:$0x4]  }
0x2f8: {  	s0 =	sadd.s32 @!p0 $0x100000, s0  }
0x2f9: {  	[sflag:s0] =	ssyncadd.tile.s32 @!p0 $0x1;
	_ =	shalt  }
.Lfunc_end2:
_tile_overlayer_lowered:
.L_overlay_start_2:
0x2fa: {  	(tag) =	ssettag $0x2  }
0x2fb: {  	s0 =	rddreg [dreg:$0x0];
	s2 =	stileid.u32  }
0x2fc: {  	s1 =	rddreg [dreg:$0x1];
	p0 =	sne.s32 s2, $0x0  }
0x2fd: {  	s3 =	rddreg [dreg:$0x2];
	[bflag:$0x3] =	sbarrier.arrive $0xFFFF;
	s2 =	simm.s32 @!p0 $0x1C10  }
0x2fe: {  	[timem:s3], [sflag:s2] =	dma.local @!p0 [hbm:s0], s1  }
0x2ff: {  	s0 =	simm.s32 @!p0 $0x10  }
0x300: {  	_ =	swait.ge @!p0 [sflag:s0], s1  }
0x301: {  	s1 =	ssub.s32 @!p0 $0x0, s1;
	[sflag:s0] =	ssyncset.done @!p0 $0x0  }
0x302: {  	[sflag:s0] =	ssyncadd.s32 @!p0 s1  }
0x303: {  	[bflag:$0x3] =	sbarrier.arrive $0xFFFF  }
0x304: {  	_ =	shalt  }

</sc_bundles>
